<compile_context>
chip_gen: v7x
topology: tpu7x:2x2x1
jax: 0.10.2.dev20260603
libtpu: 0.0.44.dev20260713+nightly
codegen_flags: <defaults>
</compile_context>

<pallas_src>
import functools

import jax
import jax.numpy as jnp
from jax import lax
from jax.experimental import pallas as pl
from jax.experimental.pallas import tpu as pltpu
from jax.experimental.pallas import tpu_sc as plsc

NC = 2
NS = 16
L = 16
NW = NC * NS
C = 160
MARGIN = 0.2

_GDN = lax.GatherDimensionNumbers(
    offset_dims=(), collapsed_slice_dims=(0,), start_index_map=(0,))


def _lanesum(v, lane):
  for sh in (8, 4, 2, 1):
    perm = lane ^ sh
    v = v + lax.gather(v, perm[:, None], _GDN, (1,),
                       mode=lax.GatherScatterMode.PROMISE_IN_BOUNDS)
  return v


def _sc_body(n, ch0, ch1, table, ia, ip, inn, out,
             i00, i01, i02, i10, i11, i12,
             r00, r01, r02, r10, r11, r12,
             acc_v, si0, si1, sr0, sr1):
  ib = ((i00, i01, i02), (i10, i11, i12))
  rb = ((r00, r01, r02), (r10, r11, r12))
  sib = (si0, si1)
  srb = (sr0, sr1)
  isrc = (ia, ip, inn)
  c = lax.axis_index("c")
  s = lax.axis_index("s")
  wid = s * NC + c
  ch = jnp.where(c == 0, ch0, ch1)
  wcbase = jnp.where(c == 0, s * ch0, NS * ch0 + s * ch1)
  lane = lax.iota(jnp.int32, 16)
  zero = jnp.zeros((L,), jnp.float32)

  def idx_start(k, b):
    base = (wcbase + k) * C
    for j in range(3):
      pltpu.async_copy(isrc[j].at[pl.ds(base, C)], ib[b][j], sib[b])

  def idx_wait(b):
    for j in range(3):
      pltpu.make_async_copy(isrc[j].at[pl.ds(0, C)], ib[b][j], sib[b]).wait()

  def g_start(b):
    for j in range(3):
      pltpu.async_copy(table.at[ib[b][j]], rb[b][j], srb[b])

  def g_wait(b):
    for j in range(3):
      pltpu.make_async_copy(table.at[ib[b][j]], rb[b][j], srb[b]).wait()

  def compute(k, b, total):
    base = (wcbase + k) * C
    ra, rp, rn = rb[b]
    d = table.shape[1]

    def tbody(t, acc):
      dap = zero
      dan = zero
      for kk in range(d // L):
        av = ra[t, pl.ds(kk * L, L)]
        pv = rp[t, pl.ds(kk * L, L)]
        nv = rn[t, pl.ds(kk * L, L)]
        dp = av - pv
        dn = av - nv
        dap = dap + dp * dp
        dan = dan + dn * dn
      r = dap - dan
      r = jnp.where(base + t < n, r, -1e30)
      s2 = _lanesum(r, lane)
      ls = jnp.maximum(s2 + MARGIN, 0.0)
      return acc + ls

    return lax.fori_loop(0, C, tbody, total, unroll=2)

  idx_start(0, 0)
  idx_start(1, 1)
  idx_wait(0)
  g_start(0)

  def outer(k2, total):
    for b in range(2):
      k = 2 * k2 + b
      nb = 1 - b
      g_wait(b)

      @pl.when(k + 2 < ch)
      def _():
        idx_start(k + 2, b)

      @pl.when(k + 1 < ch)
      def _():
        idx_wait(nb)
        g_start(nb)

      total = compute(k, b, total)
    return total

  total = lax.fori_loop(0, ch // 2, outer, zero)
  acc_v[...] = total
  pltpu.sync_copy(acc_v, out.at[pl.ds(wid * L, L)])


def _reduce_body(n, x_ref, o_ref):
  o_ref[...] = (jnp.sum(x_ref[...]) / (L * n)).reshape(1, 1)


def kernel(fg_embed, triplet_index):
  n = triplet_index.shape[1]
  d = fg_embed.shape[1]
  ch = -(-n // (NW * C))
  ch = ch + (ch % 2)
  ch1 = (int(2 * ch * 0.34) // 2) * 2
  ch0 = 2 * ch - ch1
  npad = NS * (ch0 + ch1) * C

  idx = triplet_index.astype(jnp.int32)
  if npad > n:
    idx = jnp.pad(idx, ((0, 0), (0, npad - n)))

  mesh = plsc.VectorSubcoreMesh(core_axis_name="c", subcore_axis_name="s",
                                num_cores=NC, num_subcores=NS)
  sc_call = pl.kernel(
      functools.partial(_sc_body, n, ch0, ch1),
      out_type=jax.ShapeDtypeStruct((NW * L,), jnp.float32),
      mesh=mesh,
      scratch_types=(
          [pltpu.VMEM((C,), jnp.int32)] * 6
          + [pltpu.VMEM((C, d), jnp.float32)] * 6
          + [pltpu.VMEM((L,), jnp.float32)]
          + [pltpu.SemaphoreType.DMA] * 4
      ),
  )
  partials = sc_call(fg_embed, idx[0], idx[1], idx[2])

  loss = pl.pallas_call(
      functools.partial(_reduce_body, n),
      out_shape=jax.ShapeDtypeStruct((1, 1), jnp.float32),
  )(partials.reshape(4, NW * L // 4))
  return loss[0, 0]

# --- scband reference (transcript-rebuilt; emitter-appended) ---
"""Pipeline reference for scband-triplet-loss-83296595739464 (READ-ONLY COPY).

The authoritative reference and input builder live on the scoring server;
editing this copy changes nothing except your own understanding.
"""

import jax, jax.numpy as jnp
import numpy as np


def setup_inputs(seed: int = 0) -> dict:
    key = jax.random.key(seed)
    k1, k2 = jax.random.split(key)
    fg_embed = jax.random.normal(k1, (100000, 128), dtype=jnp.float32)
    triplet_index = jax.random.randint(k2, (3, 500000), 0, 100000, dtype=jnp.int64 if jax.config.jax_enable_x64 else jnp.int32)
    return {"fg_embed": fg_embed, "triplet_index": triplet_index}


def reference(fg_embed, triplet_index):
    margin = 0.2
    anchor_idx = triplet_index[0]
    pos_idx = triplet_index[1]
    neg_idx = triplet_index[2]
    anchor_feat = jnp.take(fg_embed, anchor_idx, axis=0)
    pos_feat = jnp.take(fg_embed, pos_idx, axis=0)
    neg_feat = jnp.take(fg_embed, neg_idx, axis=0)
    d_anchor_positive = jnp.sum((anchor_feat - pos_feat) ** 2, axis=1)
    d_anchor_negative = jnp.sum((anchor_feat - neg_feat) ** 2, axis=1)
    loss = jnp.mean(jax.nn.relu(d_anchor_positive - d_anchor_negative + margin))
    return loss

if __name__ == "__main__":
    import jax
    _d = setup_inputs()
    print(jax.jit(kernel)(*tuple(_d.values())))

</pallas_src>

<mosaic_0001>
#map = affine_map<(d0, d1) -> (0, 0)>
#map1 = affine_map<(d0, d1) -> (0)>
module attributes {stable_mosaic.version = 14 : i64} {
  func.func @_sc_body(%arg0: i32, %arg1: i32, %arg2: memref<100000x128xf32, #tpu.memory_space<hbm>>, %arg3: memref<501760xi32, #tpu.memory_space<hbm>>, %arg4: memref<501760xi32, #tpu.memory_space<hbm>>, %arg5: memref<501760xi32, #tpu.memory_space<hbm>>, %arg6: memref<512xf32, #tpu.memory_space<hbm>>, %arg7: memref<160xi32, #tpu.memory_space<vmem>>, %arg8: memref<160xi32, #tpu.memory_space<vmem>>, %arg9: memref<160xi32, #tpu.memory_space<vmem>>, %arg10: memref<160xi32, #tpu.memory_space<vmem>>, %arg11: memref<160xi32, #tpu.memory_space<vmem>>, %arg12: memref<160xi32, #tpu.memory_space<vmem>>, %arg13: memref<160x128xf32, #tpu.memory_space<vmem>>, %arg14: memref<160x128xf32, #tpu.memory_space<vmem>>, %arg15: memref<160x128xf32, #tpu.memory_space<vmem>>, %arg16: memref<160x128xf32, #tpu.memory_space<vmem>>, %arg17: memref<160x128xf32, #tpu.memory_space<vmem>>, %arg18: memref<160x128xf32, #tpu.memory_space<vmem>>, %arg19: memref<16xf32, #tpu.memory_space<vmem>>, %arg20: memref<!tpu.dma_semaphore, #tpu.memory_space<semaphore_mem>>, %arg21: memref<!tpu.dma_semaphore, #tpu.memory_space<semaphore_mem>>, %arg22: memref<!tpu.dma_semaphore, #tpu.memory_space<semaphore_mem>>, %arg23: memref<!tpu.dma_semaphore, #tpu.memory_space<semaphore_mem>>) attributes {dimension_semantics = [#tpu.dimension_semantics<core_parallel>, #tpu.dimension_semantics<subcore_parallel>], iteration_bounds = array<i64: 2, 16>, scalar_prefetch = 0 : i64, scratch_operands = 17 : i64, tpu.core_type = #tpu.core_type<sc_vector_subcore>, window_params = [{transform_indices = #map}, {transform_indices = #map1}, {transform_indices = #map1}, {transform_indices = #map1}, {transform_indices = #map1}]} {
    %mul3A = arith.constant 2 : i32
    %mul3A_0 = arith.muli %arg1, %mul3A : i32
    %add3A = arith.addi %mul3A_0, %arg0 : i32
    %eq3A = arith.constant 0 : i32
    %eq3A_1 = arith.cmpi eq, %arg0, %eq3A : i32
    %jit3A = arith.constant 130 : i32
    %jit3A_2 = arith.constant 66 : i32
    %select_n3A = arith.select %eq3A_1, %jit3A, %jit3A_2 : i32
    %eq3A_3 = arith.constant 0 : i32
    %eq3A_4 = arith.cmpi eq, %arg0, %eq3A_3 : i32
    %mul3A_5 = arith.constant 130 : i32
    %mul3A_6 = arith.muli %arg1, %mul3A_5 : i32
    %mul3A_7 = arith.constant 66 : i32
    %mul3A_8 = arith.muli %arg1, %mul3A_7 : i32
    %add3A_9 = arith.constant 2080 : i32
    %add3A_10 = arith.addi %add3A_9, %mul3A_8 : i32
    %select_n3A_11 = arith.select %eq3A_4, %mul3A_6, %add3A_10 : i32
    %iota3A = tpu.iota {dimensions = array<i32: 0>} : vector<16xi32>
    %broadcast_in_dim3A = arith.constant 0.000000e+00 : f32
    %broadcast_in_dim3A_12 = vector.broadcast %broadcast_in_dim3A : f32 to vector<16xf32>
    %add3A_13 = arith.constant 0 : i32
    %add3A_14 = arith.addi %select_n3A_11, %add3A_13 : i32
    %mul3A_15 = arith.constant 160 : i32
    %mul3A_16 = arith.muli %add3A_14, %mul3A_15 : i32
    %dma_start3A = tpu.memref_slice %arg3[%mul3A_16] : memref<501760xi32, #tpu.memory_space<hbm>> -> memref<160xi32, #tpu.memory_space<hbm>>
    %dma_start3A_17 = tpu.memref_slice %arg3[%mul3A_16] : memref<501760xi32, #tpu.memory_space<hbm>> -> memref<160xi32, #tpu.memory_space<hbm>>
    tpu.enqueue_dma source(%dma_start3A_17 : memref<160xi32, #tpu.memory_space<hbm>>) target(%arg7 : memref<160xi32, #tpu.memory_space<vmem>>) target_semaphore(%arg20 : memref<!tpu.dma_semaphore, #tpu.memory_space<semaphore_mem>>)
    %dma_start3A_18 = tpu.memref_slice %arg4[%mul3A_16] : memref<501760xi32, #tpu.memory_space<hbm>> -> memref<160xi32, #tpu.memory_space<hbm>>
    %dma_start3A_19 = tpu.memref_slice %arg4[%mul3A_16] : memref<501760xi32, #tpu.memory_space<hbm>> -> memref<160xi32, #tpu.memory_space<hbm>>
    tpu.enqueue_dma source(%dma_start3A_19 : memref<160xi32, #tpu.memory_space<hbm>>) target(%arg8 : memref<160xi32, #tpu.memory_space<vmem>>) target_semaphore(%arg20 : memref<!tpu.dma_semaphore, #tpu.memory_space<semaphore_mem>>)
    %dma_start3A_20 = tpu.memref_slice %arg5[%mul3A_16] : memref<501760xi32, #tpu.memory_space<hbm>> -> memref<160xi32, #tpu.memory_space<hbm>>
    %dma_start3A_21 = tpu.memref_slice %arg5[%mul3A_16] : memref<501760xi32, #tpu.memory_space<hbm>> -> memref<160xi32, #tpu.memory_space<hbm>>
    tpu.enqueue_dma source(%dma_start3A_21 : memref<160xi32, #tpu.memory_space<hbm>>) target(%arg9 : memref<160xi32, #tpu.memory_space<vmem>>) target_semaphore(%arg20 : memref<!tpu.dma_semaphore, #tpu.memory_space<semaphore_mem>>)
    %add3A_22 = arith.constant 1 : i32
    %add3A_23 = arith.addi %select_n3A_11, %add3A_22 : i32
    %mul3A_24 = arith.constant 160 : i32
    %mul3A_25 = arith.muli %add3A_23, %mul3A_24 : i32
    %dma_start3A_26 = tpu.memref_slice %arg3[%mul3A_25] : memref<501760xi32, #tpu.memory_space<hbm>> -> memref<160xi32, #tpu.memory_space<hbm>>
    %dma_start3A_27 = tpu.memref_slice %arg3[%mul3A_25] : memref<501760xi32, #tpu.memory_space<hbm>> -> memref<160xi32, #tpu.memory_space<hbm>>
    tpu.enqueue_dma source(%dma_start3A_27 : memref<160xi32, #tpu.memory_space<hbm>>) target(%arg10 : memref<160xi32, #tpu.memory_space<vmem>>) target_semaphore(%arg21 : memref<!tpu.dma_semaphore, #tpu.memory_space<semaphore_mem>>)
    %dma_start3A_28 = tpu.memref_slice %arg4[%mul3A_25] : memref<501760xi32, #tpu.memory_space<hbm>> -> memref<160xi32, #tpu.memory_space<hbm>>
    %dma_start3A_29 = tpu.memref_slice %arg4[%mul3A_25] : memref<501760xi32, #tpu.memory_space<hbm>> -> memref<160xi32, #tpu.memory_space<hbm>>
    tpu.enqueue_dma source(%dma_start3A_29 : memref<160xi32, #tpu.memory_space<hbm>>) target(%arg11 : memref<160xi32, #tpu.memory_space<vmem>>) target_semaphore(%arg21 : memref<!tpu.dma_semaphore, #tpu.memory_space<semaphore_mem>>)
    %dma_start3A_30 = tpu.memref_slice %arg5[%mul3A_25] : memref<501760xi32, #tpu.memory_space<hbm>> -> memref<160xi32, #tpu.memory_space<hbm>>
    %dma_start3A_31 = tpu.memref_slice %arg5[%mul3A_25] : memref<501760xi32, #tpu.memory_space<hbm>> -> memref<160xi32, #tpu.memory_space<hbm>>
    tpu.enqueue_dma source(%dma_start3A_31 : memref<160xi32, #tpu.memory_space<hbm>>) target(%arg12 : memref<160xi32, #tpu.memory_space<vmem>>) target_semaphore(%arg21 : memref<!tpu.dma_semaphore, #tpu.memory_space<semaphore_mem>>)
    %dma_wait3A = arith.constant 0 : i32
    %dma_wait3A_32 = tpu.memref_slice %arg3[%dma_wait3A] : memref<501760xi32, #tpu.memory_space<hbm>> -> memref<160xi32, #tpu.memory_space<hbm>>
    %dma_wait3A_33 = arith.constant 0 : i32
    %dma_wait3A_34 = tpu.memref_slice %arg3[%dma_wait3A_33] : memref<501760xi32, #tpu.memory_space<hbm>> -> memref<160xi32, #tpu.memory_space<hbm>>
    tpu.wait_dma2 semaphore(%arg20 : memref<!tpu.dma_semaphore, #tpu.memory_space<semaphore_mem>>) src(%dma_wait3A_34 : memref<160xi32, #tpu.memory_space<hbm>>) dst(%arg7 : memref<160xi32, #tpu.memory_space<vmem>>)
    %dma_wait3A_35 = arith.constant 0 : i32
    %dma_wait3A_36 = tpu.memref_slice %arg4[%dma_wait3A_35] : memref<501760xi32, #tpu.memory_space<hbm>> -> memref<160xi32, #tpu.memory_space<hbm>>
    %dma_wait3A_37 = arith.constant 0 : i32
    %dma_wait3A_38 = tpu.memref_slice %arg4[%dma_wait3A_37] : memref<501760xi32, #tpu.memory_space<hbm>> -> memref<160xi32, #tpu.memory_space<hbm>>
    tpu.wait_dma2 semaphore(%arg20 : memref<!tpu.dma_semaphore, #tpu.memory_space<semaphore_mem>>) src(%dma_wait3A_38 : memref<160xi32, #tpu.memory_space<hbm>>) dst(%arg8 : memref<160xi32, #tpu.memory_space<vmem>>)
    %dma_wait3A_39 = arith.constant 0 : i32
    %dma_wait3A_40 = tpu.memref_slice %arg5[%dma_wait3A_39] : memref<501760xi32, #tpu.memory_space<hbm>> -> memref<160xi32, #tpu.memory_space<hbm>>
    %dma_wait3A_41 = arith.constant 0 : i32
    %dma_wait3A_42 = tpu.memref_slice %arg5[%dma_wait3A_41] : memref<501760xi32, #tpu.memory_space<hbm>> -> memref<160xi32, #tpu.memory_space<hbm>>
    tpu.wait_dma2 semaphore(%arg20 : memref<!tpu.dma_semaphore, #tpu.memory_space<semaphore_mem>>) src(%dma_wait3A_42 : memref<160xi32, #tpu.memory_space<hbm>>) dst(%arg9 : memref<160xi32, #tpu.memory_space<vmem>>)
    %dma_start3A_43 = arith.constant 0 : i32
    %dma_start3A_44 = arith.constant 0 : i32
    %dma_start3A_45 = tpu.memref_slice %arg2[%dma_start3A_43, %dma_start3A_44] : memref<100000x128xf32, #tpu.memory_space<hbm>> -> memref<100000x128xf32, #tpu.memory_space<hbm>>
    tpu.enqueue_indirect_dma source(%dma_start3A_45 : memref<100000x128xf32, #tpu.memory_space<hbm>>) target(%arg13 : memref<160x128xf32, #tpu.memory_space<vmem>>) offsets(%arg7 : memref<160xi32, #tpu.memory_space<vmem>>) semaphore(%arg22 : memref<!tpu.dma_semaphore, #tpu.memory_space<semaphore_mem>>)
    %dma_start3A_46 = arith.constant 0 : i32
    %dma_start3A_47 = arith.constant 0 : i32
    %dma_start3A_48 = tpu.memref_slice %arg2[%dma_start3A_46, %dma_start3A_47] : memref<100000x128xf32, #tpu.memory_space<hbm>> -> memref<100000x128xf32, #tpu.memory_space<hbm>>
    tpu.enqueue_indirect_dma source(%dma_start3A_48 : memref<100000x128xf32, #tpu.memory_space<hbm>>) target(%arg14 : memref<160x128xf32, #tpu.memory_space<vmem>>) offsets(%arg8 : memref<160xi32, #tpu.memory_space<vmem>>) semaphore(%arg22 : memref<!tpu.dma_semaphore, #tpu.memory_space<semaphore_mem>>)
    %dma_start3A_49 = arith.constant 0 : i32
    %dma_start3A_50 = arith.constant 0 : i32
    %dma_start3A_51 = tpu.memref_slice %arg2[%dma_start3A_49, %dma_start3A_50] : memref<100000x128xf32, #tpu.memory_space<hbm>> -> memref<100000x128xf32, #tpu.memory_space<hbm>>
    tpu.enqueue_indirect_dma source(%dma_start3A_51 : memref<100000x128xf32, #tpu.memory_space<hbm>>) target(%arg15 : memref<160x128xf32, #tpu.memory_space<vmem>>) offsets(%arg9 : memref<160xi32, #tpu.memory_space<vmem>>) semaphore(%arg22 : memref<!tpu.dma_semaphore, #tpu.memory_space<semaphore_mem>>)
    %jit3A_52 = arith.constant 2 : i32
    %div3A = arith.divsi %select_n3A, %jit3A_52 : i32
    %sign3A = arith.constant 0 : i32
    %sign3A_53 = arith.cmpi sgt, %select_n3A, %sign3A : i32
    %sign3A_54 = arith.extui %sign3A_53 : i1 to i32
    %sign3A_55 = arith.constant 0 : i32
    %sign3A_56 = arith.cmpi slt, %select_n3A, %sign3A_55 : i32
    %sign3A_57 = arith.extui %sign3A_56 : i1 to i32
    %sign3A_58 = arith.subi %sign3A_54, %sign3A_57 : i32
    %sign3A_59 = arith.constant 0 : i32
    %sign3A_60 = arith.cmpi sgt, %jit3A_52, %sign3A_59 : i32
    %sign3A_61 = arith.extui %sign3A_60 : i1 to i32
    %sign3A_62 = arith.constant 0 : i32
    %sign3A_63 = arith.cmpi slt, %jit3A_52, %sign3A_62 : i32
    %sign3A_64 = arith.extui %sign3A_63 : i1 to i32
    %sign3A_65 = arith.subi %sign3A_61, %sign3A_64 : i32
    %ne3A = arith.cmpi ne, %sign3A_58, %sign3A_65 : i32
    %rem3A = arith.remsi %select_n3A, %jit3A_52 : i32
    %ne3A_66 = arith.constant 0 : i32
    %ne3A_67 = arith.cmpi ne, %rem3A, %ne3A_66 : i32
    %and3A = arith.andi %ne3A, %ne3A_67 : i1
    %sub3A = arith.constant 1 : i32
    %sub3A_68 = arith.subi %div3A, %sub3A : i32
    %select_n3A_69 = arith.select %and3A, %sub3A_68, %div3A : i32
    %while3A = arith.constant 0 : i32
    %while3A_70 = arith.subi %select_n3A_69, %while3A : i32
    %while3A_71 = arith.addi %while3A, %while3A_70 : i32
    %while3A_72 = arith.constant 1 : i32
    %while3A_73 = arith.divsi %while3A_70, %while3A_72 : i32
    %while3A_74 = arith.muli %while3A_73, %while3A_72 : i32
    %while3A_75 = arith.addi %while3A, %while3A_74 : i32
    %while3A_76 = arith.constant 1 : i32
    %while3A_77 = scf.for %while3A_85 = %while3A to %while3A_75 step %while3A_76 iter_args(%while3A_86 = %broadcast_in_dim3A_12) -> (vector<16xf32>)  : i32 {
      %mul3A_87 = arith.constant 2 : i32
      %mul3A_88 = arith.muli %mul3A_87, %while3A_85 : i32
      %add3A_89 = arith.constant 0 : i32
      %add3A_90 = arith.addi %mul3A_88, %add3A_89 : i32
      %dma_wait3A_91 = arith.constant 0 : i32
      %dma_wait3A_92 = arith.constant 0 : i32
      %dma_wait3A_93 = tpu.memref_slice %arg2[%dma_wait3A_91, %dma_wait3A_92] : memref<100000x128xf32, #tpu.memory_space<hbm>> -> memref<100000x128xf32, #tpu.memory_space<hbm>>
      tpu.wait_indirect_dma semaphore(%arg22 : memref<!tpu.dma_semaphore, #tpu.memory_space<semaphore_mem>>) src(%dma_wait3A_93 : memref<100000x128xf32, #tpu.memory_space<hbm>>) dst(%arg13 : memref<160x128xf32, #tpu.memory_space<vmem>>)
      %dma_wait3A_94 = arith.constant 0 : i32
      %dma_wait3A_95 = arith.constant 0 : i32
      %dma_wait3A_96 = tpu.memref_slice %arg2[%dma_wait3A_94, %dma_wait3A_95] : memref<100000x128xf32, #tpu.memory_space<hbm>> -> memref<100000x128xf32, #tpu.memory_space<hbm>>
      tpu.wait_indirect_dma semaphore(%arg22 : memref<!tpu.dma_semaphore, #tpu.memory_space<semaphore_mem>>) src(%dma_wait3A_96 : memref<100000x128xf32, #tpu.memory_space<hbm>>) dst(%arg14 : memref<160x128xf32, #tpu.memory_space<vmem>>)
      %dma_wait3A_97 = arith.constant 0 : i32
      %dma_wait3A_98 = arith.constant 0 : i32
      %dma_wait3A_99 = tpu.memref_slice %arg2[%dma_wait3A_97, %dma_wait3A_98] : memref<100000x128xf32, #tpu.memory_space<hbm>> -> memref<100000x128xf32, #tpu.memory_space<hbm>>
      tpu.wait_indirect_dma semaphore(%arg22 : memref<!tpu.dma_semaphore, #tpu.memory_space<semaphore_mem>>) src(%dma_wait3A_99 : memref<100000x128xf32, #tpu.memory_space<hbm>>) dst(%arg15 : memref<160x128xf32, #tpu.memory_space<vmem>>)
      %add3A_100 = arith.constant 2 : i32
      %add3A_101 = arith.addi %add3A_90, %add3A_100 : i32
      %lt3A = arith.cmpi slt, %add3A_101, %select_n3A : i32
      %convert_element_type3A = arith.extui %lt3A : i1 to i32
      %cond3A = arith.constant 0 : i32
      %cond3A_102 = arith.cmpi ne, %convert_element_type3A, %cond3A : i32
      scf.if %cond3A_102 {
        %add3A_151 = arith.constant 2 : i32
        %add3A_152 = arith.addi %add3A_90, %add3A_151 : i32
        %add3A_153 = arith.addi %select_n3A_11, %add3A_152 : i32
        %mul3A_154 = arith.constant 160 : i32
        %mul3A_155 = arith.muli %add3A_153, %mul3A_154 : i32
        %dma_start3A_156 = tpu.memref_slice %arg3[%mul3A_155] : memref<501760xi32, #tpu.memory_space<hbm>> -> memref<160xi32, #tpu.memory_space<hbm>>
        %dma_start3A_157 = tpu.memref_slice %arg3[%mul3A_155] : memref<501760xi32, #tpu.memory_space<hbm>> -> memref<160xi32, #tpu.memory_space<hbm>>
        tpu.enqueue_dma source(%dma_start3A_157 : memref<160xi32, #tpu.memory_space<hbm>>) target(%arg7 : memref<160xi32, #tpu.memory_space<vmem>>) target_semaphore(%arg20 : memref<!tpu.dma_semaphore, #tpu.memory_space<semaphore_mem>>)
        %dma_start3A_158 = tpu.memref_slice %arg4[%mul3A_155] : memref<501760xi32, #tpu.memory_space<hbm>> -> memref<160xi32, #tpu.memory_space<hbm>>
        %dma_start3A_159 = tpu.memref_slice %arg4[%mul3A_155] : memref<501760xi32, #tpu.memory_space<hbm>> -> memref<160xi32, #tpu.memory_space<hbm>>
        tpu.enqueue_dma source(%dma_start3A_159 : memref<160xi32, #tpu.memory_space<hbm>>) target(%arg8 : memref<160xi32, #tpu.memory_space<vmem>>) target_semaphore(%arg20 : memref<!tpu.dma_semaphore, #tpu.memory_space<semaphore_mem>>)
        %dma_start3A_160 = tpu.memref_slice %arg5[%mul3A_155] : memref<501760xi32, #tpu.memory_space<hbm>> -> memref<160xi32, #tpu.memory_space<hbm>>
        %dma_start3A_161 = tpu.memref_slice %arg5[%mul3A_155] : memref<501760xi32, #tpu.memory_space<hbm>> -> memref<160xi32, #tpu.memory_space<hbm>>
        tpu.enqueue_dma source(%dma_start3A_161 : memref<160xi32, #tpu.memory_space<hbm>>) target(%arg9 : memref<160xi32, #tpu.memory_space<vmem>>) target_semaphore(%arg20 : memref<!tpu.dma_semaphore, #tpu.memory_space<semaphore_mem>>)
      } else {
      }
      %add3A_103 = arith.constant 1 : i32
      %add3A_104 = arith.addi %add3A_90, %add3A_103 : i32
      %lt3A_105 = arith.cmpi slt, %add3A_104, %select_n3A : i32
      %convert_element_type3A_106 = arith.extui %lt3A_105 : i1 to i32
      %cond3A_107 = arith.constant 0 : i32
      %cond3A_108 = arith.cmpi ne, %convert_element_type3A_106, %cond3A_107 : i32
      scf.if %cond3A_108 {
        %dma_wait3A_151 = arith.constant 0 : i32
        %dma_wait3A_152 = tpu.memref_slice %arg3[%dma_wait3A_151] : memref<501760xi32, #tpu.memory_space<hbm>> -> memref<160xi32, #tpu.memory_space<hbm>>
        %dma_wait3A_153 = arith.constant 0 : i32
        %dma_wait3A_154 = tpu.memref_slice %arg3[%dma_wait3A_153] : memref<501760xi32, #tpu.memory_space<hbm>> -> memref<160xi32, #tpu.memory_space<hbm>>
        tpu.wait_dma2 semaphore(%arg21 : memref<!tpu.dma_semaphore, #tpu.memory_space<semaphore_mem>>) src(%dma_wait3A_154 : memref<160xi32, #tpu.memory_space<hbm>>) dst(%arg10 : memref<160xi32, #tpu.memory_space<vmem>>)
        %dma_wait3A_155 = arith.constant 0 : i32
        %dma_wait3A_156 = tpu.memref_slice %arg4[%dma_wait3A_155] : memref<501760xi32, #tpu.memory_space<hbm>> -> memref<160xi32, #tpu.memory_space<hbm>>
        %dma_wait3A_157 = arith.constant 0 : i32
        %dma_wait3A_158 = tpu.memref_slice %arg4[%dma_wait3A_157] : memref<501760xi32, #tpu.memory_space<hbm>> -> memref<160xi32, #tpu.memory_space<hbm>>
        tpu.wait_dma2 semaphore(%arg21 : memref<!tpu.dma_semaphore, #tpu.memory_space<semaphore_mem>>) src(%dma_wait3A_158 : memref<160xi32, #tpu.memory_space<hbm>>) dst(%arg11 : memref<160xi32, #tpu.memory_space<vmem>>)
        %dma_wait3A_159 = arith.constant 0 : i32
        %dma_wait3A_160 = tpu.memref_slice %arg5[%dma_wait3A_159] : memref<501760xi32, #tpu.memory_space<hbm>> -> memref<160xi32, #tpu.memory_space<hbm>>
        %dma_wait3A_161 = arith.constant 0 : i32
        %dma_wait3A_162 = tpu.memref_slice %arg5[%dma_wait3A_161] : memref<501760xi32, #tpu.memory_space<hbm>> -> memref<160xi32, #tpu.memory_space<hbm>>
        tpu.wait_dma2 semaphore(%arg21 : memref<!tpu.dma_semaphore, #tpu.memory_space<semaphore_mem>>) src(%dma_wait3A_162 : memref<160xi32, #tpu.memory_space<hbm>>) dst(%arg12 : memref<160xi32, #tpu.memory_space<vmem>>)
        %dma_start3A_163 = arith.constant 0 : i32
        %dma_start3A_164 = arith.constant 0 : i32
        %dma_start3A_165 = tpu.memref_slice %arg2[%dma_start3A_163, %dma_start3A_164] : memref<100000x128xf32, #tpu.memory_space<hbm>> -> memref<100000x128xf32, #tpu.memory_space<hbm>>
        tpu.enqueue_indirect_dma source(%dma_start3A_165 : memref<100000x128xf32, #tpu.memory_space<hbm>>) target(%arg16 : memref<160x128xf32, #tpu.memory_space<vmem>>) offsets(%arg10 : memref<160xi32, #tpu.memory_space<vmem>>) semaphore(%arg23 : memref<!tpu.dma_semaphore, #tpu.memory_space<semaphore_mem>>)
        %dma_start3A_166 = arith.constant 0 : i32
        %dma_start3A_167 = arith.constant 0 : i32
        %dma_start3A_168 = tpu.memref_slice %arg2[%dma_start3A_166, %dma_start3A_167] : memref<100000x128xf32, #tpu.memory_space<hbm>> -> memref<100000x128xf32, #tpu.memory_space<hbm>>
        tpu.enqueue_indirect_dma source(%dma_start3A_168 : memref<100000x128xf32, #tpu.memory_space<hbm>>) target(%arg17 : memref<160x128xf32, #tpu.memory_space<vmem>>) offsets(%arg11 : memref<160xi32, #tpu.memory_space<vmem>>) semaphore(%arg23 : memref<!tpu.dma_semaphore, #tpu.memory_space<semaphore_mem>>)
        %dma_start3A_169 = arith.constant 0 : i32
        %dma_start3A_170 = arith.constant 0 : i32
        %dma_start3A_171 = tpu.memref_slice %arg2[%dma_start3A_169, %dma_start3A_170] : memref<100000x128xf32, #tpu.memory_space<hbm>> -> memref<100000x128xf32, #tpu.memory_space<hbm>>
        tpu.enqueue_indirect_dma source(%dma_start3A_171 : memref<100000x128xf32, #tpu.memory_space<hbm>>) target(%arg18 : memref<160x128xf32, #tpu.memory_space<vmem>>) offsets(%arg12 : memref<160xi32, #tpu.memory_space<vmem>>) semaphore(%arg23 : memref<!tpu.dma_semaphore, #tpu.memory_space<semaphore_mem>>)
      } else {
      }
      %add3A_109 = arith.addi %select_n3A_11, %add3A_90 : i32
      %mul3A_110 = arith.constant 160 : i32
      %mul3A_111 = arith.muli %add3A_109, %mul3A_110 : i32
      %scan3A = arith.constant 0 : i32
      %scan3A_112 = arith.constant 160 : i32
      %scan3A_113 = arith.addi %scan3A, %scan3A_112 : i32
      %scan3A_114 = arith.constant 2 : i32
      %scan3A_115 = scf.for %scan3A_151 = %scan3A to %scan3A_113 step %scan3A_114 iter_args(%scan3A_152 = %while3A_86) -> (vector<16xf32>)  : i32 {
        %get3A = arith.index_cast %scan3A_151 : i32 to index
        %get3A_153 = arith.constant 0 : index
        %get3A_154 = tpu.vector_load %arg13[%get3A, %get3A_153] {strides = array<i32>} : memref<160x128xf32, #tpu.memory_space<vmem>>, vector<1x16xf32>,
        %get3A_155 = vector.shape_cast %get3A_154 : vector<1x16xf32> to vector<16xf32>
        %get3A_156 = arith.index_cast %scan3A_151 : i32 to index
        %get3A_157 = arith.constant 0 : index
        %get3A_158 = tpu.vector_load %arg14[%get3A_156, %get3A_157] {strides = array<i32>} : memref<160x128xf32, #tpu.memory_space<vmem>>, vector<1x16xf32>,
        %get3A_159 = vector.shape_cast %get3A_158 : vector<1x16xf32> to vector<16xf32>
        %get3A_160 = arith.index_cast %scan3A_151 : i32 to index
        %get3A_161 = arith.constant 0 : index
        %get3A_162 = tpu.vector_load %arg15[%get3A_160, %get3A_161] {strides = array<i32>} : memref<160x128xf32, #tpu.memory_space<vmem>>, vector<1x16xf32>,
        %get3A_163 = vector.shape_cast %get3A_162 : vector<1x16xf32> to vector<16xf32>
        %sub3A_164 = arith.subf %get3A_155, %get3A_159 : vector<16xf32>
        %sub3A_165 = arith.subf %get3A_155, %get3A_163 : vector<16xf32>
        %mul3A_166 = arith.mulf %sub3A_164, %sub3A_164 : vector<16xf32>
        %add3A_167 = arith.addf %broadcast_in_dim3A_12, %mul3A_166 : vector<16xf32>
        %mul3A_168 = arith.mulf %sub3A_165, %sub3A_165 : vector<16xf32>
        %add3A_169 = arith.addf %broadcast_in_dim3A_12, %mul3A_168 : vector<16xf32>
        %get3A_170 = arith.index_cast %scan3A_151 : i32 to index
        %get3A_171 = arith.constant 16 : index
        %get3A_172 = tpu.vector_load %arg13[%get3A_170, %get3A_171] {strides = array<i32>} : memref<160x128xf32, #tpu.memory_space<vmem>>, vector<1x16xf32>,
        %get3A_173 = vector.shape_cast %get3A_172 : vector<1x16xf32> to vector<16xf32>
        %get3A_174 = arith.index_cast %scan3A_151 : i32 to index
        %get3A_175 = arith.constant 16 : index
        %get3A_176 = tpu.vector_load %arg14[%get3A_174, %get3A_175] {strides = array<i32>} : memref<160x128xf32, #tpu.memory_space<vmem>>, vector<1x16xf32>,
        %get3A_177 = vector.shape_cast %get3A_176 : vector<1x16xf32> to vector<16xf32>
        %get3A_178 = arith.index_cast %scan3A_151 : i32 to index
        %get3A_179 = arith.constant 16 : index
        %get3A_180 = tpu.vector_load %arg15[%get3A_178, %get3A_179] {strides = array<i32>} : memref<160x128xf32, #tpu.memory_space<vmem>>, vector<1x16xf32>,
        %get3A_181 = vector.shape_cast %get3A_180 : vector<1x16xf32> to vector<16xf32>
        %sub3A_182 = arith.subf %get3A_173, %get3A_177 : vector<16xf32>
        %sub3A_183 = arith.subf %get3A_173, %get3A_181 : vector<16xf32>
        %mul3A_184 = arith.mulf %sub3A_182, %sub3A_182 : vector<16xf32>
        %add3A_185 = arith.addf %add3A_167, %mul3A_184 : vector<16xf32>
        %mul3A_186 = arith.mulf %sub3A_183, %sub3A_183 : vector<16xf32>
        %add3A_187 = arith.addf %add3A_169, %mul3A_186 : vector<16xf32>
        %get3A_188 = arith.index_cast %scan3A_151 : i32 to index
        %get3A_189 = arith.constant 32 : index
        %get3A_190 = tpu.vector_load %arg13[%get3A_188, %get3A_189] {strides = array<i32>} : memref<160x128xf32, #tpu.memory_space<vmem>>, vector<1x16xf32>,
        %get3A_191 = vector.shape_cast %get3A_190 : vector<1x16xf32> to vector<16xf32>
        %get3A_192 = arith.index_cast %scan3A_151 : i32 to index
        %get3A_193 = arith.constant 32 : index
        %get3A_194 = tpu.vector_load %arg14[%get3A_192, %get3A_193] {strides = array<i32>} : memref<160x128xf32, #tpu.memory_space<vmem>>, vector<1x16xf32>,
        %get3A_195 = vector.shape_cast %get3A_194 : vector<1x16xf32> to vector<16xf32>
        %get3A_196 = arith.index_cast %scan3A_151 : i32 to index
        %get3A_197 = arith.constant 32 : index
        %get3A_198 = tpu.vector_load %arg15[%get3A_196, %get3A_197] {strides = array<i32>} : memref<160x128xf32, #tpu.memory_space<vmem>>, vector<1x16xf32>,
        %get3A_199 = vector.shape_cast %get3A_198 : vector<1x16xf32> to vector<16xf32>
        %sub3A_200 = arith.subf %get3A_191, %get3A_195 : vector<16xf32>
        %sub3A_201 = arith.subf %get3A_191, %get3A_199 : vector<16xf32>
        %mul3A_202 = arith.mulf %sub3A_200, %sub3A_200 : vector<16xf32>
        %add3A_203 = arith.addf %add3A_185, %mul3A_202 : vector<16xf32>
        %mul3A_204 = arith.mulf %sub3A_201, %sub3A_201 : vector<16xf32>
        %add3A_205 = arith.addf %add3A_187, %mul3A_204 : vector<16xf32>
        %get3A_206 = arith.index_cast %scan3A_151 : i32 to index
        %get3A_207 = arith.constant 48 : index
        %get3A_208 = tpu.vector_load %arg13[%get3A_206, %get3A_207] {strides = array<i32>} : memref<160x128xf32, #tpu.memory_space<vmem>>, vector<1x16xf32>,
        %get3A_209 = vector.shape_cast %get3A_208 : vector<1x16xf32> to vector<16xf32>
        %get3A_210 = arith.index_cast %scan3A_151 : i32 to index
        %get3A_211 = arith.constant 48 : index
        %get3A_212 = tpu.vector_load %arg14[%get3A_210, %get3A_211] {strides = array<i32>} : memref<160x128xf32, #tpu.memory_space<vmem>>, vector<1x16xf32>,
        %get3A_213 = vector.shape_cast %get3A_212 : vector<1x16xf32> to vector<16xf32>
        %get3A_214 = arith.index_cast %scan3A_151 : i32 to index
        %get3A_215 = arith.constant 48 : index
        %get3A_216 = tpu.vector_load %arg15[%get3A_214, %get3A_215] {strides = array<i32>} : memref<160x128xf32, #tpu.memory_space<vmem>>, vector<1x16xf32>,
        %get3A_217 = vector.shape_cast %get3A_216 : vector<1x16xf32> to vector<16xf32>
        %sub3A_218 = arith.subf %get3A_209, %get3A_213 : vector<16xf32>
        %sub3A_219 = arith.subf %get3A_209, %get3A_217 : vector<16xf32>
        %mul3A_220 = arith.mulf %sub3A_218, %sub3A_218 : vector<16xf32>
        %add3A_221 = arith.addf %add3A_203, %mul3A_220 : vector<16xf32>
        %mul3A_222 = arith.mulf %sub3A_219, %sub3A_219 : vector<16xf32>
        %add3A_223 = arith.addf %add3A_205, %mul3A_222 : vector<16xf32>
        %get3A_224 = arith.index_cast %scan3A_151 : i32 to index
        %get3A_225 = arith.constant 64 : index
        %get3A_226 = tpu.vector_load %arg13[%get3A_224, %get3A_225] {strides = array<i32>} : memref<160x128xf32, #tpu.memory_space<vmem>>, vector<1x16xf32>,
        %get3A_227 = vector.shape_cast %get3A_226 : vector<1x16xf32> to vector<16xf32>
        %get3A_228 = arith.index_cast %scan3A_151 : i32 to index
        %get3A_229 = arith.constant 64 : index
        %get3A_230 = tpu.vector_load %arg14[%get3A_228, %get3A_229] {strides = array<i32>} : memref<160x128xf32, #tpu.memory_space<vmem>>, vector<1x16xf32>,
        %get3A_231 = vector.shape_cast %get3A_230 : vector<1x16xf32> to vector<16xf32>
        %get3A_232 = arith.index_cast %scan3A_151 : i32 to index
        %get3A_233 = arith.constant 64 : index
        %get3A_234 = tpu.vector_load %arg15[%get3A_232, %get3A_233] {strides = array<i32>} : memref<160x128xf32, #tpu.memory_space<vmem>>, vector<1x16xf32>,
        %get3A_235 = vector.shape_cast %get3A_234 : vector<1x16xf32> to vector<16xf32>
        %sub3A_236 = arith.subf %get3A_227, %get3A_231 : vector<16xf32>
        %sub3A_237 = arith.subf %get3A_227, %get3A_235 : vector<16xf32>
        %mul3A_238 = arith.mulf %sub3A_236, %sub3A_236 : vector<16xf32>
        %add3A_239 = arith.addf %add3A_221, %mul3A_238 : vector<16xf32>
        %mul3A_240 = arith.mulf %sub3A_237, %sub3A_237 : vector<16xf32>
        %add3A_241 = arith.addf %add3A_223, %mul3A_240 : vector<16xf32>
        %get3A_242 = arith.index_cast %scan3A_151 : i32 to index
        %get3A_243 = arith.constant 80 : index
        %get3A_244 = tpu.vector_load %arg13[%get3A_242, %get3A_243] {strides = array<i32>} : memref<160x128xf32, #tpu.memory_space<vmem>>, vector<1x16xf32>,
        %get3A_245 = vector.shape_cast %get3A_244 : vector<1x16xf32> to vector<16xf32>
        %get3A_246 = arith.index_cast %scan3A_151 : i32 to index
        %get3A_247 = arith.constant 80 : index
        %get3A_248 = tpu.vector_load %arg14[%get3A_246, %get3A_247] {strides = array<i32>} : memref<160x128xf32, #tpu.memory_space<vmem>>, vector<1x16xf32>,
        %get3A_249 = vector.shape_cast %get3A_248 : vector<1x16xf32> to vector<16xf32>
        %get3A_250 = arith.index_cast %scan3A_151 : i32 to index
        %get3A_251 = arith.constant 80 : index
        %get3A_252 = tpu.vector_load %arg15[%get3A_250, %get3A_251] {strides = array<i32>} : memref<160x128xf32, #tpu.memory_space<vmem>>, vector<1x16xf32>,
        %get3A_253 = vector.shape_cast %get3A_252 : vector<1x16xf32> to vector<16xf32>
        %sub3A_254 = arith.subf %get3A_245, %get3A_249 : vector<16xf32>
        %sub3A_255 = arith.subf %get3A_245, %get3A_253 : vector<16xf32>
        %mul3A_256 = arith.mulf %sub3A_254, %sub3A_254 : vector<16xf32>
        %add3A_257 = arith.addf %add3A_239, %mul3A_256 : vector<16xf32>
        %mul3A_258 = arith.mulf %sub3A_255, %sub3A_255 : vector<16xf32>
        %add3A_259 = arith.addf %add3A_241, %mul3A_258 : vector<16xf32>
        %get3A_260 = arith.index_cast %scan3A_151 : i32 to index
        %get3A_261 = arith.constant 96 : index
        %get3A_262 = tpu.vector_load %arg13[%get3A_260, %get3A_261] {strides = array<i32>} : memref<160x128xf32, #tpu.memory_space<vmem>>, vector<1x16xf32>,
        %get3A_263 = vector.shape_cast %get3A_262 : vector<1x16xf32> to vector<16xf32>
        %get3A_264 = arith.index_cast %scan3A_151 : i32 to index
        %get3A_265 = arith.constant 96 : index
        %get3A_266 = tpu.vector_load %arg14[%get3A_264, %get3A_265] {strides = array<i32>} : memref<160x128xf32, #tpu.memory_space<vmem>>, vector<1x16xf32>,
        %get3A_267 = vector.shape_cast %get3A_266 : vector<1x16xf32> to vector<16xf32>
        %get3A_268 = arith.index_cast %scan3A_151 : i32 to index
        %get3A_269 = arith.constant 96 : index
        %get3A_270 = tpu.vector_load %arg15[%get3A_268, %get3A_269] {strides = array<i32>} : memref<160x128xf32, #tpu.memory_space<vmem>>, vector<1x16xf32>,
        %get3A_271 = vector.shape_cast %get3A_270 : vector<1x16xf32> to vector<16xf32>
        %sub3A_272 = arith.subf %get3A_263, %get3A_267 : vector<16xf32>
        %sub3A_273 = arith.subf %get3A_263, %get3A_271 : vector<16xf32>
        %mul3A_274 = arith.mulf %sub3A_272, %sub3A_272 : vector<16xf32>
        %add3A_275 = arith.addf %add3A_257, %mul3A_274 : vector<16xf32>
        %mul3A_276 = arith.mulf %sub3A_273, %sub3A_273 : vector<16xf32>
        %add3A_277 = arith.addf %add3A_259, %mul3A_276 : vector<16xf32>
        %get3A_278 = arith.index_cast %scan3A_151 : i32 to index
        %get3A_279 = arith.constant 112 : index
        %get3A_280 = tpu.vector_load %arg13[%get3A_278, %get3A_279] {strides = array<i32>} : memref<160x128xf32, #tpu.memory_space<vmem>>, vector<1x16xf32>,
        %get3A_281 = vector.shape_cast %get3A_280 : vector<1x16xf32> to vector<16xf32>
        %get3A_282 = arith.index_cast %scan3A_151 : i32 to index
        %get3A_283 = arith.constant 112 : index
        %get3A_284 = tpu.vector_load %arg14[%get3A_282, %get3A_283] {strides = array<i32>} : memref<160x128xf32, #tpu.memory_space<vmem>>, vector<1x16xf32>,
        %get3A_285 = vector.shape_cast %get3A_284 : vector<1x16xf32> to vector<16xf32>
        %get3A_286 = arith.index_cast %scan3A_151 : i32 to index
        %get3A_287 = arith.constant 112 : index
        %get3A_288 = tpu.vector_load %arg15[%get3A_286, %get3A_287] {strides = array<i32>} : memref<160x128xf32, #tpu.memory_space<vmem>>, vector<1x16xf32>,
        %get3A_289 = vector.shape_cast %get3A_288 : vector<1x16xf32> to vector<16xf32>
        %sub3A_290 = arith.subf %get3A_281, %get3A_285 : vector<16xf32>
        %sub3A_291 = arith.subf %get3A_281, %get3A_289 : vector<16xf32>
        %mul3A_292 = arith.mulf %sub3A_290, %sub3A_290 : vector<16xf32>
        %add3A_293 = arith.addf %add3A_275, %mul3A_292 : vector<16xf32>
        %mul3A_294 = arith.mulf %sub3A_291, %sub3A_291 : vector<16xf32>
        %add3A_295 = arith.addf %add3A_277, %mul3A_294 : vector<16xf32>
        %sub3A_296 = arith.subf %add3A_293, %add3A_295 : vector<16xf32>
        %add3A_297 = arith.addi %mul3A_111, %scan3A_151 : i32
        %lt3A_298 = arith.constant 500000 : i32
        %lt3A_299 = arith.cmpi slt, %add3A_297, %lt3A_298 : i32
        %jit3A_300 = arith.constant -1.000000e+30 : f32
        %broadcast_in_dim3A_301 = vector.broadcast %jit3A_300 : f32 to vector<16xf32>
        %select_n3A_302 = arith.select %lt3A_299, %sub3A_296, %broadcast_in_dim3A_301 : vector<16xf32>
        %xor3A = arith.constant 8 : i32
        %xor3A_303 = vector.broadcast %xor3A : i32 to vector<16xi32>
        %xor3A_304 = arith.xori %iota3A, %xor3A_303 : vector<16xi32>
        %broadcast_in_dim3A_305 = vector.shape_cast %xor3A_304 : vector<16xi32> to vector<16x1xi32>
        %gather3A = vector.shape_cast %broadcast_in_dim3A_305 : vector<16x1xi32> to vector<16xi32>
        %gather3A_306 = tpu.dynamic_gather %select_n3A_302[%gather3A] in [0] : vector<16xf32>, vector<16xi32> -> vector<16xf32>
        %add3A_307 = arith.addf %select_n3A_302, %gather3A_306 : vector<16xf32>
        %xor3A_308 = arith.constant 4 : i32
        %xor3A_309 = vector.broadcast %xor3A_308 : i32 to vector<16xi32>
        %xor3A_310 = arith.xori %iota3A, %xor3A_309 : vector<16xi32>
        %broadcast_in_dim3A_311 = vector.shape_cast %xor3A_310 : vector<16xi32> to vector<16x1xi32>
        %gather3A_312 = vector.shape_cast %broadcast_in_dim3A_311 : vector<16x1xi32> to vector<16xi32>
        %gather3A_313 = tpu.dynamic_gather %add3A_307[%gather3A_312] in [0] : vector<16xf32>, vector<16xi32> -> vector<16xf32>
        %add3A_314 = arith.addf %add3A_307, %gather3A_313 : vector<16xf32>
        %xor3A_315 = arith.constant 2 : i32
        %xor3A_316 = vector.broadcast %xor3A_315 : i32 to vector<16xi32>
        %xor3A_317 = arith.xori %iota3A, %xor3A_316 : vector<16xi32>
        %broadcast_in_dim3A_318 = vector.shape_cast %xor3A_317 : vector<16xi32> to vector<16x1xi32>
        %gather3A_319 = vector.shape_cast %broadcast_in_dim3A_318 : vector<16x1xi32> to vector<16xi32>
        %gather3A_320 = tpu.dynamic_gather %add3A_314[%gather3A_319] in [0] : vector<16xf32>, vector<16xi32> -> vector<16xf32>
        %add3A_321 = arith.addf %add3A_314, %gather3A_320 : vector<16xf32>
        %xor3A_322 = arith.constant 1 : i32
        %xor3A_323 = vector.broadcast %xor3A_322 : i32 to vector<16xi32>
        %xor3A_324 = arith.xori %iota3A, %xor3A_323 : vector<16xi32>
        %broadcast_in_dim3A_325 = vector.shape_cast %xor3A_324 : vector<16xi32> to vector<16x1xi32>
        %gather3A_326 = vector.shape_cast %broadcast_in_dim3A_325 : vector<16x1xi32> to vector<16xi32>
        %gather3A_327 = tpu.dynamic_gather %add3A_321[%gather3A_326] in [0] : vector<16xf32>, vector<16xi32> -> vector<16xf32>
        %add3A_328 = arith.addf %add3A_321, %gather3A_327 : vector<16xf32>
        %add3A_329 = arith.constant 2.000000e-01 : f32
        %add3A_330 = vector.broadcast %add3A_329 : f32 to vector<16xf32>
        %add3A_331 = arith.addf %add3A_328, %add3A_330 : vector<16xf32>
        %max3A = arith.constant 0.000000e+00 : f32
        %max3A_332 = vector.broadcast %max3A : f32 to vector<16xf32>
        %max3A_333 = arith.maximumf %add3A_331, %max3A_332 : vector<16xf32>
        %add3A_334 = arith.addf %scan3A_152, %max3A_333 : vector<16xf32>
        %scan3A_335 = arith.constant 1 : i32
        %scan3A_336 = arith.addi %scan3A_151, %scan3A_335 : i32
        %get3A_337 = arith.index_cast %scan3A_336 : i32 to index
        %get3A_338 = arith.constant 0 : index
        %get3A_339 = tpu.vector_load %arg13[%get3A_337, %get3A_338] {strides = array<i32>} : memref<160x128xf32, #tpu.memory_space<vmem>>, vector<1x16xf32>,
        %get3A_340 = vector.shape_cast %get3A_339 : vector<1x16xf32> to vector<16xf32>
        %get3A_341 = arith.index_cast %scan3A_336 : i32 to index
        %get3A_342 = arith.constant 0 : index
        %get3A_343 = tpu.vector_load %arg14[%get3A_341, %get3A_342] {strides = array<i32>} : memref<160x128xf32, #tpu.memory_space<vmem>>, vector<1x16xf32>,
        %get3A_344 = vector.shape_cast %get3A_343 : vector<1x16xf32> to vector<16xf32>
        %get3A_345 = arith.index_cast %scan3A_336 : i32 to index
        %get3A_346 = arith.constant 0 : index
        %get3A_347 = tpu.vector_load %arg15[%get3A_345, %get3A_346] {strides = array<i32>} : memref<160x128xf32, #tpu.memory_space<vmem>>, vector<1x16xf32>,
        %get3A_348 = vector.shape_cast %get3A_347 : vector<1x16xf32> to vector<16xf32>
        %sub3A_349 = arith.subf %get3A_340, %get3A_344 : vector<16xf32>
        %sub3A_350 = arith.subf %get3A_340, %get3A_348 : vector<16xf32>
        %mul3A_351 = arith.mulf %sub3A_349, %sub3A_349 : vector<16xf32>
        %add3A_352 = arith.addf %broadcast_in_dim3A_12, %mul3A_351 : vector<16xf32>
        %mul3A_353 = arith.mulf %sub3A_350, %sub3A_350 : vector<16xf32>
        %add3A_354 = arith.addf %broadcast_in_dim3A_12, %mul3A_353 : vector<16xf32>
        %get3A_355 = arith.index_cast %scan3A_336 : i32 to index
        %get3A_356 = arith.constant 16 : index
        %get3A_357 = tpu.vector_load %arg13[%get3A_355, %get3A_356] {strides = array<i32>} : memref<160x128xf32, #tpu.memory_space<vmem>>, vector<1x16xf32>,
        %get3A_358 = vector.shape_cast %get3A_357 : vector<1x16xf32> to vector<16xf32>
        %get3A_359 = arith.index_cast %scan3A_336 : i32 to index
        %get3A_360 = arith.constant 16 : index
        %get3A_361 = tpu.vector_load %arg14[%get3A_359, %get3A_360] {strides = array<i32>} : memref<160x128xf32, #tpu.memory_space<vmem>>, vector<1x16xf32>,
        %get3A_362 = vector.shape_cast %get3A_361 : vector<1x16xf32> to vector<16xf32>
        %get3A_363 = arith.index_cast %scan3A_336 : i32 to index
        %get3A_364 = arith.constant 16 : index
        %get3A_365 = tpu.vector_load %arg15[%get3A_363, %get3A_364] {strides = array<i32>} : memref<160x128xf32, #tpu.memory_space<vmem>>, vector<1x16xf32>,
        %get3A_366 = vector.shape_cast %get3A_365 : vector<1x16xf32> to vector<16xf32>
        %sub3A_367 = arith.subf %get3A_358, %get3A_362 : vector<16xf32>
        %sub3A_368 = arith.subf %get3A_358, %get3A_366 : vector<16xf32>
        %mul3A_369 = arith.mulf %sub3A_367, %sub3A_367 : vector<16xf32>
        %add3A_370 = arith.addf %add3A_352, %mul3A_369 : vector<16xf32>
        %mul3A_371 = arith.mulf %sub3A_368, %sub3A_368 : vector<16xf32>
        %add3A_372 = arith.addf %add3A_354, %mul3A_371 : vector<16xf32>
        %get3A_373 = arith.index_cast %scan3A_336 : i32 to index
        %get3A_374 = arith.constant 32 : index
        %get3A_375 = tpu.vector_load %arg13[%get3A_373, %get3A_374] {strides = array<i32>} : memref<160x128xf32, #tpu.memory_space<vmem>>, vector<1x16xf32>,
        %get3A_376 = vector.shape_cast %get3A_375 : vector<1x16xf32> to vector<16xf32>
        %get3A_377 = arith.index_cast %scan3A_336 : i32 to index
        %get3A_378 = arith.constant 32 : index
        %get3A_379 = tpu.vector_load %arg14[%get3A_377, %get3A_378] {strides = array<i32>} : memref<160x128xf32, #tpu.memory_space<vmem>>, vector<1x16xf32>,
        %get3A_380 = vector.shape_cast %get3A_379 : vector<1x16xf32> to vector<16xf32>
        %get3A_381 = arith.index_cast %scan3A_336 : i32 to index
        %get3A_382 = arith.constant 32 : index
        %get3A_383 = tpu.vector_load %arg15[%get3A_381, %get3A_382] {strides = array<i32>} : memref<160x128xf32, #tpu.memory_space<vmem>>, vector<1x16xf32>,
        %get3A_384 = vector.shape_cast %get3A_383 : vector<1x16xf32> to vector<16xf32>
        %sub3A_385 = arith.subf %get3A_376, %get3A_380 : vector<16xf32>
        %sub3A_386 = arith.subf %get3A_376, %get3A_384 : vector<16xf32>
        %mul3A_387 = arith.mulf %sub3A_385, %sub3A_385 : vector<16xf32>
        %add3A_388 = arith.addf %add3A_370, %mul3A_387 : vector<16xf32>
        %mul3A_389 = arith.mulf %sub3A_386, %sub3A_386 : vector<16xf32>
        %add3A_390 = arith.addf %add3A_372, %mul3A_389 : vector<16xf32>
        %get3A_391 = arith.index_cast %scan3A_336 : i32 to index
        %get3A_392 = arith.constant 48 : index
        %get3A_393 = tpu.vector_load %arg13[%get3A_391, %get3A_392] {strides = array<i32>} : memref<160x128xf32, #tpu.memory_space<vmem>>, vector<1x16xf32>,
        %get3A_394 = vector.shape_cast %get3A_393 : vector<1x16xf32> to vector<16xf32>
        %get3A_395 = arith.index_cast %scan3A_336 : i32 to index
        %get3A_396 = arith.constant 48 : index
        %get3A_397 = tpu.vector_load %arg14[%get3A_395, %get3A_396] {strides = array<i32>} : memref<160x128xf32, #tpu.memory_space<vmem>>, vector<1x16xf32>,
        %get3A_398 = vector.shape_cast %get3A_397 : vector<1x16xf32> to vector<16xf32>
        %get3A_399 = arith.index_cast %scan3A_336 : i32 to index
        %get3A_400 = arith.constant 48 : index
        %get3A_401 = tpu.vector_load %arg15[%get3A_399, %get3A_400] {strides = array<i32>} : memref<160x128xf32, #tpu.memory_space<vmem>>, vector<1x16xf32>,
        %get3A_402 = vector.shape_cast %get3A_401 : vector<1x16xf32> to vector<16xf32>
        %sub3A_403 = arith.subf %get3A_394, %get3A_398 : vector<16xf32>
        %sub3A_404 = arith.subf %get3A_394, %get3A_402 : vector<16xf32>
        %mul3A_405 = arith.mulf %sub3A_403, %sub3A_403 : vector<16xf32>
        %add3A_406 = arith.addf %add3A_388, %mul3A_405 : vector<16xf32>
        %mul3A_407 = arith.mulf %sub3A_404, %sub3A_404 : vector<16xf32>
        %add3A_408 = arith.addf %add3A_390, %mul3A_407 : vector<16xf32>
        %get3A_409 = arith.index_cast %scan3A_336 : i32 to index
        %get3A_410 = arith.constant 64 : index
        %get3A_411 = tpu.vector_load %arg13[%get3A_409, %get3A_410] {strides = array<i32>} : memref<160x128xf32, #tpu.memory_space<vmem>>, vector<1x16xf32>,
        %get3A_412 = vector.shape_cast %get3A_411 : vector<1x16xf32> to vector<16xf32>
        %get3A_413 = arith.index_cast %scan3A_336 : i32 to index
        %get3A_414 = arith.constant 64 : index
        %get3A_415 = tpu.vector_load %arg14[%get3A_413, %get3A_414] {strides = array<i32>} : memref<160x128xf32, #tpu.memory_space<vmem>>, vector<1x16xf32>,
        %get3A_416 = vector.shape_cast %get3A_415 : vector<1x16xf32> to vector<16xf32>
        %get3A_417 = arith.index_cast %scan3A_336 : i32 to index
        %get3A_418 = arith.constant 64 : index
        %get3A_419 = tpu.vector_load %arg15[%get3A_417, %get3A_418] {strides = array<i32>} : memref<160x128xf32, #tpu.memory_space<vmem>>, vector<1x16xf32>,
        %get3A_420 = vector.shape_cast %get3A_419 : vector<1x16xf32> to vector<16xf32>
        %sub3A_421 = arith.subf %get3A_412, %get3A_416 : vector<16xf32>
        %sub3A_422 = arith.subf %get3A_412, %get3A_420 : vector<16xf32>
        %mul3A_423 = arith.mulf %sub3A_421, %sub3A_421 : vector<16xf32>
        %add3A_424 = arith.addf %add3A_406, %mul3A_423 : vector<16xf32>
        %mul3A_425 = arith.mulf %sub3A_422, %sub3A_422 : vector<16xf32>
        %add3A_426 = arith.addf %add3A_408, %mul3A_425 : vector<16xf32>
        %get3A_427 = arith.index_cast %scan3A_336 : i32 to index
        %get3A_428 = arith.constant 80 : index
        %get3A_429 = tpu.vector_load %arg13[%get3A_427, %get3A_428] {strides = array<i32>} : memref<160x128xf32, #tpu.memory_space<vmem>>, vector<1x16xf32>,
        %get3A_430 = vector.shape_cast %get3A_429 : vector<1x16xf32> to vector<16xf32>
        %get3A_431 = arith.index_cast %scan3A_336 : i32 to index
        %get3A_432 = arith.constant 80 : index
        %get3A_433 = tpu.vector_load %arg14[%get3A_431, %get3A_432] {strides = array<i32>} : memref<160x128xf32, #tpu.memory_space<vmem>>, vector<1x16xf32>,
        %get3A_434 = vector.shape_cast %get3A_433 : vector<1x16xf32> to vector<16xf32>
        %get3A_435 = arith.index_cast %scan3A_336 : i32 to index
        %get3A_436 = arith.constant 80 : index
        %get3A_437 = tpu.vector_load %arg15[%get3A_435, %get3A_436] {strides = array<i32>} : memref<160x128xf32, #tpu.memory_space<vmem>>, vector<1x16xf32>,
        %get3A_438 = vector.shape_cast %get3A_437 : vector<1x16xf32> to vector<16xf32>
        %sub3A_439 = arith.subf %get3A_430, %get3A_434 : vector<16xf32>
        %sub3A_440 = arith.subf %get3A_430, %get3A_438 : vector<16xf32>
        %mul3A_441 = arith.mulf %sub3A_439, %sub3A_439 : vector<16xf32>
        %add3A_442 = arith.addf %add3A_424, %mul3A_441 : vector<16xf32>
        %mul3A_443 = arith.mulf %sub3A_440, %sub3A_440 : vector<16xf32>
        %add3A_444 = arith.addf %add3A_426, %mul3A_443 : vector<16xf32>
        %get3A_445 = arith.index_cast %scan3A_336 : i32 to index
        %get3A_446 = arith.constant 96 : index
        %get3A_447 = tpu.vector_load %arg13[%get3A_445, %get3A_446] {strides = array<i32>} : memref<160x128xf32, #tpu.memory_space<vmem>>, vector<1x16xf32>,
        %get3A_448 = vector.shape_cast %get3A_447 : vector<1x16xf32> to vector<16xf32>
        %get3A_449 = arith.index_cast %scan3A_336 : i32 to index
        %get3A_450 = arith.constant 96 : index
        %get3A_451 = tpu.vector_load %arg14[%get3A_449, %get3A_450] {strides = array<i32>} : memref<160x128xf32, #tpu.memory_space<vmem>>, vector<1x16xf32>,
        %get3A_452 = vector.shape_cast %get3A_451 : vector<1x16xf32> to vector<16xf32>
        %get3A_453 = arith.index_cast %scan3A_336 : i32 to index
        %get3A_454 = arith.constant 96 : index
        %get3A_455 = tpu.vector_load %arg15[%get3A_453, %get3A_454] {strides = array<i32>} : memref<160x128xf32, #tpu.memory_space<vmem>>, vector<1x16xf32>,
        %get3A_456 = vector.shape_cast %get3A_455 : vector<1x16xf32> to vector<16xf32>
        %sub3A_457 = arith.subf %get3A_448, %get3A_452 : vector<16xf32>
        %sub3A_458 = arith.subf %get3A_448, %get3A_456 : vector<16xf32>
        %mul3A_459 = arith.mulf %sub3A_457, %sub3A_457 : vector<16xf32>
        %add3A_460 = arith.addf %add3A_442, %mul3A_459 : vector<16xf32>
        %mul3A_461 = arith.mulf %sub3A_458, %sub3A_458 : vector<16xf32>
        %add3A_462 = arith.addf %add3A_444, %mul3A_461 : vector<16xf32>
        %get3A_463 = arith.index_cast %scan3A_336 : i32 to index
        %get3A_464 = arith.constant 112 : index
        %get3A_465 = tpu.vector_load %arg13[%get3A_463, %get3A_464] {strides = array<i32>} : memref<160x128xf32, #tpu.memory_space<vmem>>, vector<1x16xf32>,
        %get3A_466 = vector.shape_cast %get3A_465 : vector<1x16xf32> to vector<16xf32>
        %get3A_467 = arith.index_cast %scan3A_336 : i32 to index
        %get3A_468 = arith.constant 112 : index
        %get3A_469 = tpu.vector_load %arg14[%get3A_467, %get3A_468] {strides = array<i32>} : memref<160x128xf32, #tpu.memory_space<vmem>>, vector<1x16xf32>,
        %get3A_470 = vector.shape_cast %get3A_469 : vector<1x16xf32> to vector<16xf32>
        %get3A_471 = arith.index_cast %scan3A_336 : i32 to index
        %get3A_472 = arith.constant 112 : index
        %get3A_473 = tpu.vector_load %arg15[%get3A_471, %get3A_472] {strides = array<i32>} : memref<160x128xf32, #tpu.memory_space<vmem>>, vector<1x16xf32>,
        %get3A_474 = vector.shape_cast %get3A_473 : vector<1x16xf32> to vector<16xf32>
        %sub3A_475 = arith.subf %get3A_466, %get3A_470 : vector<16xf32>
        %sub3A_476 = arith.subf %get3A_466, %get3A_474 : vector<16xf32>
        %mul3A_477 = arith.mulf %sub3A_475, %sub3A_475 : vector<16xf32>
        %add3A_478 = arith.addf %add3A_460, %mul3A_477 : vector<16xf32>
        %mul3A_479 = arith.mulf %sub3A_476, %sub3A_476 : vector<16xf32>
        %add3A_480 = arith.addf %add3A_462, %mul3A_479 : vector<16xf32>
        %sub3A_481 = arith.subf %add3A_478, %add3A_480 : vector<16xf32>
        %add3A_482 = arith.addi %mul3A_111, %scan3A_336 : i32
        %lt3A_483 = arith.constant 500000 : i32
        %lt3A_484 = arith.cmpi slt, %add3A_482, %lt3A_483 : i32
        %jit3A_485 = arith.constant -1.000000e+30 : f32
        %broadcast_in_dim3A_486 = vector.broadcast %jit3A_485 : f32 to vector<16xf32>
        %select_n3A_487 = arith.select %lt3A_484, %sub3A_481, %broadcast_in_dim3A_486 : vector<16xf32>
        %xor3A_488 = arith.constant 8 : i32
        %xor3A_489 = vector.broadcast %xor3A_488 : i32 to vector<16xi32>
        %xor3A_490 = arith.xori %iota3A, %xor3A_489 : vector<16xi32>
        %broadcast_in_dim3A_491 = vector.shape_cast %xor3A_490 : vector<16xi32> to vector<16x1xi32>
        %gather3A_492 = vector.shape_cast %broadcast_in_dim3A_491 : vector<16x1xi32> to vector<16xi32>
        %gather3A_493 = tpu.dynamic_gather %select_n3A_487[%gather3A_492] in [0] : vector<16xf32>, vector<16xi32> -> vector<16xf32>
        %add3A_494 = arith.addf %select_n3A_487, %gather3A_493 : vector<16xf32>
        %xor3A_495 = arith.constant 4 : i32
        %xor3A_496 = vector.broadcast %xor3A_495 : i32 to vector<16xi32>
        %xor3A_497 = arith.xori %iota3A, %xor3A_496 : vector<16xi32>
        %broadcast_in_dim3A_498 = vector.shape_cast %xor3A_497 : vector<16xi32> to vector<16x1xi32>
        %gather3A_499 = vector.shape_cast %broadcast_in_dim3A_498 : vector<16x1xi32> to vector<16xi32>
        %gather3A_500 = tpu.dynamic_gather %add3A_494[%gather3A_499] in [0] : vector<16xf32>, vector<16xi32> -> vector<16xf32>
        %add3A_501 = arith.addf %add3A_494, %gather3A_500 : vector<16xf32>
        %xor3A_502 = arith.constant 2 : i32
        %xor3A_503 = vector.broadcast %xor3A_502 : i32 to vector<16xi32>
        %xor3A_504 = arith.xori %iota3A, %xor3A_503 : vector<16xi32>
        %broadcast_in_dim3A_505 = vector.shape_cast %xor3A_504 : vector<16xi32> to vector<16x1xi32>
        %gather3A_506 = vector.shape_cast %broadcast_in_dim3A_505 : vector<16x1xi32> to vector<16xi32>
        %gather3A_507 = tpu.dynamic_gather %add3A_501[%gather3A_506] in [0] : vector<16xf32>, vector<16xi32> -> vector<16xf32>
        %add3A_508 = arith.addf %add3A_501, %gather3A_507 : vector<16xf32>
        %xor3A_509 = arith.constant 1 : i32
        %xor3A_510 = vector.broadcast %xor3A_509 : i32 to vector<16xi32>
        %xor3A_511 = arith.xori %iota3A, %xor3A_510 : vector<16xi32>
        %broadcast_in_dim3A_512 = vector.shape_cast %xor3A_511 : vector<16xi32> to vector<16x1xi32>
        %gather3A_513 = vector.shape_cast %broadcast_in_dim3A_512 : vector<16x1xi32> to vector<16xi32>
        %gather3A_514 = tpu.dynamic_gather %add3A_508[%gather3A_513] in [0] : vector<16xf32>, vector<16xi32> -> vector<16xf32>
        %add3A_515 = arith.addf %add3A_508, %gather3A_514 : vector<16xf32>
        %add3A_516 = arith.constant 2.000000e-01 : f32
        %add3A_517 = vector.broadcast %add3A_516 : f32 to vector<16xf32>
        %add3A_518 = arith.addf %add3A_515, %add3A_517 : vector<16xf32>
        %max3A_519 = arith.constant 0.000000e+00 : f32
        %max3A_520 = vector.broadcast %max3A_519 : f32 to vector<16xf32>
        %max3A_521 = arith.maximumf %add3A_518, %max3A_520 : vector<16xf32>
        %add3A_522 = arith.addf %add3A_334, %max3A_521 : vector<16xf32>
        scf.yield %add3A_522 : vector<16xf32>
      }
      %scan3A_116 = arith.constant 160 : i32
      %mul3A_117 = arith.constant 2 : i32
      %mul3A_118 = arith.muli %mul3A_117, %while3A_85 : i32
      %add3A_119 = arith.constant 1 : i32
      %add3A_120 = arith.addi %mul3A_118, %add3A_119 : i32
      %dma_wait3A_121 = arith.constant 0 : i32
      %dma_wait3A_122 = arith.constant 0 : i32
      %dma_wait3A_123 = tpu.memref_slice %arg2[%dma_wait3A_121, %dma_wait3A_122] : memref<100000x128xf32, #tpu.memory_space<hbm>> -> memref<100000x128xf32, #tpu.memory_space<hbm>>
      tpu.wait_indirect_dma semaphore(%arg23 : memref<!tpu.dma_semaphore, #tpu.memory_space<semaphore_mem>>) src(%dma_wait3A_123 : memref<100000x128xf32, #tpu.memory_space<hbm>>) dst(%arg16 : memref<160x128xf32, #tpu.memory_space<vmem>>)
      %dma_wait3A_124 = arith.constant 0 : i32
      %dma_wait3A_125 = arith.constant 0 : i32
      %dma_wait3A_126 = tpu.memref_slice %arg2[%dma_wait3A_124, %dma_wait3A_125] : memref<100000x128xf32, #tpu.memory_space<hbm>> -> memref<100000x128xf32, #tpu.memory_space<hbm>>
      tpu.wait_indirect_dma semaphore(%arg23 : memref<!tpu.dma_semaphore, #tpu.memory_space<semaphore_mem>>) src(%dma_wait3A_126 : memref<100000x128xf32, #tpu.memory_space<hbm>>) dst(%arg17 : memref<160x128xf32, #tpu.memory_space<vmem>>)
      %dma_wait3A_127 = arith.constant 0 : i32
      %dma_wait3A_128 = arith.constant 0 : i32
      %dma_wait3A_129 = tpu.memref_slice %arg2[%dma_wait3A_127, %dma_wait3A_128] : memref<100000x128xf32, #tpu.memory_space<hbm>> -> memref<100000x128xf32, #tpu.memory_space<hbm>>
      tpu.wait_indirect_dma semaphore(%arg23 : memref<!tpu.dma_semaphore, #tpu.memory_space<semaphore_mem>>) src(%dma_wait3A_129 : memref<100000x128xf32, #tpu.memory_space<hbm>>) dst(%arg18 : memref<160x128xf32, #tpu.memory_space<vmem>>)
      %add3A_130 = arith.constant 2 : i32
      %add3A_131 = arith.addi %add3A_120, %add3A_130 : i32
      %lt3A_132 = arith.cmpi slt, %add3A_131, %select_n3A : i32
      %convert_element_type3A_133 = arith.extui %lt3A_132 : i1 to i32
      %cond3A_134 = arith.constant 0 : i32
      %cond3A_135 = arith.cmpi ne, %convert_element_type3A_133, %cond3A_134 : i32
      scf.if %cond3A_135 {
        %add3A_151 = arith.constant 2 : i32
        %add3A_152 = arith.addi %add3A_120, %add3A_151 : i32
        %add3A_153 = arith.addi %select_n3A_11, %add3A_152 : i32
        %mul3A_154 = arith.constant 160 : i32
        %mul3A_155 = arith.muli %add3A_153, %mul3A_154 : i32
        %dma_start3A_156 = tpu.memref_slice %arg3[%mul3A_155] : memref<501760xi32, #tpu.memory_space<hbm>> -> memref<160xi32, #tpu.memory_space<hbm>>
        %dma_start3A_157 = tpu.memref_slice %arg3[%mul3A_155] : memref<501760xi32, #tpu.memory_space<hbm>> -> memref<160xi32, #tpu.memory_space<hbm>>
        tpu.enqueue_dma source(%dma_start3A_157 : memref<160xi32, #tpu.memory_space<hbm>>) target(%arg10 : memref<160xi32, #tpu.memory_space<vmem>>) target_semaphore(%arg21 : memref<!tpu.dma_semaphore, #tpu.memory_space<semaphore_mem>>)
        %dma_start3A_158 = tpu.memref_slice %arg4[%mul3A_155] : memref<501760xi32, #tpu.memory_space<hbm>> -> memref<160xi32, #tpu.memory_space<hbm>>
        %dma_start3A_159 = tpu.memref_slice %arg4[%mul3A_155] : memref<501760xi32, #tpu.memory_space<hbm>> -> memref<160xi32, #tpu.memory_space<hbm>>
        tpu.enqueue_dma source(%dma_start3A_159 : memref<160xi32, #tpu.memory_space<hbm>>) target(%arg11 : memref<160xi32, #tpu.memory_space<vmem>>) target_semaphore(%arg21 : memref<!tpu.dma_semaphore, #tpu.memory_space<semaphore_mem>>)
        %dma_start3A_160 = tpu.memref_slice %arg5[%mul3A_155] : memref<501760xi32, #tpu.memory_space<hbm>> -> memref<160xi32, #tpu.memory_space<hbm>>
        %dma_start3A_161 = tpu.memref_slice %arg5[%mul3A_155] : memref<501760xi32, #tpu.memory_space<hbm>> -> memref<160xi32, #tpu.memory_space<hbm>>
        tpu.enqueue_dma source(%dma_start3A_161 : memref<160xi32, #tpu.memory_space<hbm>>) target(%arg12 : memref<160xi32, #tpu.memory_space<vmem>>) target_semaphore(%arg21 : memref<!tpu.dma_semaphore, #tpu.memory_space<semaphore_mem>>)
      } else {
      }
      %add3A_136 = arith.constant 1 : i32
      %add3A_137 = arith.addi %add3A_120, %add3A_136 : i32
      %lt3A_138 = arith.cmpi slt, %add3A_137, %select_n3A : i32
      %convert_element_type3A_139 = arith.extui %lt3A_138 : i1 to i32
      %cond3A_140 = arith.constant 0 : i32
      %cond3A_141 = arith.cmpi ne, %convert_element_type3A_139, %cond3A_140 : i32
      scf.if %cond3A_141 {
        %dma_wait3A_151 = arith.constant 0 : i32
        %dma_wait3A_152 = tpu.memref_slice %arg3[%dma_wait3A_151] : memref<501760xi32, #tpu.memory_space<hbm>> -> memref<160xi32, #tpu.memory_space<hbm>>
        %dma_wait3A_153 = arith.constant 0 : i32
        %dma_wait3A_154 = tpu.memref_slice %arg3[%dma_wait3A_153] : memref<501760xi32, #tpu.memory_space<hbm>> -> memref<160xi32, #tpu.memory_space<hbm>>
        tpu.wait_dma2 semaphore(%arg20 : memref<!tpu.dma_semaphore, #tpu.memory_space<semaphore_mem>>) src(%dma_wait3A_154 : memref<160xi32, #tpu.memory_space<hbm>>) dst(%arg7 : memref<160xi32, #tpu.memory_space<vmem>>)
        %dma_wait3A_155 = arith.constant 0 : i32
        %dma_wait3A_156 = tpu.memref_slice %arg4[%dma_wait3A_155] : memref<501760xi32, #tpu.memory_space<hbm>> -> memref<160xi32, #tpu.memory_space<hbm>>
        %dma_wait3A_157 = arith.constant 0 : i32
        %dma_wait3A_158 = tpu.memref_slice %arg4[%dma_wait3A_157] : memref<501760xi32, #tpu.memory_space<hbm>> -> memref<160xi32, #tpu.memory_space<hbm>>
        tpu.wait_dma2 semaphore(%arg20 : memref<!tpu.dma_semaphore, #tpu.memory_space<semaphore_mem>>) src(%dma_wait3A_158 : memref<160xi32, #tpu.memory_space<hbm>>) dst(%arg8 : memref<160xi32, #tpu.memory_space<vmem>>)
        %dma_wait3A_159 = arith.constant 0 : i32
        %dma_wait3A_160 = tpu.memref_slice %arg5[%dma_wait3A_159] : memref<501760xi32, #tpu.memory_space<hbm>> -> memref<160xi32, #tpu.memory_space<hbm>>
        %dma_wait3A_161 = arith.constant 0 : i32
        %dma_wait3A_162 = tpu.memref_slice %arg5[%dma_wait3A_161] : memref<501760xi32, #tpu.memory_space<hbm>> -> memref<160xi32, #tpu.memory_space<hbm>>
        tpu.wait_dma2 semaphore(%arg20 : memref<!tpu.dma_semaphore, #tpu.memory_space<semaphore_mem>>) src(%dma_wait3A_162 : memref<160xi32, #tpu.memory_space<hbm>>) dst(%arg9 : memref<160xi32, #tpu.memory_space<vmem>>)
        %dma_start3A_163 = arith.constant 0 : i32
        %dma_start3A_164 = arith.constant 0 : i32
        %dma_start3A_165 = tpu.memref_slice %arg2[%dma_start3A_163, %dma_start3A_164] : memref<100000x128xf32, #tpu.memory_space<hbm>> -> memref<100000x128xf32, #tpu.memory_space<hbm>>
        tpu.enqueue_indirect_dma source(%dma_start3A_165 : memref<100000x128xf32, #tpu.memory_space<hbm>>) target(%arg13 : memref<160x128xf32, #tpu.memory_space<vmem>>) offsets(%arg7 : memref<160xi32, #tpu.memory_space<vmem>>) semaphore(%arg22 : memref<!tpu.dma_semaphore, #tpu.memory_space<semaphore_mem>>)
        %dma_start3A_166 = arith.constant 0 : i32
        %dma_start3A_167 = arith.constant 0 : i32
        %dma_start3A_168 = tpu.memref_slice %arg2[%dma_start3A_166, %dma_start3A_167] : memref<100000x128xf32, #tpu.memory_space<hbm>> -> memref<100000x128xf32, #tpu.memory_space<hbm>>
        tpu.enqueue_indirect_dma source(%dma_start3A_168 : memref<100000x128xf32, #tpu.memory_space<hbm>>) target(%arg14 : memref<160x128xf32, #tpu.memory_space<vmem>>) offsets(%arg8 : memref<160xi32, #tpu.memory_space<vmem>>) semaphore(%arg22 : memref<!tpu.dma_semaphore, #tpu.memory_space<semaphore_mem>>)
        %dma_start3A_169 = arith.constant 0 : i32
        %dma_start3A_170 = arith.constant 0 : i32
        %dma_start3A_171 = tpu.memref_slice %arg2[%dma_start3A_169, %dma_start3A_170] : memref<100000x128xf32, #tpu.memory_space<hbm>> -> memref<100000x128xf32, #tpu.memory_space<hbm>>
        tpu.enqueue_indirect_dma source(%dma_start3A_171 : memref<100000x128xf32, #tpu.memory_space<hbm>>) target(%arg15 : memref<160x128xf32, #tpu.memory_space<vmem>>) offsets(%arg9 : memref<160xi32, #tpu.memory_space<vmem>>) semaphore(%arg22 : memref<!tpu.dma_semaphore, #tpu.memory_space<semaphore_mem>>)
      } else {
      }
      %add3A_142 = arith.addi %select_n3A_11, %add3A_120 : i32
      %mul3A_143 = arith.constant 160 : i32
      %mul3A_144 = arith.muli %add3A_142, %mul3A_143 : i32
      %scan3A_145 = arith.constant 0 : i32
      %scan3A_146 = arith.constant 160 : i32
      %scan3A_147 = arith.addi %scan3A_145, %scan3A_146 : i32
      %scan3A_148 = arith.constant 2 : i32
      %scan3A_149 = scf.for %scan3A_151 = %scan3A_145 to %scan3A_147 step %scan3A_148 iter_args(%scan3A_152 = %scan3A_115) -> (vector<16xf32>)  : i32 {
        %get3A = arith.index_cast %scan3A_151 : i32 to index
        %get3A_153 = arith.constant 0 : index
        %get3A_154 = tpu.vector_load %arg16[%get3A, %get3A_153] {strides = array<i32>} : memref<160x128xf32, #tpu.memory_space<vmem>>, vector<1x16xf32>,
        %get3A_155 = vector.shape_cast %get3A_154 : vector<1x16xf32> to vector<16xf32>
        %get3A_156 = arith.index_cast %scan3A_151 : i32 to index
        %get3A_157 = arith.constant 0 : index
        %get3A_158 = tpu.vector_load %arg17[%get3A_156, %get3A_157] {strides = array<i32>} : memref<160x128xf32, #tpu.memory_space<vmem>>, vector<1x16xf32>,
        %get3A_159 = vector.shape_cast %get3A_158 : vector<1x16xf32> to vector<16xf32>
        %get3A_160 = arith.index_cast %scan3A_151 : i32 to index
        %get3A_161 = arith.constant 0 : index
        %get3A_162 = tpu.vector_load %arg18[%get3A_160, %get3A_161] {strides = array<i32>} : memref<160x128xf32, #tpu.memory_space<vmem>>, vector<1x16xf32>,
        %get3A_163 = vector.shape_cast %get3A_162 : vector<1x16xf32> to vector<16xf32>
        %sub3A_164 = arith.subf %get3A_155, %get3A_159 : vector<16xf32>
        %sub3A_165 = arith.subf %get3A_155, %get3A_163 : vector<16xf32>
        %mul3A_166 = arith.mulf %sub3A_164, %sub3A_164 : vector<16xf32>
        %add3A_167 = arith.addf %broadcast_in_dim3A_12, %mul3A_166 : vector<16xf32>
        %mul3A_168 = arith.mulf %sub3A_165, %sub3A_165 : vector<16xf32>
        %add3A_169 = arith.addf %broadcast_in_dim3A_12, %mul3A_168 : vector<16xf32>
        %get3A_170 = arith.index_cast %scan3A_151 : i32 to index
        %get3A_171 = arith.constant 16 : index
        %get3A_172 = tpu.vector_load %arg16[%get3A_170, %get3A_171] {strides = array<i32>} : memref<160x128xf32, #tpu.memory_space<vmem>>, vector<1x16xf32>,
        %get3A_173 = vector.shape_cast %get3A_172 : vector<1x16xf32> to vector<16xf32>
        %get3A_174 = arith.index_cast %scan3A_151 : i32 to index
        %get3A_175 = arith.constant 16 : index
        %get3A_176 = tpu.vector_load %arg17[%get3A_174, %get3A_175] {strides = array<i32>} : memref<160x128xf32, #tpu.memory_space<vmem>>, vector<1x16xf32>,
        %get3A_177 = vector.shape_cast %get3A_176 : vector<1x16xf32> to vector<16xf32>
        %get3A_178 = arith.index_cast %scan3A_151 : i32 to index
        %get3A_179 = arith.constant 16 : index
        %get3A_180 = tpu.vector_load %arg18[%get3A_178, %get3A_179] {strides = array<i32>} : memref<160x128xf32, #tpu.memory_space<vmem>>, vector<1x16xf32>,
        %get3A_181 = vector.shape_cast %get3A_180 : vector<1x16xf32> to vector<16xf32>
        %sub3A_182 = arith.subf %get3A_173, %get3A_177 : vector<16xf32>
        %sub3A_183 = arith.subf %get3A_173, %get3A_181 : vector<16xf32>
        %mul3A_184 = arith.mulf %sub3A_182, %sub3A_182 : vector<16xf32>
        %add3A_185 = arith.addf %add3A_167, %mul3A_184 : vector<16xf32>
        %mul3A_186 = arith.mulf %sub3A_183, %sub3A_183 : vector<16xf32>
        %add3A_187 = arith.addf %add3A_169, %mul3A_186 : vector<16xf32>
        %get3A_188 = arith.index_cast %scan3A_151 : i32 to index
        %get3A_189 = arith.constant 32 : index
        %get3A_190 = tpu.vector_load %arg16[%get3A_188, %get3A_189] {strides = array<i32>} : memref<160x128xf32, #tpu.memory_space<vmem>>, vector<1x16xf32>,
        %get3A_191 = vector.shape_cast %get3A_190 : vector<1x16xf32> to vector<16xf32>
        %get3A_192 = arith.index_cast %scan3A_151 : i32 to index
        %get3A_193 = arith.constant 32 : index
        %get3A_194 = tpu.vector_load %arg17[%get3A_192, %get3A_193] {strides = array<i32>} : memref<160x128xf32, #tpu.memory_space<vmem>>, vector<1x16xf32>,
        %get3A_195 = vector.shape_cast %get3A_194 : vector<1x16xf32> to vector<16xf32>
        %get3A_196 = arith.index_cast %scan3A_151 : i32 to index
        %get3A_197 = arith.constant 32 : index
        %get3A_198 = tpu.vector_load %arg18[%get3A_196, %get3A_197] {strides = array<i32>} : memref<160x128xf32, #tpu.memory_space<vmem>>, vector<1x16xf32>,
        %get3A_199 = vector.shape_cast %get3A_198 : vector<1x16xf32> to vector<16xf32>
        %sub3A_200 = arith.subf %get3A_191, %get3A_195 : vector<16xf32>
        %sub3A_201 = arith.subf %get3A_191, %get3A_199 : vector<16xf32>
        %mul3A_202 = arith.mulf %sub3A_200, %sub3A_200 : vector<16xf32>
        %add3A_203 = arith.addf %add3A_185, %mul3A_202 : vector<16xf32>
        %mul3A_204 = arith.mulf %sub3A_201, %sub3A_201 : vector<16xf32>
        %add3A_205 = arith.addf %add3A_187, %mul3A_204 : vector<16xf32>
        %get3A_206 = arith.index_cast %scan3A_151 : i32 to index
        %get3A_207 = arith.constant 48 : index
        %get3A_208 = tpu.vector_load %arg16[%get3A_206, %get3A_207] {strides = array<i32>} : memref<160x128xf32, #tpu.memory_space<vmem>>, vector<1x16xf32>,
        %get3A_209 = vector.shape_cast %get3A_208 : vector<1x16xf32> to vector<16xf32>
        %get3A_210 = arith.index_cast %scan3A_151 : i32 to index
        %get3A_211 = arith.constant 48 : index
        %get3A_212 = tpu.vector_load %arg17[%get3A_210, %get3A_211] {strides = array<i32>} : memref<160x128xf32, #tpu.memory_space<vmem>>, vector<1x16xf32>,
        %get3A_213 = vector.shape_cast %get3A_212 : vector<1x16xf32> to vector<16xf32>
        %get3A_214 = arith.index_cast %scan3A_151 : i32 to index
        %get3A_215 = arith.constant 48 : index
        %get3A_216 = tpu.vector_load %arg18[%get3A_214, %get3A_215] {strides = array<i32>} : memref<160x128xf32, #tpu.memory_space<vmem>>, vector<1x16xf32>,
        %get3A_217 = vector.shape_cast %get3A_216 : vector<1x16xf32> to vector<16xf32>
        %sub3A_218 = arith.subf %get3A_209, %get3A_213 : vector<16xf32>
        %sub3A_219 = arith.subf %get3A_209, %get3A_217 : vector<16xf32>
        %mul3A_220 = arith.mulf %sub3A_218, %sub3A_218 : vector<16xf32>
        %add3A_221 = arith.addf %add3A_203, %mul3A_220 : vector<16xf32>
        %mul3A_222 = arith.mulf %sub3A_219, %sub3A_219 : vector<16xf32>
        %add3A_223 = arith.addf %add3A_205, %mul3A_222 : vector<16xf32>
        %get3A_224 = arith.index_cast %scan3A_151 : i32 to index
        %get3A_225 = arith.constant 64 : index
        %get3A_226 = tpu.vector_load %arg16[%get3A_224, %get3A_225] {strides = array<i32>} : memref<160x128xf32, #tpu.memory_space<vmem>>, vector<1x16xf32>,
        %get3A_227 = vector.shape_cast %get3A_226 : vector<1x16xf32> to vector<16xf32>
        %get3A_228 = arith.index_cast %scan3A_151 : i32 to index
        %get3A_229 = arith.constant 64 : index
        %get3A_230 = tpu.vector_load %arg17[%get3A_228, %get3A_229] {strides = array<i32>} : memref<160x128xf32, #tpu.memory_space<vmem>>, vector<1x16xf32>,
        %get3A_231 = vector.shape_cast %get3A_230 : vector<1x16xf32> to vector<16xf32>
        %get3A_232 = arith.index_cast %scan3A_151 : i32 to index
        %get3A_233 = arith.constant 64 : index
        %get3A_234 = tpu.vector_load %arg18[%get3A_232, %get3A_233] {strides = array<i32>} : memref<160x128xf32, #tpu.memory_space<vmem>>, vector<1x16xf32>,
        %get3A_235 = vector.shape_cast %get3A_234 : vector<1x16xf32> to vector<16xf32>
        %sub3A_236 = arith.subf %get3A_227, %get3A_231 : vector<16xf32>
        %sub3A_237 = arith.subf %get3A_227, %get3A_235 : vector<16xf32>
        %mul3A_238 = arith.mulf %sub3A_236, %sub3A_236 : vector<16xf32>
        %add3A_239 = arith.addf %add3A_221, %mul3A_238 : vector<16xf32>
        %mul3A_240 = arith.mulf %sub3A_237, %sub3A_237 : vector<16xf32>
        %add3A_241 = arith.addf %add3A_223, %mul3A_240 : vector<16xf32>
        %get3A_242 = arith.index_cast %scan3A_151 : i32 to index
        %get3A_243 = arith.constant 80 : index
        %get3A_244 = tpu.vector_load %arg16[%get3A_242, %get3A_243] {strides = array<i32>} : memref<160x128xf32, #tpu.memory_space<vmem>>, vector<1x16xf32>,
        %get3A_245 = vector.shape_cast %get3A_244 : vector<1x16xf32> to vector<16xf32>
        %get3A_246 = arith.index_cast %scan3A_151 : i32 to index
        %get3A_247 = arith.constant 80 : index
        %get3A_248 = tpu.vector_load %arg17[%get3A_246, %get3A_247] {strides = array<i32>} : memref<160x128xf32, #tpu.memory_space<vmem>>, vector<1x16xf32>,
        %get3A_249 = vector.shape_cast %get3A_248 : vector<1x16xf32> to vector<16xf32>
        %get3A_250 = arith.index_cast %scan3A_151 : i32 to index
        %get3A_251 = arith.constant 80 : index
        %get3A_252 = tpu.vector_load %arg18[%get3A_250, %get3A_251] {strides = array<i32>} : memref<160x128xf32, #tpu.memory_space<vmem>>, vector<1x16xf32>,
        %get3A_253 = vector.shape_cast %get3A_252 : vector<1x16xf32> to vector<16xf32>
        %sub3A_254 = arith.subf %get3A_245, %get3A_249 : vector<16xf32>
        %sub3A_255 = arith.subf %get3A_245, %get3A_253 : vector<16xf32>
        %mul3A_256 = arith.mulf %sub3A_254, %sub3A_254 : vector<16xf32>
        %add3A_257 = arith.addf %add3A_239, %mul3A_256 : vector<16xf32>
        %mul3A_258 = arith.mulf %sub3A_255, %sub3A_255 : vector<16xf32>
        %add3A_259 = arith.addf %add3A_241, %mul3A_258 : vector<16xf32>
        %get3A_260 = arith.index_cast %scan3A_151 : i32 to index
        %get3A_261 = arith.constant 96 : index
        %get3A_262 = tpu.vector_load %arg16[%get3A_260, %get3A_261] {strides = array<i32>} : memref<160x128xf32, #tpu.memory_space<vmem>>, vector<1x16xf32>,
        %get3A_263 = vector.shape_cast %get3A_262 : vector<1x16xf32> to vector<16xf32>
        %get3A_264 = arith.index_cast %scan3A_151 : i32 to index
        %get3A_265 = arith.constant 96 : index
        %get3A_266 = tpu.vector_load %arg17[%get3A_264, %get3A_265] {strides = array<i32>} : memref<160x128xf32, #tpu.memory_space<vmem>>, vector<1x16xf32>,
        %get3A_267 = vector.shape_cast %get3A_266 : vector<1x16xf32> to vector<16xf32>
        %get3A_268 = arith.index_cast %scan3A_151 : i32 to index
        %get3A_269 = arith.constant 96 : index
        %get3A_270 = tpu.vector_load %arg18[%get3A_268, %get3A_269] {strides = array<i32>} : memref<160x128xf32, #tpu.memory_space<vmem>>, vector<1x16xf32>,
        %get3A_271 = vector.shape_cast %get3A_270 : vector<1x16xf32> to vector<16xf32>
        %sub3A_272 = arith.subf %get3A_263, %get3A_267 : vector<16xf32>
        %sub3A_273 = arith.subf %get3A_263, %get3A_271 : vector<16xf32>
        %mul3A_274 = arith.mulf %sub3A_272, %sub3A_272 : vector<16xf32>
        %add3A_275 = arith.addf %add3A_257, %mul3A_274 : vector<16xf32>
        %mul3A_276 = arith.mulf %sub3A_273, %sub3A_273 : vector<16xf32>
        %add3A_277 = arith.addf %add3A_259, %mul3A_276 : vector<16xf32>
        %get3A_278 = arith.index_cast %scan3A_151 : i32 to index
        %get3A_279 = arith.constant 112 : index
        %get3A_280 = tpu.vector_load %arg16[%get3A_278, %get3A_279] {strides = array<i32>} : memref<160x128xf32, #tpu.memory_space<vmem>>, vector<1x16xf32>,
        %get3A_281 = vector.shape_cast %get3A_280 : vector<1x16xf32> to vector<16xf32>
        %get3A_282 = arith.index_cast %scan3A_151 : i32 to index
        %get3A_283 = arith.constant 112 : index
        %get3A_284 = tpu.vector_load %arg17[%get3A_282, %get3A_283] {strides = array<i32>} : memref<160x128xf32, #tpu.memory_space<vmem>>, vector<1x16xf32>,
        %get3A_285 = vector.shape_cast %get3A_284 : vector<1x16xf32> to vector<16xf32>
        %get3A_286 = arith.index_cast %scan3A_151 : i32 to index
        %get3A_287 = arith.constant 112 : index
        %get3A_288 = tpu.vector_load %arg18[%get3A_286, %get3A_287] {strides = array<i32>} : memref<160x128xf32, #tpu.memory_space<vmem>>, vector<1x16xf32>,
        %get3A_289 = vector.shape_cast %get3A_288 : vector<1x16xf32> to vector<16xf32>
        %sub3A_290 = arith.subf %get3A_281, %get3A_285 : vector<16xf32>
        %sub3A_291 = arith.subf %get3A_281, %get3A_289 : vector<16xf32>
        %mul3A_292 = arith.mulf %sub3A_290, %sub3A_290 : vector<16xf32>
        %add3A_293 = arith.addf %add3A_275, %mul3A_292 : vector<16xf32>
        %mul3A_294 = arith.mulf %sub3A_291, %sub3A_291 : vector<16xf32>
        %add3A_295 = arith.addf %add3A_277, %mul3A_294 : vector<16xf32>
        %sub3A_296 = arith.subf %add3A_293, %add3A_295 : vector<16xf32>
        %add3A_297 = arith.addi %mul3A_144, %scan3A_151 : i32
        %lt3A_298 = arith.constant 500000 : i32
        %lt3A_299 = arith.cmpi slt, %add3A_297, %lt3A_298 : i32
        %jit3A_300 = arith.constant -1.000000e+30 : f32
        %broadcast_in_dim3A_301 = vector.broadcast %jit3A_300 : f32 to vector<16xf32>
        %select_n3A_302 = arith.select %lt3A_299, %sub3A_296, %broadcast_in_dim3A_301 : vector<16xf32>
        %xor3A = arith.constant 8 : i32
        %xor3A_303 = vector.broadcast %xor3A : i32 to vector<16xi32>
        %xor3A_304 = arith.xori %iota3A, %xor3A_303 : vector<16xi32>
        %broadcast_in_dim3A_305 = vector.shape_cast %xor3A_304 : vector<16xi32> to vector<16x1xi32>
        %gather3A = vector.shape_cast %broadcast_in_dim3A_305 : vector<16x1xi32> to vector<16xi32>
        %gather3A_306 = tpu.dynamic_gather %select_n3A_302[%gather3A] in [0] : vector<16xf32>, vector<16xi32> -> vector<16xf32>
        %add3A_307 = arith.addf %select_n3A_302, %gather3A_306 : vector<16xf32>
        %xor3A_308 = arith.constant 4 : i32
        %xor3A_309 = vector.broadcast %xor3A_308 : i32 to vector<16xi32>
        %xor3A_310 = arith.xori %iota3A, %xor3A_309 : vector<16xi32>
        %broadcast_in_dim3A_311 = vector.shape_cast %xor3A_310 : vector<16xi32> to vector<16x1xi32>
        %gather3A_312 = vector.shape_cast %broadcast_in_dim3A_311 : vector<16x1xi32> to vector<16xi32>
        %gather3A_313 = tpu.dynamic_gather %add3A_307[%gather3A_312] in [0] : vector<16xf32>, vector<16xi32> -> vector<16xf32>
        %add3A_314 = arith.addf %add3A_307, %gather3A_313 : vector<16xf32>
        %xor3A_315 = arith.constant 2 : i32
        %xor3A_316 = vector.broadcast %xor3A_315 : i32 to vector<16xi32>
        %xor3A_317 = arith.xori %iota3A, %xor3A_316 : vector<16xi32>
        %broadcast_in_dim3A_318 = vector.shape_cast %xor3A_317 : vector<16xi32> to vector<16x1xi32>
        %gather3A_319 = vector.shape_cast %broadcast_in_dim3A_318 : vector<16x1xi32> to vector<16xi32>
        %gather3A_320 = tpu.dynamic_gather %add3A_314[%gather3A_319] in [0] : vector<16xf32>, vector<16xi32> -> vector<16xf32>
        %add3A_321 = arith.addf %add3A_314, %gather3A_320 : vector<16xf32>
        %xor3A_322 = arith.constant 1 : i32
        %xor3A_323 = vector.broadcast %xor3A_322 : i32 to vector<16xi32>
        %xor3A_324 = arith.xori %iota3A, %xor3A_323 : vector<16xi32>
        %broadcast_in_dim3A_325 = vector.shape_cast %xor3A_324 : vector<16xi32> to vector<16x1xi32>
        %gather3A_326 = vector.shape_cast %broadcast_in_dim3A_325 : vector<16x1xi32> to vector<16xi32>
        %gather3A_327 = tpu.dynamic_gather %add3A_321[%gather3A_326] in [0] : vector<16xf32>, vector<16xi32> -> vector<16xf32>
        %add3A_328 = arith.addf %add3A_321, %gather3A_327 : vector<16xf32>
        %add3A_329 = arith.constant 2.000000e-01 : f32
        %add3A_330 = vector.broadcast %add3A_329 : f32 to vector<16xf32>
        %add3A_331 = arith.addf %add3A_328, %add3A_330 : vector<16xf32>
        %max3A = arith.constant 0.000000e+00 : f32
        %max3A_332 = vector.broadcast %max3A : f32 to vector<16xf32>
        %max3A_333 = arith.maximumf %add3A_331, %max3A_332 : vector<16xf32>
        %add3A_334 = arith.addf %scan3A_152, %max3A_333 : vector<16xf32>
        %scan3A_335 = arith.constant 1 : i32
        %scan3A_336 = arith.addi %scan3A_151, %scan3A_335 : i32
        %get3A_337 = arith.index_cast %scan3A_336 : i32 to index
        %get3A_338 = arith.constant 0 : index
        %get3A_339 = tpu.vector_load %arg16[%get3A_337, %get3A_338] {strides = array<i32>} : memref<160x128xf32, #tpu.memory_space<vmem>>, vector<1x16xf32>,
        %get3A_340 = vector.shape_cast %get3A_339 : vector<1x16xf32> to vector<16xf32>
        %get3A_341 = arith.index_cast %scan3A_336 : i32 to index
        %get3A_342 = arith.constant 0 : index
        %get3A_343 = tpu.vector_load %arg17[%get3A_341, %get3A_342] {strides = array<i32>} : memref<160x128xf32, #tpu.memory_space<vmem>>, vector<1x16xf32>,
        %get3A_344 = vector.shape_cast %get3A_343 : vector<1x16xf32> to vector<16xf32>
        %get3A_345 = arith.index_cast %scan3A_336 : i32 to index
        %get3A_346 = arith.constant 0 : index
        %get3A_347 = tpu.vector_load %arg18[%get3A_345, %get3A_346] {strides = array<i32>} : memref<160x128xf32, #tpu.memory_space<vmem>>, vector<1x16xf32>,
        %get3A_348 = vector.shape_cast %get3A_347 : vector<1x16xf32> to vector<16xf32>
        %sub3A_349 = arith.subf %get3A_340, %get3A_344 : vector<16xf32>
        %sub3A_350 = arith.subf %get3A_340, %get3A_348 : vector<16xf32>
        %mul3A_351 = arith.mulf %sub3A_349, %sub3A_349 : vector<16xf32>
        %add3A_352 = arith.addf %broadcast_in_dim3A_12, %mul3A_351 : vector<16xf32>
        %mul3A_353 = arith.mulf %sub3A_350, %sub3A_350 : vector<16xf32>
        %add3A_354 = arith.addf %broadcast_in_dim3A_12, %mul3A_353 : vector<16xf32>
        %get3A_355 = arith.index_cast %scan3A_336 : i32 to index
        %get3A_356 = arith.constant 16 : index
        %get3A_357 = tpu.vector_load %arg16[%get3A_355, %get3A_356] {strides = array<i32>} : memref<160x128xf32, #tpu.memory_space<vmem>>, vector<1x16xf32>,
        %get3A_358 = vector.shape_cast %get3A_357 : vector<1x16xf32> to vector<16xf32>
        %get3A_359 = arith.index_cast %scan3A_336 : i32 to index
        %get3A_360 = arith.constant 16 : index
        %get3A_361 = tpu.vector_load %arg17[%get3A_359, %get3A_360] {strides = array<i32>} : memref<160x128xf32, #tpu.memory_space<vmem>>, vector<1x16xf32>,
        %get3A_362 = vector.shape_cast %get3A_361 : vector<1x16xf32> to vector<16xf32>
        %get3A_363 = arith.index_cast %scan3A_336 : i32 to index
        %get3A_364 = arith.constant 16 : index
        %get3A_365 = tpu.vector_load %arg18[%get3A_363, %get3A_364] {strides = array<i32>} : memref<160x128xf32, #tpu.memory_space<vmem>>, vector<1x16xf32>,
        %get3A_366 = vector.shape_cast %get3A_365 : vector<1x16xf32> to vector<16xf32>
        %sub3A_367 = arith.subf %get3A_358, %get3A_362 : vector<16xf32>
        %sub3A_368 = arith.subf %get3A_358, %get3A_366 : vector<16xf32>
        %mul3A_369 = arith.mulf %sub3A_367, %sub3A_367 : vector<16xf32>
        %add3A_370 = arith.addf %add3A_352, %mul3A_369 : vector<16xf32>
        %mul3A_371 = arith.mulf %sub3A_368, %sub3A_368 : vector<16xf32>
        %add3A_372 = arith.addf %add3A_354, %mul3A_371 : vector<16xf32>
        %get3A_373 = arith.index_cast %scan3A_336 : i32 to index
        %get3A_374 = arith.constant 32 : index
        %get3A_375 = tpu.vector_load %arg16[%get3A_373, %get3A_374] {strides = array<i32>} : memref<160x128xf32, #tpu.memory_space<vmem>>, vector<1x16xf32>,
        %get3A_376 = vector.shape_cast %get3A_375 : vector<1x16xf32> to vector<16xf32>
        %get3A_377 = arith.index_cast %scan3A_336 : i32 to index
        %get3A_378 = arith.constant 32 : index
        %get3A_379 = tpu.vector_load %arg17[%get3A_377, %get3A_378] {strides = array<i32>} : memref<160x128xf32, #tpu.memory_space<vmem>>, vector<1x16xf32>,
        %get3A_380 = vector.shape_cast %get3A_379 : vector<1x16xf32> to vector<16xf32>
        %get3A_381 = arith.index_cast %scan3A_336 : i32 to index
        %get3A_382 = arith.constant 32 : index
        %get3A_383 = tpu.vector_load %arg18[%get3A_381, %get3A_382] {strides = array<i32>} : memref<160x128xf32, #tpu.memory_space<vmem>>, vector<1x16xf32>,
        %get3A_384 = vector.shape_cast %get3A_383 : vector<1x16xf32> to vector<16xf32>
        %sub3A_385 = arith.subf %get3A_376, %get3A_380 : vector<16xf32>
        %sub3A_386 = arith.subf %get3A_376, %get3A_384 : vector<16xf32>
        %mul3A_387 = arith.mulf %sub3A_385, %sub3A_385 : vector<16xf32>
        %add3A_388 = arith.addf %add3A_370, %mul3A_387 : vector<16xf32>
        %mul3A_389 = arith.mulf %sub3A_386, %sub3A_386 : vector<16xf32>
        %add3A_390 = arith.addf %add3A_372, %mul3A_389 : vector<16xf32>
        %get3A_391 = arith.index_cast %scan3A_336 : i32 to index
        %get3A_392 = arith.constant 48 : index
        %get3A_393 = tpu.vector_load %arg16[%get3A_391, %get3A_392] {strides = array<i32>} : memref<160x128xf32, #tpu.memory_space<vmem>>, vector<1x16xf32>,
        %get3A_394 = vector.shape_cast %get3A_393 : vector<1x16xf32> to vector<16xf32>
        %get3A_395 = arith.index_cast %scan3A_336 : i32 to index
        %get3A_396 = arith.constant 48 : index
        %get3A_397 = tpu.vector_load %arg17[%get3A_395, %get3A_396] {strides = array<i32>} : memref<160x128xf32, #tpu.memory_space<vmem>>, vector<1x16xf32>,
        %get3A_398 = vector.shape_cast %get3A_397 : vector<1x16xf32> to vector<16xf32>
        %get3A_399 = arith.index_cast %scan3A_336 : i32 to index
        %get3A_400 = arith.constant 48 : index
        %get3A_401 = tpu.vector_load %arg18[%get3A_399, %get3A_400] {strides = array<i32>} : memref<160x128xf32, #tpu.memory_space<vmem>>, vector<1x16xf32>,
        %get3A_402 = vector.shape_cast %get3A_401 : vector<1x16xf32> to vector<16xf32>
        %sub3A_403 = arith.subf %get3A_394, %get3A_398 : vector<16xf32>
        %sub3A_404 = arith.subf %get3A_394, %get3A_402 : vector<16xf32>
        %mul3A_405 = arith.mulf %sub3A_403, %sub3A_403 : vector<16xf32>
        %add3A_406 = arith.addf %add3A_388, %mul3A_405 : vector<16xf32>
        %mul3A_407 = arith.mulf %sub3A_404, %sub3A_404 : vector<16xf32>
        %add3A_408 = arith.addf %add3A_390, %mul3A_407 : vector<16xf32>
        %get3A_409 = arith.index_cast %scan3A_336 : i32 to index
        %get3A_410 = arith.constant 64 : index
        %get3A_411 = tpu.vector_load %arg16[%get3A_409, %get3A_410] {strides = array<i32>} : memref<160x128xf32, #tpu.memory_space<vmem>>, vector<1x16xf32>,
        %get3A_412 = vector.shape_cast %get3A_411 : vector<1x16xf32> to vector<16xf32>
        %get3A_413 = arith.index_cast %scan3A_336 : i32 to index
        %get3A_414 = arith.constant 64 : index
        %get3A_415 = tpu.vector_load %arg17[%get3A_413, %get3A_414] {strides = array<i32>} : memref<160x128xf32, #tpu.memory_space<vmem>>, vector<1x16xf32>,
        %get3A_416 = vector.shape_cast %get3A_415 : vector<1x16xf32> to vector<16xf32>
        %get3A_417 = arith.index_cast %scan3A_336 : i32 to index
        %get3A_418 = arith.constant 64 : index
        %get3A_419 = tpu.vector_load %arg18[%get3A_417, %get3A_418] {strides = array<i32>} : memref<160x128xf32, #tpu.memory_space<vmem>>, vector<1x16xf32>,
        %get3A_420 = vector.shape_cast %get3A_419 : vector<1x16xf32> to vector<16xf32>
        %sub3A_421 = arith.subf %get3A_412, %get3A_416 : vector<16xf32>
        %sub3A_422 = arith.subf %get3A_412, %get3A_420 : vector<16xf32>
        %mul3A_423 = arith.mulf %sub3A_421, %sub3A_421 : vector<16xf32>
        %add3A_424 = arith.addf %add3A_406, %mul3A_423 : vector<16xf32>
        %mul3A_425 = arith.mulf %sub3A_422, %sub3A_422 : vector<16xf32>
        %add3A_426 = arith.addf %add3A_408, %mul3A_425 : vector<16xf32>
        %get3A_427 = arith.index_cast %scan3A_336 : i32 to index
        %get3A_428 = arith.constant 80 : index
        %get3A_429 = tpu.vector_load %arg16[%get3A_427, %get3A_428] {strides = array<i32>} : memref<160x128xf32, #tpu.memory_space<vmem>>, vector<1x16xf32>,
        %get3A_430 = vector.shape_cast %get3A_429 : vector<1x16xf32> to vector<16xf32>
        %get3A_431 = arith.index_cast %scan3A_336 : i32 to index
        %get3A_432 = arith.constant 80 : index
        %get3A_433 = tpu.vector_load %arg17[%get3A_431, %get3A_432] {strides = array<i32>} : memref<160x128xf32, #tpu.memory_space<vmem>>, vector<1x16xf32>,
        %get3A_434 = vector.shape_cast %get3A_433 : vector<1x16xf32> to vector<16xf32>
        %get3A_435 = arith.index_cast %scan3A_336 : i32 to index
        %get3A_436 = arith.constant 80 : index
        %get3A_437 = tpu.vector_load %arg18[%get3A_435, %get3A_436] {strides = array<i32>} : memref<160x128xf32, #tpu.memory_space<vmem>>, vector<1x16xf32>,
        %get3A_438 = vector.shape_cast %get3A_437 : vector<1x16xf32> to vector<16xf32>
        %sub3A_439 = arith.subf %get3A_430, %get3A_434 : vector<16xf32>
        %sub3A_440 = arith.subf %get3A_430, %get3A_438 : vector<16xf32>
        %mul3A_441 = arith.mulf %sub3A_439, %sub3A_439 : vector<16xf32>
        %add3A_442 = arith.addf %add3A_424, %mul3A_441 : vector<16xf32>
        %mul3A_443 = arith.mulf %sub3A_440, %sub3A_440 : vector<16xf32>
        %add3A_444 = arith.addf %add3A_426, %mul3A_443 : vector<16xf32>
        %get3A_445 = arith.index_cast %scan3A_336 : i32 to index
        %get3A_446 = arith.constant 96 : index
        %get3A_447 = tpu.vector_load %arg16[%get3A_445, %get3A_446] {strides = array<i32>} : memref<160x128xf32, #tpu.memory_space<vmem>>, vector<1x16xf32>,
        %get3A_448 = vector.shape_cast %get3A_447 : vector<1x16xf32> to vector<16xf32>
        %get3A_449 = arith.index_cast %scan3A_336 : i32 to index
        %get3A_450 = arith.constant 96 : index
        %get3A_451 = tpu.vector_load %arg17[%get3A_449, %get3A_450] {strides = array<i32>} : memref<160x128xf32, #tpu.memory_space<vmem>>, vector<1x16xf32>,
        %get3A_452 = vector.shape_cast %get3A_451 : vector<1x16xf32> to vector<16xf32>
        %get3A_453 = arith.index_cast %scan3A_336 : i32 to index
        %get3A_454 = arith.constant 96 : index
        %get3A_455 = tpu.vector_load %arg18[%get3A_453, %get3A_454] {strides = array<i32>} : memref<160x128xf32, #tpu.memory_space<vmem>>, vector<1x16xf32>,
        %get3A_456 = vector.shape_cast %get3A_455 : vector<1x16xf32> to vector<16xf32>
        %sub3A_457 = arith.subf %get3A_448, %get3A_452 : vector<16xf32>
        %sub3A_458 = arith.subf %get3A_448, %get3A_456 : vector<16xf32>
        %mul3A_459 = arith.mulf %sub3A_457, %sub3A_457 : vector<16xf32>
        %add3A_460 = arith.addf %add3A_442, %mul3A_459 : vector<16xf32>
        %mul3A_461 = arith.mulf %sub3A_458, %sub3A_458 : vector<16xf32>
        %add3A_462 = arith.addf %add3A_444, %mul3A_461 : vector<16xf32>
        %get3A_463 = arith.index_cast %scan3A_336 : i32 to index
        %get3A_464 = arith.constant 112 : index
        %get3A_465 = tpu.vector_load %arg16[%get3A_463, %get3A_464] {strides = array<i32>} : memref<160x128xf32, #tpu.memory_space<vmem>>, vector<1x16xf32>,
        %get3A_466 = vector.shape_cast %get3A_465 : vector<1x16xf32> to vector<16xf32>
        %get3A_467 = arith.index_cast %scan3A_336 : i32 to index
        %get3A_468 = arith.constant 112 : index
        %get3A_469 = tpu.vector_load %arg17[%get3A_467, %get3A_468] {strides = array<i32>} : memref<160x128xf32, #tpu.memory_space<vmem>>, vector<1x16xf32>,
        %get3A_470 = vector.shape_cast %get3A_469 : vector<1x16xf32> to vector<16xf32>
        %get3A_471 = arith.index_cast %scan3A_336 : i32 to index
        %get3A_472 = arith.constant 112 : index
        %get3A_473 = tpu.vector_load %arg18[%get3A_471, %get3A_472] {strides = array<i32>} : memref<160x128xf32, #tpu.memory_space<vmem>>, vector<1x16xf32>,
        %get3A_474 = vector.shape_cast %get3A_473 : vector<1x16xf32> to vector<16xf32>
        %sub3A_475 = arith.subf %get3A_466, %get3A_470 : vector<16xf32>
        %sub3A_476 = arith.subf %get3A_466, %get3A_474 : vector<16xf32>
        %mul3A_477 = arith.mulf %sub3A_475, %sub3A_475 : vector<16xf32>
        %add3A_478 = arith.addf %add3A_460, %mul3A_477 : vector<16xf32>
        %mul3A_479 = arith.mulf %sub3A_476, %sub3A_476 : vector<16xf32>
        %add3A_480 = arith.addf %add3A_462, %mul3A_479 : vector<16xf32>
        %sub3A_481 = arith.subf %add3A_478, %add3A_480 : vector<16xf32>
        %add3A_482 = arith.addi %mul3A_144, %scan3A_336 : i32
        %lt3A_483 = arith.constant 500000 : i32
        %lt3A_484 = arith.cmpi slt, %add3A_482, %lt3A_483 : i32
        %jit3A_485 = arith.constant -1.000000e+30 : f32
        %broadcast_in_dim3A_486 = vector.broadcast %jit3A_485 : f32 to vector<16xf32>
        %select_n3A_487 = arith.select %lt3A_484, %sub3A_481, %broadcast_in_dim3A_486 : vector<16xf32>
        %xor3A_488 = arith.constant 8 : i32
        %xor3A_489 = vector.broadcast %xor3A_488 : i32 to vector<16xi32>
        %xor3A_490 = arith.xori %iota3A, %xor3A_489 : vector<16xi32>
        %broadcast_in_dim3A_491 = vector.shape_cast %xor3A_490 : vector<16xi32> to vector<16x1xi32>
        %gather3A_492 = vector.shape_cast %broadcast_in_dim3A_491 : vector<16x1xi32> to vector<16xi32>
        %gather3A_493 = tpu.dynamic_gather %select_n3A_487[%gather3A_492] in [0] : vector<16xf32>, vector<16xi32> -> vector<16xf32>
        %add3A_494 = arith.addf %select_n3A_487, %gather3A_493 : vector<16xf32>
        %xor3A_495 = arith.constant 4 : i32
        %xor3A_496 = vector.broadcast %xor3A_495 : i32 to vector<16xi32>
        %xor3A_497 = arith.xori %iota3A, %xor3A_496 : vector<16xi32>
        %broadcast_in_dim3A_498 = vector.shape_cast %xor3A_497 : vector<16xi32> to vector<16x1xi32>
        %gather3A_499 = vector.shape_cast %broadcast_in_dim3A_498 : vector<16x1xi32> to vector<16xi32>
        %gather3A_500 = tpu.dynamic_gather %add3A_494[%gather3A_499] in [0] : vector<16xf32>, vector<16xi32> -> vector<16xf32>
        %add3A_501 = arith.addf %add3A_494, %gather3A_500 : vector<16xf32>
        %xor3A_502 = arith.constant 2 : i32
        %xor3A_503 = vector.broadcast %xor3A_502 : i32 to vector<16xi32>
        %xor3A_504 = arith.xori %iota3A, %xor3A_503 : vector<16xi32>
        %broadcast_in_dim3A_505 = vector.shape_cast %xor3A_504 : vector<16xi32> to vector<16x1xi32>
        %gather3A_506 = vector.shape_cast %broadcast_in_dim3A_505 : vector<16x1xi32> to vector<16xi32>
        %gather3A_507 = tpu.dynamic_gather %add3A_501[%gather3A_506] in [0] : vector<16xf32>, vector<16xi32> -> vector<16xf32>
        %add3A_508 = arith.addf %add3A_501, %gather3A_507 : vector<16xf32>
        %xor3A_509 = arith.constant 1 : i32
        %xor3A_510 = vector.broadcast %xor3A_509 : i32 to vector<16xi32>
        %xor3A_511 = arith.xori %iota3A, %xor3A_510 : vector<16xi32>
        %broadcast_in_dim3A_512 = vector.shape_cast %xor3A_511 : vector<16xi32> to vector<16x1xi32>
        %gather3A_513 = vector.shape_cast %broadcast_in_dim3A_512 : vector<16x1xi32> to vector<16xi32>
        %gather3A_514 = tpu.dynamic_gather %add3A_508[%gather3A_513] in [0] : vector<16xf32>, vector<16xi32> -> vector<16xf32>
        %add3A_515 = arith.addf %add3A_508, %gather3A_514 : vector<16xf32>
        %add3A_516 = arith.constant 2.000000e-01 : f32
        %add3A_517 = vector.broadcast %add3A_516 : f32 to vector<16xf32>
        %add3A_518 = arith.addf %add3A_515, %add3A_517 : vector<16xf32>
        %max3A_519 = arith.constant 0.000000e+00 : f32
        %max3A_520 = vector.broadcast %max3A_519 : f32 to vector<16xf32>
        %max3A_521 = arith.maximumf %add3A_518, %max3A_520 : vector<16xf32>
        %add3A_522 = arith.addf %add3A_334, %max3A_521 : vector<16xf32>
        scf.yield %add3A_522 : vector<16xf32>
      }
      %scan3A_150 = arith.constant 160 : i32
      scf.yield %scan3A_149 : vector<16xf32>
    }
    %while3A_78 = arith.constant 1 : i32
    %while3A_79 = scf.for %while3A_85 = %while3A_75 to %while3A_71 step %while3A_78 iter_args(%while3A_86 = %while3A_77) -> (vector<16xf32>)  : i32 {
      %mul3A_87 = arith.constant 2 : i32
      %mul3A_88 = arith.muli %mul3A_87, %while3A_85 : i32
      %add3A_89 = arith.constant 0 : i32
      %add3A_90 = arith.addi %mul3A_88, %add3A_89 : i32
      %dma_wait3A_91 = arith.constant 0 : i32
      %dma_wait3A_92 = arith.constant 0 : i32
      %dma_wait3A_93 = tpu.memref_slice %arg2[%dma_wait3A_91, %dma_wait3A_92] : memref<100000x128xf32, #tpu.memory_space<hbm>> -> memref<100000x128xf32, #tpu.memory_space<hbm>>
      tpu.wait_indirect_dma semaphore(%arg22 : memref<!tpu.dma_semaphore, #tpu.memory_space<semaphore_mem>>) src(%dma_wait3A_93 : memref<100000x128xf32, #tpu.memory_space<hbm>>) dst(%arg13 : memref<160x128xf32, #tpu.memory_space<vmem>>)
      %dma_wait3A_94 = arith.constant 0 : i32
      %dma_wait3A_95 = arith.constant 0 : i32
      %dma_wait3A_96 = tpu.memref_slice %arg2[%dma_wait3A_94, %dma_wait3A_95] : memref<100000x128xf32, #tpu.memory_space<hbm>> -> memref<100000x128xf32, #tpu.memory_space<hbm>>
      tpu.wait_indirect_dma semaphore(%arg22 : memref<!tpu.dma_semaphore, #tpu.memory_space<semaphore_mem>>) src(%dma_wait3A_96 : memref<100000x128xf32, #tpu.memory_space<hbm>>) dst(%arg14 : memref<160x128xf32, #tpu.memory_space<vmem>>)
      %dma_wait3A_97 = arith.constant 0 : i32
      %dma_wait3A_98 = arith.constant 0 : i32
      %dma_wait3A_99 = tpu.memref_slice %arg2[%dma_wait3A_97, %dma_wait3A_98] : memref<100000x128xf32, #tpu.memory_space<hbm>> -> memref<100000x128xf32, #tpu.memory_space<hbm>>
      tpu.wait_indirect_dma semaphore(%arg22 : memref<!tpu.dma_semaphore, #tpu.memory_space<semaphore_mem>>) src(%dma_wait3A_99 : memref<100000x128xf32, #tpu.memory_space<hbm>>) dst(%arg15 : memref<160x128xf32, #tpu.memory_space<vmem>>)
      %add3A_100 = arith.constant 2 : i32
      %add3A_101 = arith.addi %add3A_90, %add3A_100 : i32
      %lt3A = arith.cmpi slt, %add3A_101, %select_n3A : i32
      %convert_element_type3A = arith.extui %lt3A : i1 to i32
      %cond3A = arith.constant 0 : i32
      %cond3A_102 = arith.cmpi ne, %convert_element_type3A, %cond3A : i32
      scf.if %cond3A_102 {
        %add3A_151 = arith.constant 2 : i32
        %add3A_152 = arith.addi %add3A_90, %add3A_151 : i32
        %add3A_153 = arith.addi %select_n3A_11, %add3A_152 : i32
        %mul3A_154 = arith.constant 160 : i32
        %mul3A_155 = arith.muli %add3A_153, %mul3A_154 : i32
        %dma_start3A_156 = tpu.memref_slice %arg3[%mul3A_155] : memref<501760xi32, #tpu.memory_space<hbm>> -> memref<160xi32, #tpu.memory_space<hbm>>
        %dma_start3A_157 = tpu.memref_slice %arg3[%mul3A_155] : memref<501760xi32, #tpu.memory_space<hbm>> -> memref<160xi32, #tpu.memory_space<hbm>>
        tpu.enqueue_dma source(%dma_start3A_157 : memref<160xi32, #tpu.memory_space<hbm>>) target(%arg7 : memref<160xi32, #tpu.memory_space<vmem>>) target_semaphore(%arg20 : memref<!tpu.dma_semaphore, #tpu.memory_space<semaphore_mem>>)
        %dma_start3A_158 = tpu.memref_slice %arg4[%mul3A_155] : memref<501760xi32, #tpu.memory_space<hbm>> -> memref<160xi32, #tpu.memory_space<hbm>>
        %dma_start3A_159 = tpu.memref_slice %arg4[%mul3A_155] : memref<501760xi32, #tpu.memory_space<hbm>> -> memref<160xi32, #tpu.memory_space<hbm>>
        tpu.enqueue_dma source(%dma_start3A_159 : memref<160xi32, #tpu.memory_space<hbm>>) target(%arg8 : memref<160xi32, #tpu.memory_space<vmem>>) target_semaphore(%arg20 : memref<!tpu.dma_semaphore, #tpu.memory_space<semaphore_mem>>)
        %dma_start3A_160 = tpu.memref_slice %arg5[%mul3A_155] : memref<501760xi32, #tpu.memory_space<hbm>> -> memref<160xi32, #tpu.memory_space<hbm>>
        %dma_start3A_161 = tpu.memref_slice %arg5[%mul3A_155] : memref<501760xi32, #tpu.memory_space<hbm>> -> memref<160xi32, #tpu.memory_space<hbm>>
        tpu.enqueue_dma source(%dma_start3A_161 : memref<160xi32, #tpu.memory_space<hbm>>) target(%arg9 : memref<160xi32, #tpu.memory_space<vmem>>) target_semaphore(%arg20 : memref<!tpu.dma_semaphore, #tpu.memory_space<semaphore_mem>>)
      } else {
      }
      %add3A_103 = arith.constant 1 : i32
      %add3A_104 = arith.addi %add3A_90, %add3A_103 : i32
      %lt3A_105 = arith.cmpi slt, %add3A_104, %select_n3A : i32
      %convert_element_type3A_106 = arith.extui %lt3A_105 : i1 to i32
      %cond3A_107 = arith.constant 0 : i32
      %cond3A_108 = arith.cmpi ne, %convert_element_type3A_106, %cond3A_107 : i32
      scf.if %cond3A_108 {
        %dma_wait3A_151 = arith.constant 0 : i32
        %dma_wait3A_152 = tpu.memref_slice %arg3[%dma_wait3A_151] : memref<501760xi32, #tpu.memory_space<hbm>> -> memref<160xi32, #tpu.memory_space<hbm>>
        %dma_wait3A_153 = arith.constant 0 : i32
        %dma_wait3A_154 = tpu.memref_slice %arg3[%dma_wait3A_153] : memref<501760xi32, #tpu.memory_space<hbm>> -> memref<160xi32, #tpu.memory_space<hbm>>
        tpu.wait_dma2 semaphore(%arg21 : memref<!tpu.dma_semaphore, #tpu.memory_space<semaphore_mem>>) src(%dma_wait3A_154 : memref<160xi32, #tpu.memory_space<hbm>>) dst(%arg10 : memref<160xi32, #tpu.memory_space<vmem>>)
        %dma_wait3A_155 = arith.constant 0 : i32
        %dma_wait3A_156 = tpu.memref_slice %arg4[%dma_wait3A_155] : memref<501760xi32, #tpu.memory_space<hbm>> -> memref<160xi32, #tpu.memory_space<hbm>>
        %dma_wait3A_157 = arith.constant 0 : i32
        %dma_wait3A_158 = tpu.memref_slice %arg4[%dma_wait3A_157] : memref<501760xi32, #tpu.memory_space<hbm>> -> memref<160xi32, #tpu.memory_space<hbm>>
        tpu.wait_dma2 semaphore(%arg21 : memref<!tpu.dma_semaphore, #tpu.memory_space<semaphore_mem>>) src(%dma_wait3A_158 : memref<160xi32, #tpu.memory_space<hbm>>) dst(%arg11 : memref<160xi32, #tpu.memory_space<vmem>>)
        %dma_wait3A_159 = arith.constant 0 : i32
        %dma_wait3A_160 = tpu.memref_slice %arg5[%dma_wait3A_159] : memref<501760xi32, #tpu.memory_space<hbm>> -> memref<160xi32, #tpu.memory_space<hbm>>
        %dma_wait3A_161 = arith.constant 0 : i32
        %dma_wait3A_162 = tpu.memref_slice %arg5[%dma_wait3A_161] : memref<501760xi32, #tpu.memory_space<hbm>> -> memref<160xi32, #tpu.memory_space<hbm>>
        tpu.wait_dma2 semaphore(%arg21 : memref<!tpu.dma_semaphore, #tpu.memory_space<semaphore_mem>>) src(%dma_wait3A_162 : memref<160xi32, #tpu.memory_space<hbm>>) dst(%arg12 : memref<160xi32, #tpu.memory_space<vmem>>)
        %dma_start3A_163 = arith.constant 0 : i32
        %dma_start3A_164 = arith.constant 0 : i32
        %dma_start3A_165 = tpu.memref_slice %arg2[%dma_start3A_163, %dma_start3A_164] : memref<100000x128xf32, #tpu.memory_space<hbm>> -> memref<100000x128xf32, #tpu.memory_space<hbm>>
        tpu.enqueue_indirect_dma source(%dma_start3A_165 : memref<100000x128xf32, #tpu.memory_space<hbm>>) target(%arg16 : memref<160x128xf32, #tpu.memory_space<vmem>>) offsets(%arg10 : memref<160xi32, #tpu.memory_space<vmem>>) semaphore(%arg23 : memref<!tpu.dma_semaphore, #tpu.memory_space<semaphore_mem>>)
        %dma_start3A_166 = arith.constant 0 : i32
        %dma_start3A_167 = arith.constant 0 : i32
        %dma_start3A_168 = tpu.memref_slice %arg2[%dma_start3A_166, %dma_start3A_167] : memref<100000x128xf32, #tpu.memory_space<hbm>> -> memref<100000x128xf32, #tpu.memory_space<hbm>>
        tpu.enqueue_indirect_dma source(%dma_start3A_168 : memref<100000x128xf32, #tpu.memory_space<hbm>>) target(%arg17 : memref<160x128xf32, #tpu.memory_space<vmem>>) offsets(%arg11 : memref<160xi32, #tpu.memory_space<vmem>>) semaphore(%arg23 : memref<!tpu.dma_semaphore, #tpu.memory_space<semaphore_mem>>)
        %dma_start3A_169 = arith.constant 0 : i32
        %dma_start3A_170 = arith.constant 0 : i32
        %dma_start3A_171 = tpu.memref_slice %arg2[%dma_start3A_169, %dma_start3A_170] : memref<100000x128xf32, #tpu.memory_space<hbm>> -> memref<100000x128xf32, #tpu.memory_space<hbm>>
        tpu.enqueue_indirect_dma source(%dma_start3A_171 : memref<100000x128xf32, #tpu.memory_space<hbm>>) target(%arg18 : memref<160x128xf32, #tpu.memory_space<vmem>>) offsets(%arg12 : memref<160xi32, #tpu.memory_space<vmem>>) semaphore(%arg23 : memref<!tpu.dma_semaphore, #tpu.memory_space<semaphore_mem>>)
      } else {
      }
      %add3A_109 = arith.addi %select_n3A_11, %add3A_90 : i32
      %mul3A_110 = arith.constant 160 : i32
      %mul3A_111 = arith.muli %add3A_109, %mul3A_110 : i32
      %scan3A = arith.constant 0 : i32
      %scan3A_112 = arith.constant 160 : i32
      %scan3A_113 = arith.addi %scan3A, %scan3A_112 : i32
      %scan3A_114 = arith.constant 2 : i32
      %scan3A_115 = scf.for %scan3A_151 = %scan3A to %scan3A_113 step %scan3A_114 iter_args(%scan3A_152 = %while3A_86) -> (vector<16xf32>)  : i32 {
        %get3A = arith.index_cast %scan3A_151 : i32 to index
        %get3A_153 = arith.constant 0 : index
        %get3A_154 = tpu.vector_load %arg13[%get3A, %get3A_153] {strides = array<i32>} : memref<160x128xf32, #tpu.memory_space<vmem>>, vector<1x16xf32>,
        %get3A_155 = vector.shape_cast %get3A_154 : vector<1x16xf32> to vector<16xf32>
        %get3A_156 = arith.index_cast %scan3A_151 : i32 to index
        %get3A_157 = arith.constant 0 : index
        %get3A_158 = tpu.vector_load %arg14[%get3A_156, %get3A_157] {strides = array<i32>} : memref<160x128xf32, #tpu.memory_space<vmem>>, vector<1x16xf32>,
        %get3A_159 = vector.shape_cast %get3A_158 : vector<1x16xf32> to vector<16xf32>
        %get3A_160 = arith.index_cast %scan3A_151 : i32 to index
        %get3A_161 = arith.constant 0 : index
        %get3A_162 = tpu.vector_load %arg15[%get3A_160, %get3A_161] {strides = array<i32>} : memref<160x128xf32, #tpu.memory_space<vmem>>, vector<1x16xf32>,
        %get3A_163 = vector.shape_cast %get3A_162 : vector<1x16xf32> to vector<16xf32>
        %sub3A_164 = arith.subf %get3A_155, %get3A_159 : vector<16xf32>
        %sub3A_165 = arith.subf %get3A_155, %get3A_163 : vector<16xf32>
        %mul3A_166 = arith.mulf %sub3A_164, %sub3A_164 : vector<16xf32>
        %add3A_167 = arith.addf %broadcast_in_dim3A_12, %mul3A_166 : vector<16xf32>
        %mul3A_168 = arith.mulf %sub3A_165, %sub3A_165 : vector<16xf32>
        %add3A_169 = arith.addf %broadcast_in_dim3A_12, %mul3A_168 : vector<16xf32>
        %get3A_170 = arith.index_cast %scan3A_151 : i32 to index
        %get3A_171 = arith.constant 16 : index
        %get3A_172 = tpu.vector_load %arg13[%get3A_170, %get3A_171] {strides = array<i32>} : memref<160x128xf32, #tpu.memory_space<vmem>>, vector<1x16xf32>,
        %get3A_173 = vector.shape_cast %get3A_172 : vector<1x16xf32> to vector<16xf32>
        %get3A_174 = arith.index_cast %scan3A_151 : i32 to index
        %get3A_175 = arith.constant 16 : index
        %get3A_176 = tpu.vector_load %arg14[%get3A_174, %get3A_175] {strides = array<i32>} : memref<160x128xf32, #tpu.memory_space<vmem>>, vector<1x16xf32>,
        %get3A_177 = vector.shape_cast %get3A_176 : vector<1x16xf32> to vector<16xf32>
        %get3A_178 = arith.index_cast %scan3A_151 : i32 to index
        %get3A_179 = arith.constant 16 : index
        %get3A_180 = tpu.vector_load %arg15[%get3A_178, %get3A_179] {strides = array<i32>} : memref<160x128xf32, #tpu.memory_space<vmem>>, vector<1x16xf32>,
        %get3A_181 = vector.shape_cast %get3A_180 : vector<1x16xf32> to vector<16xf32>
        %sub3A_182 = arith.subf %get3A_173, %get3A_177 : vector<16xf32>
        %sub3A_183 = arith.subf %get3A_173, %get3A_181 : vector<16xf32>
        %mul3A_184 = arith.mulf %sub3A_182, %sub3A_182 : vector<16xf32>
        %add3A_185 = arith.addf %add3A_167, %mul3A_184 : vector<16xf32>
        %mul3A_186 = arith.mulf %sub3A_183, %sub3A_183 : vector<16xf32>
        %add3A_187 = arith.addf %add3A_169, %mul3A_186 : vector<16xf32>
        %get3A_188 = arith.index_cast %scan3A_151 : i32 to index
        %get3A_189 = arith.constant 32 : index
        %get3A_190 = tpu.vector_load %arg13[%get3A_188, %get3A_189] {strides = array<i32>} : memref<160x128xf32, #tpu.memory_space<vmem>>, vector<1x16xf32>,
        %get3A_191 = vector.shape_cast %get3A_190 : vector<1x16xf32> to vector<16xf32>
        %get3A_192 = arith.index_cast %scan3A_151 : i32 to index
        %get3A_193 = arith.constant 32 : index
        %get3A_194 = tpu.vector_load %arg14[%get3A_192, %get3A_193] {strides = array<i32>} : memref<160x128xf32, #tpu.memory_space<vmem>>, vector<1x16xf32>,
        %get3A_195 = vector.shape_cast %get3A_194 : vector<1x16xf32> to vector<16xf32>
        %get3A_196 = arith.index_cast %scan3A_151 : i32 to index
        %get3A_197 = arith.constant 32 : index
        %get3A_198 = tpu.vector_load %arg15[%get3A_196, %get3A_197] {strides = array<i32>} : memref<160x128xf32, #tpu.memory_space<vmem>>, vector<1x16xf32>,
        %get3A_199 = vector.shape_cast %get3A_198 : vector<1x16xf32> to vector<16xf32>
        %sub3A_200 = arith.subf %get3A_191, %get3A_195 : vector<16xf32>
        %sub3A_201 = arith.subf %get3A_191, %get3A_199 : vector<16xf32>
        %mul3A_202 = arith.mulf %sub3A_200, %sub3A_200 : vector<16xf32>
        %add3A_203 = arith.addf %add3A_185, %mul3A_202 : vector<16xf32>
        %mul3A_204 = arith.mulf %sub3A_201, %sub3A_201 : vector<16xf32>
        %add3A_205 = arith.addf %add3A_187, %mul3A_204 : vector<16xf32>
        %get3A_206 = arith.index_cast %scan3A_151 : i32 to index
        %get3A_207 = arith.constant 48 : index
        %get3A_208 = tpu.vector_load %arg13[%get3A_206, %get3A_207] {strides = array<i32>} : memref<160x128xf32, #tpu.memory_space<vmem>>, vector<1x16xf32>,
        %get3A_209 = vector.shape_cast %get3A_208 : vector<1x16xf32> to vector<16xf32>
        %get3A_210 = arith.index_cast %scan3A_151 : i32 to index
        %get3A_211 = arith.constant 48 : index
        %get3A_212 = tpu.vector_load %arg14[%get3A_210, %get3A_211] {strides = array<i32>} : memref<160x128xf32, #tpu.memory_space<vmem>>, vector<1x16xf32>,
        %get3A_213 = vector.shape_cast %get3A_212 : vector<1x16xf32> to vector<16xf32>
        %get3A_214 = arith.index_cast %scan3A_151 : i32 to index
        %get3A_215 = arith.constant 48 : index
        %get3A_216 = tpu.vector_load %arg15[%get3A_214, %get3A_215] {strides = array<i32>} : memref<160x128xf32, #tpu.memory_space<vmem>>, vector<1x16xf32>,
        %get3A_217 = vector.shape_cast %get3A_216 : vector<1x16xf32> to vector<16xf32>
        %sub3A_218 = arith.subf %get3A_209, %get3A_213 : vector<16xf32>
        %sub3A_219 = arith.subf %get3A_209, %get3A_217 : vector<16xf32>
        %mul3A_220 = arith.mulf %sub3A_218, %sub3A_218 : vector<16xf32>
        %add3A_221 = arith.addf %add3A_203, %mul3A_220 : vector<16xf32>
        %mul3A_222 = arith.mulf %sub3A_219, %sub3A_219 : vector<16xf32>
        %add3A_223 = arith.addf %add3A_205, %mul3A_222 : vector<16xf32>
        %get3A_224 = arith.index_cast %scan3A_151 : i32 to index
        %get3A_225 = arith.constant 64 : index
        %get3A_226 = tpu.vector_load %arg13[%get3A_224, %get3A_225] {strides = array<i32>} : memref<160x128xf32, #tpu.memory_space<vmem>>, vector<1x16xf32>,
        %get3A_227 = vector.shape_cast %get3A_226 : vector<1x16xf32> to vector<16xf32>
        %get3A_228 = arith.index_cast %scan3A_151 : i32 to index
        %get3A_229 = arith.constant 64 : index
        %get3A_230 = tpu.vector_load %arg14[%get3A_228, %get3A_229] {strides = array<i32>} : memref<160x128xf32, #tpu.memory_space<vmem>>, vector<1x16xf32>,
        %get3A_231 = vector.shape_cast %get3A_230 : vector<1x16xf32> to vector<16xf32>
        %get3A_232 = arith.index_cast %scan3A_151 : i32 to index
        %get3A_233 = arith.constant 64 : index
        %get3A_234 = tpu.vector_load %arg15[%get3A_232, %get3A_233] {strides = array<i32>} : memref<160x128xf32, #tpu.memory_space<vmem>>, vector<1x16xf32>,
        %get3A_235 = vector.shape_cast %get3A_234 : vector<1x16xf32> to vector<16xf32>
        %sub3A_236 = arith.subf %get3A_227, %get3A_231 : vector<16xf32>
        %sub3A_237 = arith.subf %get3A_227, %get3A_235 : vector<16xf32>
        %mul3A_238 = arith.mulf %sub3A_236, %sub3A_236 : vector<16xf32>
        %add3A_239 = arith.addf %add3A_221, %mul3A_238 : vector<16xf32>
        %mul3A_240 = arith.mulf %sub3A_237, %sub3A_237 : vector<16xf32>
        %add3A_241 = arith.addf %add3A_223, %mul3A_240 : vector<16xf32>
        %get3A_242 = arith.index_cast %scan3A_151 : i32 to index
        %get3A_243 = arith.constant 80 : index
        %get3A_244 = tpu.vector_load %arg13[%get3A_242, %get3A_243] {strides = array<i32>} : memref<160x128xf32, #tpu.memory_space<vmem>>, vector<1x16xf32>,
        %get3A_245 = vector.shape_cast %get3A_244 : vector<1x16xf32> to vector<16xf32>
        %get3A_246 = arith.index_cast %scan3A_151 : i32 to index
        %get3A_247 = arith.constant 80 : index
        %get3A_248 = tpu.vector_load %arg14[%get3A_246, %get3A_247] {strides = array<i32>} : memref<160x128xf32, #tpu.memory_space<vmem>>, vector<1x16xf32>,
        %get3A_249 = vector.shape_cast %get3A_248 : vector<1x16xf32> to vector<16xf32>
        %get3A_250 = arith.index_cast %scan3A_151 : i32 to index
        %get3A_251 = arith.constant 80 : index
        %get3A_252 = tpu.vector_load %arg15[%get3A_250, %get3A_251] {strides = array<i32>} : memref<160x128xf32, #tpu.memory_space<vmem>>, vector<1x16xf32>,
        %get3A_253 = vector.shape_cast %get3A_252 : vector<1x16xf32> to vector<16xf32>
        %sub3A_254 = arith.subf %get3A_245, %get3A_249 : vector<16xf32>
        %sub3A_255 = arith.subf %get3A_245, %get3A_253 : vector<16xf32>
        %mul3A_256 = arith.mulf %sub3A_254, %sub3A_254 : vector<16xf32>
        %add3A_257 = arith.addf %add3A_239, %mul3A_256 : vector<16xf32>
        %mul3A_258 = arith.mulf %sub3A_255, %sub3A_255 : vector<16xf32>
        %add3A_259 = arith.addf %add3A_241, %mul3A_258 : vector<16xf32>
        %get3A_260 = arith.index_cast %scan3A_151 : i32 to index
        %get3A_261 = arith.constant 96 : index
        %get3A_262 = tpu.vector_load %arg13[%get3A_260, %get3A_261] {strides = array<i32>} : memref<160x128xf32, #tpu.memory_space<vmem>>, vector<1x16xf32>,
        %get3A_263 = vector.shape_cast %get3A_262 : vector<1x16xf32> to vector<16xf32>
        %get3A_264 = arith.index_cast %scan3A_151 : i32 to index
        %get3A_265 = arith.constant 96 : index
        %get3A_266 = tpu.vector_load %arg14[%get3A_264, %get3A_265] {strides = array<i32>} : memref<160x128xf32, #tpu.memory_space<vmem>>, vector<1x16xf32>,
        %get3A_267 = vector.shape_cast %get3A_266 : vector<1x16xf32> to vector<16xf32>
        %get3A_268 = arith.index_cast %scan3A_151 : i32 to index
        %get3A_269 = arith.constant 96 : index
        %get3A_270 = tpu.vector_load %arg15[%get3A_268, %get3A_269] {strides = array<i32>} : memref<160x128xf32, #tpu.memory_space<vmem>>, vector<1x16xf32>,
        %get3A_271 = vector.shape_cast %get3A_270 : vector<1x16xf32> to vector<16xf32>
        %sub3A_272 = arith.subf %get3A_263, %get3A_267 : vector<16xf32>
        %sub3A_273 = arith.subf %get3A_263, %get3A_271 : vector<16xf32>
        %mul3A_274 = arith.mulf %sub3A_272, %sub3A_272 : vector<16xf32>
        %add3A_275 = arith.addf %add3A_257, %mul3A_274 : vector<16xf32>
        %mul3A_276 = arith.mulf %sub3A_273, %sub3A_273 : vector<16xf32>
        %add3A_277 = arith.addf %add3A_259, %mul3A_276 : vector<16xf32>
        %get3A_278 = arith.index_cast %scan3A_151 : i32 to index
        %get3A_279 = arith.constant 112 : index
        %get3A_280 = tpu.vector_load %arg13[%get3A_278, %get3A_279] {strides = array<i32>} : memref<160x128xf32, #tpu.memory_space<vmem>>, vector<1x16xf32>,
        %get3A_281 = vector.shape_cast %get3A_280 : vector<1x16xf32> to vector<16xf32>
        %get3A_282 = arith.index_cast %scan3A_151 : i32 to index
        %get3A_283 = arith.constant 112 : index
        %get3A_284 = tpu.vector_load %arg14[%get3A_282, %get3A_283] {strides = array<i32>} : memref<160x128xf32, #tpu.memory_space<vmem>>, vector<1x16xf32>,
        %get3A_285 = vector.shape_cast %get3A_284 : vector<1x16xf32> to vector<16xf32>
        %get3A_286 = arith.index_cast %scan3A_151 : i32 to index
        %get3A_287 = arith.constant 112 : index
        %get3A_288 = tpu.vector_load %arg15[%get3A_286, %get3A_287] {strides = array<i32>} : memref<160x128xf32, #tpu.memory_space<vmem>>, vector<1x16xf32>,
        %get3A_289 = vector.shape_cast %get3A_288 : vector<1x16xf32> to vector<16xf32>
        %sub3A_290 = arith.subf %get3A_281, %get3A_285 : vector<16xf32>
        %sub3A_291 = arith.subf %get3A_281, %get3A_289 : vector<16xf32>
        %mul3A_292 = arith.mulf %sub3A_290, %sub3A_290 : vector<16xf32>
        %add3A_293 = arith.addf %add3A_275, %mul3A_292 : vector<16xf32>
        %mul3A_294 = arith.mulf %sub3A_291, %sub3A_291 : vector<16xf32>
        %add3A_295 = arith.addf %add3A_277, %mul3A_294 : vector<16xf32>
        %sub3A_296 = arith.subf %add3A_293, %add3A_295 : vector<16xf32>
        %add3A_297 = arith.addi %mul3A_111, %scan3A_151 : i32
        %lt3A_298 = arith.constant 500000 : i32
        %lt3A_299 = arith.cmpi slt, %add3A_297, %lt3A_298 : i32
        %jit3A_300 = arith.constant -1.000000e+30 : f32
        %broadcast_in_dim3A_301 = vector.broadcast %jit3A_300 : f32 to vector<16xf32>
        %select_n3A_302 = arith.select %lt3A_299, %sub3A_296, %broadcast_in_dim3A_301 : vector<16xf32>
        %xor3A = arith.constant 8 : i32
        %xor3A_303 = vector.broadcast %xor3A : i32 to vector<16xi32>
        %xor3A_304 = arith.xori %iota3A, %xor3A_303 : vector<16xi32>
        %broadcast_in_dim3A_305 = vector.shape_cast %xor3A_304 : vector<16xi32> to vector<16x1xi32>
        %gather3A = vector.shape_cast %broadcast_in_dim3A_305 : vector<16x1xi32> to vector<16xi32>
        %gather3A_306 = tpu.dynamic_gather %select_n3A_302[%gather3A] in [0] : vector<16xf32>, vector<16xi32> -> vector<16xf32>
        %add3A_307 = arith.addf %select_n3A_302, %gather3A_306 : vector<16xf32>
        %xor3A_308 = arith.constant 4 : i32
        %xor3A_309 = vector.broadcast %xor3A_308 : i32 to vector<16xi32>
        %xor3A_310 = arith.xori %iota3A, %xor3A_309 : vector<16xi32>
        %broadcast_in_dim3A_311 = vector.shape_cast %xor3A_310 : vector<16xi32> to vector<16x1xi32>
        %gather3A_312 = vector.shape_cast %broadcast_in_dim3A_311 : vector<16x1xi32> to vector<16xi32>
        %gather3A_313 = tpu.dynamic_gather %add3A_307[%gather3A_312] in [0] : vector<16xf32>, vector<16xi32> -> vector<16xf32>
        %add3A_314 = arith.addf %add3A_307, %gather3A_313 : vector<16xf32>
        %xor3A_315 = arith.constant 2 : i32
        %xor3A_316 = vector.broadcast %xor3A_315 : i32 to vector<16xi32>
        %xor3A_317 = arith.xori %iota3A, %xor3A_316 : vector<16xi32>
        %broadcast_in_dim3A_318 = vector.shape_cast %xor3A_317 : vector<16xi32> to vector<16x1xi32>
        %gather3A_319 = vector.shape_cast %broadcast_in_dim3A_318 : vector<16x1xi32> to vector<16xi32>
        %gather3A_320 = tpu.dynamic_gather %add3A_314[%gather3A_319] in [0] : vector<16xf32>, vector<16xi32> -> vector<16xf32>
        %add3A_321 = arith.addf %add3A_314, %gather3A_320 : vector<16xf32>
        %xor3A_322 = arith.constant 1 : i32
        %xor3A_323 = vector.broadcast %xor3A_322 : i32 to vector<16xi32>
        %xor3A_324 = arith.xori %iota3A, %xor3A_323 : vector<16xi32>
        %broadcast_in_dim3A_325 = vector.shape_cast %xor3A_324 : vector<16xi32> to vector<16x1xi32>
        %gather3A_326 = vector.shape_cast %broadcast_in_dim3A_325 : vector<16x1xi32> to vector<16xi32>
        %gather3A_327 = tpu.dynamic_gather %add3A_321[%gather3A_326] in [0] : vector<16xf32>, vector<16xi32> -> vector<16xf32>
        %add3A_328 = arith.addf %add3A_321, %gather3A_327 : vector<16xf32>
        %add3A_329 = arith.constant 2.000000e-01 : f32
        %add3A_330 = vector.broadcast %add3A_329 : f32 to vector<16xf32>
        %add3A_331 = arith.addf %add3A_328, %add3A_330 : vector<16xf32>
        %max3A = arith.constant 0.000000e+00 : f32
        %max3A_332 = vector.broadcast %max3A : f32 to vector<16xf32>
        %max3A_333 = arith.maximumf %add3A_331, %max3A_332 : vector<16xf32>
        %add3A_334 = arith.addf %scan3A_152, %max3A_333 : vector<16xf32>
        %scan3A_335 = arith.constant 1 : i32
        %scan3A_336 = arith.addi %scan3A_151, %scan3A_335 : i32
        %get3A_337 = arith.index_cast %scan3A_336 : i32 to index
        %get3A_338 = arith.constant 0 : index
        %get3A_339 = tpu.vector_load %arg13[%get3A_337, %get3A_338] {strides = array<i32>} : memref<160x128xf32, #tpu.memory_space<vmem>>, vector<1x16xf32>,
        %get3A_340 = vector.shape_cast %get3A_339 : vector<1x16xf32> to vector<16xf32>
        %get3A_341 = arith.index_cast %scan3A_336 : i32 to index
        %get3A_342 = arith.constant 0 : index
        %get3A_343 = tpu.vector_load %arg14[%get3A_341, %get3A_342] {strides = array<i32>} : memref<160x128xf32, #tpu.memory_space<vmem>>, vector<1x16xf32>,
        %get3A_344 = vector.shape_cast %get3A_343 : vector<1x16xf32> to vector<16xf32>
        %get3A_345 = arith.index_cast %scan3A_336 : i32 to index
        %get3A_346 = arith.constant 0 : index
        %get3A_347 = tpu.vector_load %arg15[%get3A_345, %get3A_346] {strides = array<i32>} : memref<160x128xf32, #tpu.memory_space<vmem>>, vector<1x16xf32>,
        %get3A_348 = vector.shape_cast %get3A_347 : vector<1x16xf32> to vector<16xf32>
        %sub3A_349 = arith.subf %get3A_340, %get3A_344 : vector<16xf32>
        %sub3A_350 = arith.subf %get3A_340, %get3A_348 : vector<16xf32>
        %mul3A_351 = arith.mulf %sub3A_349, %sub3A_349 : vector<16xf32>
        %add3A_352 = arith.addf %broadcast_in_dim3A_12, %mul3A_351 : vector<16xf32>
        %mul3A_353 = arith.mulf %sub3A_350, %sub3A_350 : vector<16xf32>
        %add3A_354 = arith.addf %broadcast_in_dim3A_12, %mul3A_353 : vector<16xf32>
        %get3A_355 = arith.index_cast %scan3A_336 : i32 to index
        %get3A_356 = arith.constant 16 : index
        %get3A_357 = tpu.vector_load %arg13[%get3A_355, %get3A_356] {strides = array<i32>} : memref<160x128xf32, #tpu.memory_space<vmem>>, vector<1x16xf32>,
        %get3A_358 = vector.shape_cast %get3A_357 : vector<1x16xf32> to vector<16xf32>
        %get3A_359 = arith.index_cast %scan3A_336 : i32 to index
        %get3A_360 = arith.constant 16 : index
        %get3A_361 = tpu.vector_load %arg14[%get3A_359, %get3A_360] {strides = array<i32>} : memref<160x128xf32, #tpu.memory_space<vmem>>, vector<1x16xf32>,
        %get3A_362 = vector.shape_cast %get3A_361 : vector<1x16xf32> to vector<16xf32>
        %get3A_363 = arith.index_cast %scan3A_336 : i32 to index
        %get3A_364 = arith.constant 16 : index
        %get3A_365 = tpu.vector_load %arg15[%get3A_363, %get3A_364] {strides = array<i32>} : memref<160x128xf32, #tpu.memory_space<vmem>>, vector<1x16xf32>,
        %get3A_366 = vector.shape_cast %get3A_365 : vector<1x16xf32> to vector<16xf32>
        %sub3A_367 = arith.subf %get3A_358, %get3A_362 : vector<16xf32>
        %sub3A_368 = arith.subf %get3A_358, %get3A_366 : vector<16xf32>
        %mul3A_369 = arith.mulf %sub3A_367, %sub3A_367 : vector<16xf32>
        %add3A_370 = arith.addf %add3A_352, %mul3A_369 : vector<16xf32>
        %mul3A_371 = arith.mulf %sub3A_368, %sub3A_368 : vector<16xf32>
        %add3A_372 = arith.addf %add3A_354, %mul3A_371 : vector<16xf32>
        %get3A_373 = arith.index_cast %scan3A_336 : i32 to index
        %get3A_374 = arith.constant 32 : index
        %get3A_375 = tpu.vector_load %arg13[%get3A_373, %get3A_374] {strides = array<i32>} : memref<160x128xf32, #tpu.memory_space<vmem>>, vector<1x16xf32>,
        %get3A_376 = vector.shape_cast %get3A_375 : vector<1x16xf32> to vector<16xf32>
        %get3A_377 = arith.index_cast %scan3A_336 : i32 to index
        %get3A_378 = arith.constant 32 : index
        %get3A_379 = tpu.vector_load %arg14[%get3A_377, %get3A_378] {strides = array<i32>} : memref<160x128xf32, #tpu.memory_space<vmem>>, vector<1x16xf32>,
        %get3A_380 = vector.shape_cast %get3A_379 : vector<1x16xf32> to vector<16xf32>
        %get3A_381 = arith.index_cast %scan3A_336 : i32 to index
        %get3A_382 = arith.constant 32 : index
        %get3A_383 = tpu.vector_load %arg15[%get3A_381, %get3A_382] {strides = array<i32>} : memref<160x128xf32, #tpu.memory_space<vmem>>, vector<1x16xf32>,
        %get3A_384 = vector.shape_cast %get3A_383 : vector<1x16xf32> to vector<16xf32>
        %sub3A_385 = arith.subf %get3A_376, %get3A_380 : vector<16xf32>
        %sub3A_386 = arith.subf %get3A_376, %get3A_384 : vector<16xf32>
        %mul3A_387 = arith.mulf %sub3A_385, %sub3A_385 : vector<16xf32>
        %add3A_388 = arith.addf %add3A_370, %mul3A_387 : vector<16xf32>
        %mul3A_389 = arith.mulf %sub3A_386, %sub3A_386 : vector<16xf32>
        %add3A_390 = arith.addf %add3A_372, %mul3A_389 : vector<16xf32>
        %get3A_391 = arith.index_cast %scan3A_336 : i32 to index
        %get3A_392 = arith.constant 48 : index
        %get3A_393 = tpu.vector_load %arg13[%get3A_391, %get3A_392] {strides = array<i32>} : memref<160x128xf32, #tpu.memory_space<vmem>>, vector<1x16xf32>,
        %get3A_394 = vector.shape_cast %get3A_393 : vector<1x16xf32> to vector<16xf32>
        %get3A_395 = arith.index_cast %scan3A_336 : i32 to index
        %get3A_396 = arith.constant 48 : index
        %get3A_397 = tpu.vector_load %arg14[%get3A_395, %get3A_396] {strides = array<i32>} : memref<160x128xf32, #tpu.memory_space<vmem>>, vector<1x16xf32>,
        %get3A_398 = vector.shape_cast %get3A_397 : vector<1x16xf32> to vector<16xf32>
        %get3A_399 = arith.index_cast %scan3A_336 : i32 to index
        %get3A_400 = arith.constant 48 : index
        %get3A_401 = tpu.vector_load %arg15[%get3A_399, %get3A_400] {strides = array<i32>} : memref<160x128xf32, #tpu.memory_space<vmem>>, vector<1x16xf32>,
        %get3A_402 = vector.shape_cast %get3A_401 : vector<1x16xf32> to vector<16xf32>
        %sub3A_403 = arith.subf %get3A_394, %get3A_398 : vector<16xf32>
        %sub3A_404 = arith.subf %get3A_394, %get3A_402 : vector<16xf32>
        %mul3A_405 = arith.mulf %sub3A_403, %sub3A_403 : vector<16xf32>
        %add3A_406 = arith.addf %add3A_388, %mul3A_405 : vector<16xf32>
        %mul3A_407 = arith.mulf %sub3A_404, %sub3A_404 : vector<16xf32>
        %add3A_408 = arith.addf %add3A_390, %mul3A_407 : vector<16xf32>
        %get3A_409 = arith.index_cast %scan3A_336 : i32 to index
        %get3A_410 = arith.constant 64 : index
        %get3A_411 = tpu.vector_load %arg13[%get3A_409, %get3A_410] {strides = array<i32>} : memref<160x128xf32, #tpu.memory_space<vmem>>, vector<1x16xf32>,
        %get3A_412 = vector.shape_cast %get3A_411 : vector<1x16xf32> to vector<16xf32>
        %get3A_413 = arith.index_cast %scan3A_336 : i32 to index
        %get3A_414 = arith.constant 64 : index
        %get3A_415 = tpu.vector_load %arg14[%get3A_413, %get3A_414] {strides = array<i32>} : memref<160x128xf32, #tpu.memory_space<vmem>>, vector<1x16xf32>,
        %get3A_416 = vector.shape_cast %get3A_415 : vector<1x16xf32> to vector<16xf32>
        %get3A_417 = arith.index_cast %scan3A_336 : i32 to index
        %get3A_418 = arith.constant 64 : index
        %get3A_419 = tpu.vector_load %arg15[%get3A_417, %get3A_418] {strides = array<i32>} : memref<160x128xf32, #tpu.memory_space<vmem>>, vector<1x16xf32>,
        %get3A_420 = vector.shape_cast %get3A_419 : vector<1x16xf32> to vector<16xf32>
        %sub3A_421 = arith.subf %get3A_412, %get3A_416 : vector<16xf32>
        %sub3A_422 = arith.subf %get3A_412, %get3A_420 : vector<16xf32>
        %mul3A_423 = arith.mulf %sub3A_421, %sub3A_421 : vector<16xf32>
        %add3A_424 = arith.addf %add3A_406, %mul3A_423 : vector<16xf32>
        %mul3A_425 = arith.mulf %sub3A_422, %sub3A_422 : vector<16xf32>
        %add3A_426 = arith.addf %add3A_408, %mul3A_425 : vector<16xf32>
        %get3A_427 = arith.index_cast %scan3A_336 : i32 to index
        %get3A_428 = arith.constant 80 : index
        %get3A_429 = tpu.vector_load %arg13[%get3A_427, %get3A_428] {strides = array<i32>} : memref<160x128xf32, #tpu.memory_space<vmem>>, vector<1x16xf32>,
        %get3A_430 = vector.shape_cast %get3A_429 : vector<1x16xf32> to vector<16xf32>
        %get3A_431 = arith.index_cast %scan3A_336 : i32 to index
        %get3A_432 = arith.constant 80 : index
        %get3A_433 = tpu.vector_load %arg14[%get3A_431, %get3A_432] {strides = array<i32>} : memref<160x128xf32, #tpu.memory_space<vmem>>, vector<1x16xf32>,
        %get3A_434 = vector.shape_cast %get3A_433 : vector<1x16xf32> to vector<16xf32>
        %get3A_435 = arith.index_cast %scan3A_336 : i32 to index
        %get3A_436 = arith.constant 80 : index
        %get3A_437 = tpu.vector_load %arg15[%get3A_435, %get3A_436] {strides = array<i32>} : memref<160x128xf32, #tpu.memory_space<vmem>>, vector<1x16xf32>,
        %get3A_438 = vector.shape_cast %get3A_437 : vector<1x16xf32> to vector<16xf32>
        %sub3A_439 = arith.subf %get3A_430, %get3A_434 : vector<16xf32>
        %sub3A_440 = arith.subf %get3A_430, %get3A_438 : vector<16xf32>
        %mul3A_441 = arith.mulf %sub3A_439, %sub3A_439 : vector<16xf32>
        %add3A_442 = arith.addf %add3A_424, %mul3A_441 : vector<16xf32>
        %mul3A_443 = arith.mulf %sub3A_440, %sub3A_440 : vector<16xf32>
        %add3A_444 = arith.addf %add3A_426, %mul3A_443 : vector<16xf32>
        %get3A_445 = arith.index_cast %scan3A_336 : i32 to index
        %get3A_446 = arith.constant 96 : index
        %get3A_447 = tpu.vector_load %arg13[%get3A_445, %get3A_446] {strides = array<i32>} : memref<160x128xf32, #tpu.memory_space<vmem>>, vector<1x16xf32>,
        %get3A_448 = vector.shape_cast %get3A_447 : vector<1x16xf32> to vector<16xf32>
        %get3A_449 = arith.index_cast %scan3A_336 : i32 to index
        %get3A_450 = arith.constant 96 : index
        %get3A_451 = tpu.vector_load %arg14[%get3A_449, %get3A_450] {strides = array<i32>} : memref<160x128xf32, #tpu.memory_space<vmem>>, vector<1x16xf32>,
        %get3A_452 = vector.shape_cast %get3A_451 : vector<1x16xf32> to vector<16xf32>
        %get3A_453 = arith.index_cast %scan3A_336 : i32 to index
        %get3A_454 = arith.constant 96 : index
        %get3A_455 = tpu.vector_load %arg15[%get3A_453, %get3A_454] {strides = array<i32>} : memref<160x128xf32, #tpu.memory_space<vmem>>, vector<1x16xf32>,
        %get3A_456 = vector.shape_cast %get3A_455 : vector<1x16xf32> to vector<16xf32>
        %sub3A_457 = arith.subf %get3A_448, %get3A_452 : vector<16xf32>
        %sub3A_458 = arith.subf %get3A_448, %get3A_456 : vector<16xf32>
        %mul3A_459 = arith.mulf %sub3A_457, %sub3A_457 : vector<16xf32>
        %add3A_460 = arith.addf %add3A_442, %mul3A_459 : vector<16xf32>
        %mul3A_461 = arith.mulf %sub3A_458, %sub3A_458 : vector<16xf32>
        %add3A_462 = arith.addf %add3A_444, %mul3A_461 : vector<16xf32>
        %get3A_463 = arith.index_cast %scan3A_336 : i32 to index
        %get3A_464 = arith.constant 112 : index
        %get3A_465 = tpu.vector_load %arg13[%get3A_463, %get3A_464] {strides = array<i32>} : memref<160x128xf32, #tpu.memory_space<vmem>>, vector<1x16xf32>,
        %get3A_466 = vector.shape_cast %get3A_465 : vector<1x16xf32> to vector<16xf32>
        %get3A_467 = arith.index_cast %scan3A_336 : i32 to index
        %get3A_468 = arith.constant 112 : index
        %get3A_469 = tpu.vector_load %arg14[%get3A_467, %get3A_468] {strides = array<i32>} : memref<160x128xf32, #tpu.memory_space<vmem>>, vector<1x16xf32>,
        %get3A_470 = vector.shape_cast %get3A_469 : vector<1x16xf32> to vector<16xf32>
        %get3A_471 = arith.index_cast %scan3A_336 : i32 to index
        %get3A_472 = arith.constant 112 : index
        %get3A_473 = tpu.vector_load %arg15[%get3A_471, %get3A_472] {strides = array<i32>} : memref<160x128xf32, #tpu.memory_space<vmem>>, vector<1x16xf32>,
        %get3A_474 = vector.shape_cast %get3A_473 : vector<1x16xf32> to vector<16xf32>
        %sub3A_475 = arith.subf %get3A_466, %get3A_470 : vector<16xf32>
        %sub3A_476 = arith.subf %get3A_466, %get3A_474 : vector<16xf32>
        %mul3A_477 = arith.mulf %sub3A_475, %sub3A_475 : vector<16xf32>
        %add3A_478 = arith.addf %add3A_460, %mul3A_477 : vector<16xf32>
        %mul3A_479 = arith.mulf %sub3A_476, %sub3A_476 : vector<16xf32>
        %add3A_480 = arith.addf %add3A_462, %mul3A_479 : vector<16xf32>
        %sub3A_481 = arith.subf %add3A_478, %add3A_480 : vector<16xf32>
        %add3A_482 = arith.addi %mul3A_111, %scan3A_336 : i32
        %lt3A_483 = arith.constant 500000 : i32
        %lt3A_484 = arith.cmpi slt, %add3A_482, %lt3A_483 : i32
        %jit3A_485 = arith.constant -1.000000e+30 : f32
        %broadcast_in_dim3A_486 = vector.broadcast %jit3A_485 : f32 to vector<16xf32>
        %select_n3A_487 = arith.select %lt3A_484, %sub3A_481, %broadcast_in_dim3A_486 : vector<16xf32>
        %xor3A_488 = arith.constant 8 : i32
        %xor3A_489 = vector.broadcast %xor3A_488 : i32 to vector<16xi32>
        %xor3A_490 = arith.xori %iota3A, %xor3A_489 : vector<16xi32>
        %broadcast_in_dim3A_491 = vector.shape_cast %xor3A_490 : vector<16xi32> to vector<16x1xi32>
        %gather3A_492 = vector.shape_cast %broadcast_in_dim3A_491 : vector<16x1xi32> to vector<16xi32>
        %gather3A_493 = tpu.dynamic_gather %select_n3A_487[%gather3A_492] in [0] : vector<16xf32>, vector<16xi32> -> vector<16xf32>
        %add3A_494 = arith.addf %select_n3A_487, %gather3A_493 : vector<16xf32>
        %xor3A_495 = arith.constant 4 : i32
        %xor3A_496 = vector.broadcast %xor3A_495 : i32 to vector<16xi32>
        %xor3A_497 = arith.xori %iota3A, %xor3A_496 : vector<16xi32>
        %broadcast_in_dim3A_498 = vector.shape_cast %xor3A_497 : vector<16xi32> to vector<16x1xi32>
        %gather3A_499 = vector.shape_cast %broadcast_in_dim3A_498 : vector<16x1xi32> to vector<16xi32>
        %gather3A_500 = tpu.dynamic_gather %add3A_494[%gather3A_499] in [0] : vector<16xf32>, vector<16xi32> -> vector<16xf32>
        %add3A_501 = arith.addf %add3A_494, %gather3A_500 : vector<16xf32>
        %xor3A_502 = arith.constant 2 : i32
        %xor3A_503 = vector.broadcast %xor3A_502 : i32 to vector<16xi32>
        %xor3A_504 = arith.xori %iota3A, %xor3A_503 : vector<16xi32>
        %broadcast_in_dim3A_505 = vector.shape_cast %xor3A_504 : vector<16xi32> to vector<16x1xi32>
        %gather3A_506 = vector.shape_cast %broadcast_in_dim3A_505 : vector<16x1xi32> to vector<16xi32>
        %gather3A_507 = tpu.dynamic_gather %add3A_501[%gather3A_506] in [0] : vector<16xf32>, vector<16xi32> -> vector<16xf32>
        %add3A_508 = arith.addf %add3A_501, %gather3A_507 : vector<16xf32>
        %xor3A_509 = arith.constant 1 : i32
        %xor3A_510 = vector.broadcast %xor3A_509 : i32 to vector<16xi32>
        %xor3A_511 = arith.xori %iota3A, %xor3A_510 : vector<16xi32>
        %broadcast_in_dim3A_512 = vector.shape_cast %xor3A_511 : vector<16xi32> to vector<16x1xi32>
        %gather3A_513 = vector.shape_cast %broadcast_in_dim3A_512 : vector<16x1xi32> to vector<16xi32>
        %gather3A_514 = tpu.dynamic_gather %add3A_508[%gather3A_513] in [0] : vector<16xf32>, vector<16xi32> -> vector<16xf32>
        %add3A_515 = arith.addf %add3A_508, %gather3A_514 : vector<16xf32>
        %add3A_516 = arith.constant 2.000000e-01 : f32
        %add3A_517 = vector.broadcast %add3A_516 : f32 to vector<16xf32>
        %add3A_518 = arith.addf %add3A_515, %add3A_517 : vector<16xf32>
        %max3A_519 = arith.constant 0.000000e+00 : f32
        %max3A_520 = vector.broadcast %max3A_519 : f32 to vector<16xf32>
        %max3A_521 = arith.maximumf %add3A_518, %max3A_520 : vector<16xf32>
        %add3A_522 = arith.addf %add3A_334, %max3A_521 : vector<16xf32>
        scf.yield %add3A_522 : vector<16xf32>
      }
      %scan3A_116 = arith.constant 160 : i32
      %mul3A_117 = arith.constant 2 : i32
      %mul3A_118 = arith.muli %mul3A_117, %while3A_85 : i32
      %add3A_119 = arith.constant 1 : i32
      %add3A_120 = arith.addi %mul3A_118, %add3A_119 : i32
      %dma_wait3A_121 = arith.constant 0 : i32
      %dma_wait3A_122 = arith.constant 0 : i32
      %dma_wait3A_123 = tpu.memref_slice %arg2[%dma_wait3A_121, %dma_wait3A_122] : memref<100000x128xf32, #tpu.memory_space<hbm>> -> memref<100000x128xf32, #tpu.memory_space<hbm>>
      tpu.wait_indirect_dma semaphore(%arg23 : memref<!tpu.dma_semaphore, #tpu.memory_space<semaphore_mem>>) src(%dma_wait3A_123 : memref<100000x128xf32, #tpu.memory_space<hbm>>) dst(%arg16 : memref<160x128xf32, #tpu.memory_space<vmem>>)
      %dma_wait3A_124 = arith.constant 0 : i32
      %dma_wait3A_125 = arith.constant 0 : i32
      %dma_wait3A_126 = tpu.memref_slice %arg2[%dma_wait3A_124, %dma_wait3A_125] : memref<100000x128xf32, #tpu.memory_space<hbm>> -> memref<100000x128xf32, #tpu.memory_space<hbm>>
      tpu.wait_indirect_dma semaphore(%arg23 : memref<!tpu.dma_semaphore, #tpu.memory_space<semaphore_mem>>) src(%dma_wait3A_126 : memref<100000x128xf32, #tpu.memory_space<hbm>>) dst(%arg17 : memref<160x128xf32, #tpu.memory_space<vmem>>)
      %dma_wait3A_127 = arith.constant 0 : i32
      %dma_wait3A_128 = arith.constant 0 : i32
      %dma_wait3A_129 = tpu.memref_slice %arg2[%dma_wait3A_127, %dma_wait3A_128] : memref<100000x128xf32, #tpu.memory_space<hbm>> -> memref<100000x128xf32, #tpu.memory_space<hbm>>
      tpu.wait_indirect_dma semaphore(%arg23 : memref<!tpu.dma_semaphore, #tpu.memory_space<semaphore_mem>>) src(%dma_wait3A_129 : memref<100000x128xf32, #tpu.memory_space<hbm>>) dst(%arg18 : memref<160x128xf32, #tpu.memory_space<vmem>>)
      %add3A_130 = arith.constant 2 : i32
      %add3A_131 = arith.addi %add3A_120, %add3A_130 : i32
      %lt3A_132 = arith.cmpi slt, %add3A_131, %select_n3A : i32
      %convert_element_type3A_133 = arith.extui %lt3A_132 : i1 to i32
      %cond3A_134 = arith.constant 0 : i32
      %cond3A_135 = arith.cmpi ne, %convert_element_type3A_133, %cond3A_134 : i32
      scf.if %cond3A_135 {
        %add3A_151 = arith.constant 2 : i32
        %add3A_152 = arith.addi %add3A_120, %add3A_151 : i32
        %add3A_153 = arith.addi %select_n3A_11, %add3A_152 : i32
        %mul3A_154 = arith.constant 160 : i32
        %mul3A_155 = arith.muli %add3A_153, %mul3A_154 : i32
        %dma_start3A_156 = tpu.memref_slice %arg3[%mul3A_155] : memref<501760xi32, #tpu.memory_space<hbm>> -> memref<160xi32, #tpu.memory_space<hbm>>
        %dma_start3A_157 = tpu.memref_slice %arg3[%mul3A_155] : memref<501760xi32, #tpu.memory_space<hbm>> -> memref<160xi32, #tpu.memory_space<hbm>>
        tpu.enqueue_dma source(%dma_start3A_157 : memref<160xi32, #tpu.memory_space<hbm>>) target(%arg10 : memref<160xi32, #tpu.memory_space<vmem>>) target_semaphore(%arg21 : memref<!tpu.dma_semaphore, #tpu.memory_space<semaphore_mem>>)
        %dma_start3A_158 = tpu.memref_slice %arg4[%mul3A_155] : memref<501760xi32, #tpu.memory_space<hbm>> -> memref<160xi32, #tpu.memory_space<hbm>>
        %dma_start3A_159 = tpu.memref_slice %arg4[%mul3A_155] : memref<501760xi32, #tpu.memory_space<hbm>> -> memref<160xi32, #tpu.memory_space<hbm>>
        tpu.enqueue_dma source(%dma_start3A_159 : memref<160xi32, #tpu.memory_space<hbm>>) target(%arg11 : memref<160xi32, #tpu.memory_space<vmem>>) target_semaphore(%arg21 : memref<!tpu.dma_semaphore, #tpu.memory_space<semaphore_mem>>)
        %dma_start3A_160 = tpu.memref_slice %arg5[%mul3A_155] : memref<501760xi32, #tpu.memory_space<hbm>> -> memref<160xi32, #tpu.memory_space<hbm>>
        %dma_start3A_161 = tpu.memref_slice %arg5[%mul3A_155] : memref<501760xi32, #tpu.memory_space<hbm>> -> memref<160xi32, #tpu.memory_space<hbm>>
        tpu.enqueue_dma source(%dma_start3A_161 : memref<160xi32, #tpu.memory_space<hbm>>) target(%arg12 : memref<160xi32, #tpu.memory_space<vmem>>) target_semaphore(%arg21 : memref<!tpu.dma_semaphore, #tpu.memory_space<semaphore_mem>>)
      } else {
      }
      %add3A_136 = arith.constant 1 : i32
      %add3A_137 = arith.addi %add3A_120, %add3A_136 : i32
      %lt3A_138 = arith.cmpi slt, %add3A_137, %select_n3A : i32
      %convert_element_type3A_139 = arith.extui %lt3A_138 : i1 to i32
      %cond3A_140 = arith.constant 0 : i32
      %cond3A_141 = arith.cmpi ne, %convert_element_type3A_139, %cond3A_140 : i32
      scf.if %cond3A_141 {
        %dma_wait3A_151 = arith.constant 0 : i32
        %dma_wait3A_152 = tpu.memref_slice %arg3[%dma_wait3A_151] : memref<501760xi32, #tpu.memory_space<hbm>> -> memref<160xi32, #tpu.memory_space<hbm>>
        %dma_wait3A_153 = arith.constant 0 : i32
        %dma_wait3A_154 = tpu.memref_slice %arg3[%dma_wait3A_153] : memref<501760xi32, #tpu.memory_space<hbm>> -> memref<160xi32, #tpu.memory_space<hbm>>
        tpu.wait_dma2 semaphore(%arg20 : memref<!tpu.dma_semaphore, #tpu.memory_space<semaphore_mem>>) src(%dma_wait3A_154 : memref<160xi32, #tpu.memory_space<hbm>>) dst(%arg7 : memref<160xi32, #tpu.memory_space<vmem>>)
        %dma_wait3A_155 = arith.constant 0 : i32
        %dma_wait3A_156 = tpu.memref_slice %arg4[%dma_wait3A_155] : memref<501760xi32, #tpu.memory_space<hbm>> -> memref<160xi32, #tpu.memory_space<hbm>>
        %dma_wait3A_157 = arith.constant 0 : i32
        %dma_wait3A_158 = tpu.memref_slice %arg4[%dma_wait3A_157] : memref<501760xi32, #tpu.memory_space<hbm>> -> memref<160xi32, #tpu.memory_space<hbm>>
        tpu.wait_dma2 semaphore(%arg20 : memref<!tpu.dma_semaphore, #tpu.memory_space<semaphore_mem>>) src(%dma_wait3A_158 : memref<160xi32, #tpu.memory_space<hbm>>) dst(%arg8 : memref<160xi32, #tpu.memory_space<vmem>>)
        %dma_wait3A_159 = arith.constant 0 : i32
        %dma_wait3A_160 = tpu.memref_slice %arg5[%dma_wait3A_159] : memref<501760xi32, #tpu.memory_space<hbm>> -> memref<160xi32, #tpu.memory_space<hbm>>
        %dma_wait3A_161 = arith.constant 0 : i32
        %dma_wait3A_162 = tpu.memref_slice %arg5[%dma_wait3A_161] : memref<501760xi32, #tpu.memory_space<hbm>> -> memref<160xi32, #tpu.memory_space<hbm>>
        tpu.wait_dma2 semaphore(%arg20 : memref<!tpu.dma_semaphore, #tpu.memory_space<semaphore_mem>>) src(%dma_wait3A_162 : memref<160xi32, #tpu.memory_space<hbm>>) dst(%arg9 : memref<160xi32, #tpu.memory_space<vmem>>)
        %dma_start3A_163 = arith.constant 0 : i32
        %dma_start3A_164 = arith.constant 0 : i32
        %dma_start3A_165 = tpu.memref_slice %arg2[%dma_start3A_163, %dma_start3A_164] : memref<100000x128xf32, #tpu.memory_space<hbm>> -> memref<100000x128xf32, #tpu.memory_space<hbm>>
        tpu.enqueue_indirect_dma source(%dma_start3A_165 : memref<100000x128xf32, #tpu.memory_space<hbm>>) target(%arg13 : memref<160x128xf32, #tpu.memory_space<vmem>>) offsets(%arg7 : memref<160xi32, #tpu.memory_space<vmem>>) semaphore(%arg22 : memref<!tpu.dma_semaphore, #tpu.memory_space<semaphore_mem>>)
        %dma_start3A_166 = arith.constant 0 : i32
        %dma_start3A_167 = arith.constant 0 : i32
        %dma_start3A_168 = tpu.memref_slice %arg2[%dma_start3A_166, %dma_start3A_167] : memref<100000x128xf32, #tpu.memory_space<hbm>> -> memref<100000x128xf32, #tpu.memory_space<hbm>>
        tpu.enqueue_indirect_dma source(%dma_start3A_168 : memref<100000x128xf32, #tpu.memory_space<hbm>>) target(%arg14 : memref<160x128xf32, #tpu.memory_space<vmem>>) offsets(%arg8 : memref<160xi32, #tpu.memory_space<vmem>>) semaphore(%arg22 : memref<!tpu.dma_semaphore, #tpu.memory_space<semaphore_mem>>)
        %dma_start3A_169 = arith.constant 0 : i32
        %dma_start3A_170 = arith.constant 0 : i32
        %dma_start3A_171 = tpu.memref_slice %arg2[%dma_start3A_169, %dma_start3A_170] : memref<100000x128xf32, #tpu.memory_space<hbm>> -> memref<100000x128xf32, #tpu.memory_space<hbm>>
        tpu.enqueue_indirect_dma source(%dma_start3A_171 : memref<100000x128xf32, #tpu.memory_space<hbm>>) target(%arg15 : memref<160x128xf32, #tpu.memory_space<vmem>>) offsets(%arg9 : memref<160xi32, #tpu.memory_space<vmem>>) semaphore(%arg22 : memref<!tpu.dma_semaphore, #tpu.memory_space<semaphore_mem>>)
      } else {
      }
      %add3A_142 = arith.addi %select_n3A_11, %add3A_120 : i32
      %mul3A_143 = arith.constant 160 : i32
      %mul3A_144 = arith.muli %add3A_142, %mul3A_143 : i32
      %scan3A_145 = arith.constant 0 : i32
      %scan3A_146 = arith.constant 160 : i32
      %scan3A_147 = arith.addi %scan3A_145, %scan3A_146 : i32
      %scan3A_148 = arith.constant 2 : i32
      %scan3A_149 = scf.for %scan3A_151 = %scan3A_145 to %scan3A_147 step %scan3A_148 iter_args(%scan3A_152 = %scan3A_115) -> (vector<16xf32>)  : i32 {
        %get3A = arith.index_cast %scan3A_151 : i32 to index
        %get3A_153 = arith.constant 0 : index
        %get3A_154 = tpu.vector_load %arg16[%get3A, %get3A_153] {strides = array<i32>} : memref<160x128xf32, #tpu.memory_space<vmem>>, vector<1x16xf32>,
        %get3A_155 = vector.shape_cast %get3A_154 : vector<1x16xf32> to vector<16xf32>
        %get3A_156 = arith.index_cast %scan3A_151 : i32 to index
        %get3A_157 = arith.constant 0 : index
        %get3A_158 = tpu.vector_load %arg17[%get3A_156, %get3A_157] {strides = array<i32>} : memref<160x128xf32, #tpu.memory_space<vmem>>, vector<1x16xf32>,
        %get3A_159 = vector.shape_cast %get3A_158 : vector<1x16xf32> to vector<16xf32>
        %get3A_160 = arith.index_cast %scan3A_151 : i32 to index
        %get3A_161 = arith.constant 0 : index
        %get3A_162 = tpu.vector_load %arg18[%get3A_160, %get3A_161] {strides = array<i32>} : memref<160x128xf32, #tpu.memory_space<vmem>>, vector<1x16xf32>,
        %get3A_163 = vector.shape_cast %get3A_162 : vector<1x16xf32> to vector<16xf32>
        %sub3A_164 = arith.subf %get3A_155, %get3A_159 : vector<16xf32>
        %sub3A_165 = arith.subf %get3A_155, %get3A_163 : vector<16xf32>
        %mul3A_166 = arith.mulf %sub3A_164, %sub3A_164 : vector<16xf32>
        %add3A_167 = arith.addf %broadcast_in_dim3A_12, %mul3A_166 : vector<16xf32>
        %mul3A_168 = arith.mulf %sub3A_165, %sub3A_165 : vector<16xf32>
        %add3A_169 = arith.addf %broadcast_in_dim3A_12, %mul3A_168 : vector<16xf32>
        %get3A_170 = arith.index_cast %scan3A_151 : i32 to index
        %get3A_171 = arith.constant 16 : index
        %get3A_172 = tpu.vector_load %arg16[%get3A_170, %get3A_171] {strides = array<i32>} : memref<160x128xf32, #tpu.memory_space<vmem>>, vector<1x16xf32>,
        %get3A_173 = vector.shape_cast %get3A_172 : vector<1x16xf32> to vector<16xf32>
        %get3A_174 = arith.index_cast %scan3A_151 : i32 to index
        %get3A_175 = arith.constant 16 : index
        %get3A_176 = tpu.vector_load %arg17[%get3A_174, %get3A_175] {strides = array<i32>} : memref<160x128xf32, #tpu.memory_space<vmem>>, vector<1x16xf32>,
        %get3A_177 = vector.shape_cast %get3A_176 : vector<1x16xf32> to vector<16xf32>
        %get3A_178 = arith.index_cast %scan3A_151 : i32 to index
        %get3A_179 = arith.constant 16 : index
        %get3A_180 = tpu.vector_load %arg18[%get3A_178, %get3A_179] {strides = array<i32>} : memref<160x128xf32, #tpu.memory_space<vmem>>, vector<1x16xf32>,
        %get3A_181 = vector.shape_cast %get3A_180 : vector<1x16xf32> to vector<16xf32>
        %sub3A_182 = arith.subf %get3A_173, %get3A_177 : vector<16xf32>
        %sub3A_183 = arith.subf %get3A_173, %get3A_181 : vector<16xf32>
        %mul3A_184 = arith.mulf %sub3A_182, %sub3A_182 : vector<16xf32>
        %add3A_185 = arith.addf %add3A_167, %mul3A_184 : vector<16xf32>
        %mul3A_186 = arith.mulf %sub3A_183, %sub3A_183 : vector<16xf32>
        %add3A_187 = arith.addf %add3A_169, %mul3A_186 : vector<16xf32>
        %get3A_188 = arith.index_cast %scan3A_151 : i32 to index
        %get3A_189 = arith.constant 32 : index
        %get3A_190 = tpu.vector_load %arg16[%get3A_188, %get3A_189] {strides = array<i32>} : memref<160x128xf32, #tpu.memory_space<vmem>>, vector<1x16xf32>,
        %get3A_191 = vector.shape_cast %get3A_190 : vector<1x16xf32> to vector<16xf32>
        %get3A_192 = arith.index_cast %scan3A_151 : i32 to index
        %get3A_193 = arith.constant 32 : index
        %get3A_194 = tpu.vector_load %arg17[%get3A_192, %get3A_193] {strides = array<i32>} : memref<160x128xf32, #tpu.memory_space<vmem>>, vector<1x16xf32>,
        %get3A_195 = vector.shape_cast %get3A_194 : vector<1x16xf32> to vector<16xf32>
        %get3A_196 = arith.index_cast %scan3A_151 : i32 to index
        %get3A_197 = arith.constant 32 : index
        %get3A_198 = tpu.vector_load %arg18[%get3A_196, %get3A_197] {strides = array<i32>} : memref<160x128xf32, #tpu.memory_space<vmem>>, vector<1x16xf32>,
        %get3A_199 = vector.shape_cast %get3A_198 : vector<1x16xf32> to vector<16xf32>
        %sub3A_200 = arith.subf %get3A_191, %get3A_195 : vector<16xf32>
        %sub3A_201 = arith.subf %get3A_191, %get3A_199 : vector<16xf32>
        %mul3A_202 = arith.mulf %sub3A_200, %sub3A_200 : vector<16xf32>
        %add3A_203 = arith.addf %add3A_185, %mul3A_202 : vector<16xf32>
        %mul3A_204 = arith.mulf %sub3A_201, %sub3A_201 : vector<16xf32>
        %add3A_205 = arith.addf %add3A_187, %mul3A_204 : vector<16xf32>
        %get3A_206 = arith.index_cast %scan3A_151 : i32 to index
        %get3A_207 = arith.constant 48 : index
        %get3A_208 = tpu.vector_load %arg16[%get3A_206, %get3A_207] {strides = array<i32>} : memref<160x128xf32, #tpu.memory_space<vmem>>, vector<1x16xf32>,
        %get3A_209 = vector.shape_cast %get3A_208 : vector<1x16xf32> to vector<16xf32>
        %get3A_210 = arith.index_cast %scan3A_151 : i32 to index
        %get3A_211 = arith.constant 48 : index
        %get3A_212 = tpu.vector_load %arg17[%get3A_210, %get3A_211] {strides = array<i32>} : memref<160x128xf32, #tpu.memory_space<vmem>>, vector<1x16xf32>,
        %get3A_213 = vector.shape_cast %get3A_212 : vector<1x16xf32> to vector<16xf32>
        %get3A_214 = arith.index_cast %scan3A_151 : i32 to index
        %get3A_215 = arith.constant 48 : index
        %get3A_216 = tpu.vector_load %arg18[%get3A_214, %get3A_215] {strides = array<i32>} : memref<160x128xf32, #tpu.memory_space<vmem>>, vector<1x16xf32>,
        %get3A_217 = vector.shape_cast %get3A_216 : vector<1x16xf32> to vector<16xf32>
        %sub3A_218 = arith.subf %get3A_209, %get3A_213 : vector<16xf32>
        %sub3A_219 = arith.subf %get3A_209, %get3A_217 : vector<16xf32>
        %mul3A_220 = arith.mulf %sub3A_218, %sub3A_218 : vector<16xf32>
        %add3A_221 = arith.addf %add3A_203, %mul3A_220 : vector<16xf32>
        %mul3A_222 = arith.mulf %sub3A_219, %sub3A_219 : vector<16xf32>
        %add3A_223 = arith.addf %add3A_205, %mul3A_222 : vector<16xf32>
        %get3A_224 = arith.index_cast %scan3A_151 : i32 to index
        %get3A_225 = arith.constant 64 : index
        %get3A_226 = tpu.vector_load %arg16[%get3A_224, %get3A_225] {strides = array<i32>} : memref<160x128xf32, #tpu.memory_space<vmem>>, vector<1x16xf32>,
        %get3A_227 = vector.shape_cast %get3A_226 : vector<1x16xf32> to vector<16xf32>
        %get3A_228 = arith.index_cast %scan3A_151 : i32 to index
        %get3A_229 = arith.constant 64 : index
        %get3A_230 = tpu.vector_load %arg17[%get3A_228, %get3A_229] {strides = array<i32>} : memref<160x128xf32, #tpu.memory_space<vmem>>, vector<1x16xf32>,
        %get3A_231 = vector.shape_cast %get3A_230 : vector<1x16xf32> to vector<16xf32>
        %get3A_232 = arith.index_cast %scan3A_151 : i32 to index
        %get3A_233 = arith.constant 64 : index
        %get3A_234 = tpu.vector_load %arg18[%get3A_232, %get3A_233] {strides = array<i32>} : memref<160x128xf32, #tpu.memory_space<vmem>>, vector<1x16xf32>,
        %get3A_235 = vector.shape_cast %get3A_234 : vector<1x16xf32> to vector<16xf32>
        %sub3A_236 = arith.subf %get3A_227, %get3A_231 : vector<16xf32>
        %sub3A_237 = arith.subf %get3A_227, %get3A_235 : vector<16xf32>
        %mul3A_238 = arith.mulf %sub3A_236, %sub3A_236 : vector<16xf32>
        %add3A_239 = arith.addf %add3A_221, %mul3A_238 : vector<16xf32>
        %mul3A_240 = arith.mulf %sub3A_237, %sub3A_237 : vector<16xf32>
        %add3A_241 = arith.addf %add3A_223, %mul3A_240 : vector<16xf32>
        %get3A_242 = arith.index_cast %scan3A_151 : i32 to index
        %get3A_243 = arith.constant 80 : index
        %get3A_244 = tpu.vector_load %arg16[%get3A_242, %get3A_243] {strides = array<i32>} : memref<160x128xf32, #tpu.memory_space<vmem>>, vector<1x16xf32>,
        %get3A_245 = vector.shape_cast %get3A_244 : vector<1x16xf32> to vector<16xf32>
        %get3A_246 = arith.index_cast %scan3A_151 : i32 to index
        %get3A_247 = arith.constant 80 : index
        %get3A_248 = tpu.vector_load %arg17[%get3A_246, %get3A_247] {strides = array<i32>} : memref<160x128xf32, #tpu.memory_space<vmem>>, vector<1x16xf32>,
        %get3A_249 = vector.shape_cast %get3A_248 : vector<1x16xf32> to vector<16xf32>
        %get3A_250 = arith.index_cast %scan3A_151 : i32 to index
        %get3A_251 = arith.constant 80 : index
        %get3A_252 = tpu.vector_load %arg18[%get3A_250, %get3A_251] {strides = array<i32>} : memref<160x128xf32, #tpu.memory_space<vmem>>, vector<1x16xf32>,
        %get3A_253 = vector.shape_cast %get3A_252 : vector<1x16xf32> to vector<16xf32>
        %sub3A_254 = arith.subf %get3A_245, %get3A_249 : vector<16xf32>
        %sub3A_255 = arith.subf %get3A_245, %get3A_253 : vector<16xf32>
        %mul3A_256 = arith.mulf %sub3A_254, %sub3A_254 : vector<16xf32>
        %add3A_257 = arith.addf %add3A_239, %mul3A_256 : vector<16xf32>
        %mul3A_258 = arith.mulf %sub3A_255, %sub3A_255 : vector<16xf32>
        %add3A_259 = arith.addf %add3A_241, %mul3A_258 : vector<16xf32>
        %get3A_260 = arith.index_cast %scan3A_151 : i32 to index
        %get3A_261 = arith.constant 96 : index
        %get3A_262 = tpu.vector_load %arg16[%get3A_260, %get3A_261] {strides = array<i32>} : memref<160x128xf32, #tpu.memory_space<vmem>>, vector<1x16xf32>,
        %get3A_263 = vector.shape_cast %get3A_262 : vector<1x16xf32> to vector<16xf32>
        %get3A_264 = arith.index_cast %scan3A_151 : i32 to index
        %get3A_265 = arith.constant 96 : index
        %get3A_266 = tpu.vector_load %arg17[%get3A_264, %get3A_265] {strides = array<i32>} : memref<160x128xf32, #tpu.memory_space<vmem>>, vector<1x16xf32>,
        %get3A_267 = vector.shape_cast %get3A_266 : vector<1x16xf32> to vector<16xf32>
        %get3A_268 = arith.index_cast %scan3A_151 : i32 to index
        %get3A_269 = arith.constant 96 : index
        %get3A_270 = tpu.vector_load %arg18[%get3A_268, %get3A_269] {strides = array<i32>} : memref<160x128xf32, #tpu.memory_space<vmem>>, vector<1x16xf32>,
        %get3A_271 = vector.shape_cast %get3A_270 : vector<1x16xf32> to vector<16xf32>
        %sub3A_272 = arith.subf %get3A_263, %get3A_267 : vector<16xf32>
        %sub3A_273 = arith.subf %get3A_263, %get3A_271 : vector<16xf32>
        %mul3A_274 = arith.mulf %sub3A_272, %sub3A_272 : vector<16xf32>
        %add3A_275 = arith.addf %add3A_257, %mul3A_274 : vector<16xf32>
        %mul3A_276 = arith.mulf %sub3A_273, %sub3A_273 : vector<16xf32>
        %add3A_277 = arith.addf %add3A_259, %mul3A_276 : vector<16xf32>
        %get3A_278 = arith.index_cast %scan3A_151 : i32 to index
        %get3A_279 = arith.constant 112 : index
        %get3A_280 = tpu.vector_load %arg16[%get3A_278, %get3A_279] {strides = array<i32>} : memref<160x128xf32, #tpu.memory_space<vmem>>, vector<1x16xf32>,
        %get3A_281 = vector.shape_cast %get3A_280 : vector<1x16xf32> to vector<16xf32>
        %get3A_282 = arith.index_cast %scan3A_151 : i32 to index
        %get3A_283 = arith.constant 112 : index
        %get3A_284 = tpu.vector_load %arg17[%get3A_282, %get3A_283] {strides = array<i32>} : memref<160x128xf32, #tpu.memory_space<vmem>>, vector<1x16xf32>,
        %get3A_285 = vector.shape_cast %get3A_284 : vector<1x16xf32> to vector<16xf32>
        %get3A_286 = arith.index_cast %scan3A_151 : i32 to index
        %get3A_287 = arith.constant 112 : index
        %get3A_288 = tpu.vector_load %arg18[%get3A_286, %get3A_287] {strides = array<i32>} : memref<160x128xf32, #tpu.memory_space<vmem>>, vector<1x16xf32>,
        %get3A_289 = vector.shape_cast %get3A_288 : vector<1x16xf32> to vector<16xf32>
        %sub3A_290 = arith.subf %get3A_281, %get3A_285 : vector<16xf32>
        %sub3A_291 = arith.subf %get3A_281, %get3A_289 : vector<16xf32>
        %mul3A_292 = arith.mulf %sub3A_290, %sub3A_290 : vector<16xf32>
        %add3A_293 = arith.addf %add3A_275, %mul3A_292 : vector<16xf32>
        %mul3A_294 = arith.mulf %sub3A_291, %sub3A_291 : vector<16xf32>
        %add3A_295 = arith.addf %add3A_277, %mul3A_294 : vector<16xf32>
        %sub3A_296 = arith.subf %add3A_293, %add3A_295 : vector<16xf32>
        %add3A_297 = arith.addi %mul3A_144, %scan3A_151 : i32
        %lt3A_298 = arith.constant 500000 : i32
        %lt3A_299 = arith.cmpi slt, %add3A_297, %lt3A_298 : i32
        %jit3A_300 = arith.constant -1.000000e+30 : f32
        %broadcast_in_dim3A_301 = vector.broadcast %jit3A_300 : f32 to vector<16xf32>
        %select_n3A_302 = arith.select %lt3A_299, %sub3A_296, %broadcast_in_dim3A_301 : vector<16xf32>
        %xor3A = arith.constant 8 : i32
        %xor3A_303 = vector.broadcast %xor3A : i32 to vector<16xi32>
        %xor3A_304 = arith.xori %iota3A, %xor3A_303 : vector<16xi32>
        %broadcast_in_dim3A_305 = vector.shape_cast %xor3A_304 : vector<16xi32> to vector<16x1xi32>
        %gather3A = vector.shape_cast %broadcast_in_dim3A_305 : vector<16x1xi32> to vector<16xi32>
        %gather3A_306 = tpu.dynamic_gather %select_n3A_302[%gather3A] in [0] : vector<16xf32>, vector<16xi32> -> vector<16xf32>
        %add3A_307 = arith.addf %select_n3A_302, %gather3A_306 : vector<16xf32>
        %xor3A_308 = arith.constant 4 : i32
        %xor3A_309 = vector.broadcast %xor3A_308 : i32 to vector<16xi32>
        %xor3A_310 = arith.xori %iota3A, %xor3A_309 : vector<16xi32>
        %broadcast_in_dim3A_311 = vector.shape_cast %xor3A_310 : vector<16xi32> to vector<16x1xi32>
        %gather3A_312 = vector.shape_cast %broadcast_in_dim3A_311 : vector<16x1xi32> to vector<16xi32>
        %gather3A_313 = tpu.dynamic_gather %add3A_307[%gather3A_312] in [0] : vector<16xf32>, vector<16xi32> -> vector<16xf32>
        %add3A_314 = arith.addf %add3A_307, %gather3A_313 : vector<16xf32>
        %xor3A_315 = arith.constant 2 : i32
        %xor3A_316 = vector.broadcast %xor3A_315 : i32 to vector<16xi32>
        %xor3A_317 = arith.xori %iota3A, %xor3A_316 : vector<16xi32>
        %broadcast_in_dim3A_318 = vector.shape_cast %xor3A_317 : vector<16xi32> to vector<16x1xi32>
        %gather3A_319 = vector.shape_cast %broadcast_in_dim3A_318 : vector<16x1xi32> to vector<16xi32>
        %gather3A_320 = tpu.dynamic_gather %add3A_314[%gather3A_319] in [0] : vector<16xf32>, vector<16xi32> -> vector<16xf32>
        %add3A_321 = arith.addf %add3A_314, %gather3A_320 : vector<16xf32>
        %xor3A_322 = arith.constant 1 : i32
        %xor3A_323 = vector.broadcast %xor3A_322 : i32 to vector<16xi32>
        %xor3A_324 = arith.xori %iota3A, %xor3A_323 : vector<16xi32>
        %broadcast_in_dim3A_325 = vector.shape_cast %xor3A_324 : vector<16xi32> to vector<16x1xi32>
        %gather3A_326 = vector.shape_cast %broadcast_in_dim3A_325 : vector<16x1xi32> to vector<16xi32>
        %gather3A_327 = tpu.dynamic_gather %add3A_321[%gather3A_326] in [0] : vector<16xf32>, vector<16xi32> -> vector<16xf32>
        %add3A_328 = arith.addf %add3A_321, %gather3A_327 : vector<16xf32>
        %add3A_329 = arith.constant 2.000000e-01 : f32
        %add3A_330 = vector.broadcast %add3A_329 : f32 to vector<16xf32>
        %add3A_331 = arith.addf %add3A_328, %add3A_330 : vector<16xf32>
        %max3A = arith.constant 0.000000e+00 : f32
        %max3A_332 = vector.broadcast %max3A : f32 to vector<16xf32>
        %max3A_333 = arith.maximumf %add3A_331, %max3A_332 : vector<16xf32>
        %add3A_334 = arith.addf %scan3A_152, %max3A_333 : vector<16xf32>
        %scan3A_335 = arith.constant 1 : i32
        %scan3A_336 = arith.addi %scan3A_151, %scan3A_335 : i32
        %get3A_337 = arith.index_cast %scan3A_336 : i32 to index
        %get3A_338 = arith.constant 0 : index
        %get3A_339 = tpu.vector_load %arg16[%get3A_337, %get3A_338] {strides = array<i32>} : memref<160x128xf32, #tpu.memory_space<vmem>>, vector<1x16xf32>,
        %get3A_340 = vector.shape_cast %get3A_339 : vector<1x16xf32> to vector<16xf32>
        %get3A_341 = arith.index_cast %scan3A_336 : i32 to index
        %get3A_342 = arith.constant 0 : index
        %get3A_343 = tpu.vector_load %arg17[%get3A_341, %get3A_342] {strides = array<i32>} : memref<160x128xf32, #tpu.memory_space<vmem>>, vector<1x16xf32>,
        %get3A_344 = vector.shape_cast %get3A_343 : vector<1x16xf32> to vector<16xf32>
        %get3A_345 = arith.index_cast %scan3A_336 : i32 to index
        %get3A_346 = arith.constant 0 : index
        %get3A_347 = tpu.vector_load %arg18[%get3A_345, %get3A_346] {strides = array<i32>} : memref<160x128xf32, #tpu.memory_space<vmem>>, vector<1x16xf32>,
        %get3A_348 = vector.shape_cast %get3A_347 : vector<1x16xf32> to vector<16xf32>
        %sub3A_349 = arith.subf %get3A_340, %get3A_344 : vector<16xf32>
        %sub3A_350 = arith.subf %get3A_340, %get3A_348 : vector<16xf32>
        %mul3A_351 = arith.mulf %sub3A_349, %sub3A_349 : vector<16xf32>
        %add3A_352 = arith.addf %broadcast_in_dim3A_12, %mul3A_351 : vector<16xf32>
        %mul3A_353 = arith.mulf %sub3A_350, %sub3A_350 : vector<16xf32>
        %add3A_354 = arith.addf %broadcast_in_dim3A_12, %mul3A_353 : vector<16xf32>
        %get3A_355 = arith.index_cast %scan3A_336 : i32 to index
        %get3A_356 = arith.constant 16 : index
        %get3A_357 = tpu.vector_load %arg16[%get3A_355, %get3A_356] {strides = array<i32>} : memref<160x128xf32, #tpu.memory_space<vmem>>, vector<1x16xf32>,
        %get3A_358 = vector.shape_cast %get3A_357 : vector<1x16xf32> to vector<16xf32>
        %get3A_359 = arith.index_cast %scan3A_336 : i32 to index
        %get3A_360 = arith.constant 16 : index
        %get3A_361 = tpu.vector_load %arg17[%get3A_359, %get3A_360] {strides = array<i32>} : memref<160x128xf32, #tpu.memory_space<vmem>>, vector<1x16xf32>,
        %get3A_362 = vector.shape_cast %get3A_361 : vector<1x16xf32> to vector<16xf32>
        %get3A_363 = arith.index_cast %scan3A_336 : i32 to index
        %get3A_364 = arith.constant 16 : index
        %get3A_365 = tpu.vector_load %arg18[%get3A_363, %get3A_364] {strides = array<i32>} : memref<160x128xf32, #tpu.memory_space<vmem>>, vector<1x16xf32>,
        %get3A_366 = vector.shape_cast %get3A_365 : vector<1x16xf32> to vector<16xf32>
        %sub3A_367 = arith.subf %get3A_358, %get3A_362 : vector<16xf32>
        %sub3A_368 = arith.subf %get3A_358, %get3A_366 : vector<16xf32>
        %mul3A_369 = arith.mulf %sub3A_367, %sub3A_367 : vector<16xf32>
        %add3A_370 = arith.addf %add3A_352, %mul3A_369 : vector<16xf32>
        %mul3A_371 = arith.mulf %sub3A_368, %sub3A_368 : vector<16xf32>
        %add3A_372 = arith.addf %add3A_354, %mul3A_371 : vector<16xf32>
        %get3A_373 = arith.index_cast %scan3A_336 : i32 to index
        %get3A_374 = arith.constant 32 : index
        %get3A_375 = tpu.vector_load %arg16[%get3A_373, %get3A_374] {strides = array<i32>} : memref<160x128xf32, #tpu.memory_space<vmem>>, vector<1x16xf32>,
        %get3A_376 = vector.shape_cast %get3A_375 : vector<1x16xf32> to vector<16xf32>
        %get3A_377 = arith.index_cast %scan3A_336 : i32 to index
        %get3A_378 = arith.constant 32 : index
        %get3A_379 = tpu.vector_load %arg17[%get3A_377, %get3A_378] {strides = array<i32>} : memref<160x128xf32, #tpu.memory_space<vmem>>, vector<1x16xf32>,
        %get3A_380 = vector.shape_cast %get3A_379 : vector<1x16xf32> to vector<16xf32>
        %get3A_381 = arith.index_cast %scan3A_336 : i32 to index
        %get3A_382 = arith.constant 32 : index
        %get3A_383 = tpu.vector_load %arg18[%get3A_381, %get3A_382] {strides = array<i32>} : memref<160x128xf32, #tpu.memory_space<vmem>>, vector<1x16xf32>,
        %get3A_384 = vector.shape_cast %get3A_383 : vector<1x16xf32> to vector<16xf32>
        %sub3A_385 = arith.subf %get3A_376, %get3A_380 : vector<16xf32>
        %sub3A_386 = arith.subf %get3A_376, %get3A_384 : vector<16xf32>
        %mul3A_387 = arith.mulf %sub3A_385, %sub3A_385 : vector<16xf32>
        %add3A_388 = arith.addf %add3A_370, %mul3A_387 : vector<16xf32>
        %mul3A_389 = arith.mulf %sub3A_386, %sub3A_386 : vector<16xf32>
        %add3A_390 = arith.addf %add3A_372, %mul3A_389 : vector<16xf32>
        %get3A_391 = arith.index_cast %scan3A_336 : i32 to index
        %get3A_392 = arith.constant 48 : index
        %get3A_393 = tpu.vector_load %arg16[%get3A_391, %get3A_392] {strides = array<i32>} : memref<160x128xf32, #tpu.memory_space<vmem>>, vector<1x16xf32>,
        %get3A_394 = vector.shape_cast %get3A_393 : vector<1x16xf32> to vector<16xf32>
        %get3A_395 = arith.index_cast %scan3A_336 : i32 to index
        %get3A_396 = arith.constant 48 : index
        %get3A_397 = tpu.vector_load %arg17[%get3A_395, %get3A_396] {strides = array<i32>} : memref<160x128xf32, #tpu.memory_space<vmem>>, vector<1x16xf32>,
        %get3A_398 = vector.shape_cast %get3A_397 : vector<1x16xf32> to vector<16xf32>
        %get3A_399 = arith.index_cast %scan3A_336 : i32 to index
        %get3A_400 = arith.constant 48 : index
        %get3A_401 = tpu.vector_load %arg18[%get3A_399, %get3A_400] {strides = array<i32>} : memref<160x128xf32, #tpu.memory_space<vmem>>, vector<1x16xf32>,
        %get3A_402 = vector.shape_cast %get3A_401 : vector<1x16xf32> to vector<16xf32>
        %sub3A_403 = arith.subf %get3A_394, %get3A_398 : vector<16xf32>
        %sub3A_404 = arith.subf %get3A_394, %get3A_402 : vector<16xf32>
        %mul3A_405 = arith.mulf %sub3A_403, %sub3A_403 : vector<16xf32>
        %add3A_406 = arith.addf %add3A_388, %mul3A_405 : vector<16xf32>
        %mul3A_407 = arith.mulf %sub3A_404, %sub3A_404 : vector<16xf32>
        %add3A_408 = arith.addf %add3A_390, %mul3A_407 : vector<16xf32>
        %get3A_409 = arith.index_cast %scan3A_336 : i32 to index
        %get3A_410 = arith.constant 64 : index
        %get3A_411 = tpu.vector_load %arg16[%get3A_409, %get3A_410] {strides = array<i32>} : memref<160x128xf32, #tpu.memory_space<vmem>>, vector<1x16xf32>,
        %get3A_412 = vector.shape_cast %get3A_411 : vector<1x16xf32> to vector<16xf32>
        %get3A_413 = arith.index_cast %scan3A_336 : i32 to index
        %get3A_414 = arith.constant 64 : index
        %get3A_415 = tpu.vector_load %arg17[%get3A_413, %get3A_414] {strides = array<i32>} : memref<160x128xf32, #tpu.memory_space<vmem>>, vector<1x16xf32>,
        %get3A_416 = vector.shape_cast %get3A_415 : vector<1x16xf32> to vector<16xf32>
        %get3A_417 = arith.index_cast %scan3A_336 : i32 to index
        %get3A_418 = arith.constant 64 : index
        %get3A_419 = tpu.vector_load %arg18[%get3A_417, %get3A_418] {strides = array<i32>} : memref<160x128xf32, #tpu.memory_space<vmem>>, vector<1x16xf32>,
        %get3A_420 = vector.shape_cast %get3A_419 : vector<1x16xf32> to vector<16xf32>
        %sub3A_421 = arith.subf %get3A_412, %get3A_416 : vector<16xf32>
        %sub3A_422 = arith.subf %get3A_412, %get3A_420 : vector<16xf32>
        %mul3A_423 = arith.mulf %sub3A_421, %sub3A_421 : vector<16xf32>
        %add3A_424 = arith.addf %add3A_406, %mul3A_423 : vector<16xf32>
        %mul3A_425 = arith.mulf %sub3A_422, %sub3A_422 : vector<16xf32>
        %add3A_426 = arith.addf %add3A_408, %mul3A_425 : vector<16xf32>
        %get3A_427 = arith.index_cast %scan3A_336 : i32 to index
        %get3A_428 = arith.constant 80 : index
        %get3A_429 = tpu.vector_load %arg16[%get3A_427, %get3A_428] {strides = array<i32>} : memref<160x128xf32, #tpu.memory_space<vmem>>, vector<1x16xf32>,
        %get3A_430 = vector.shape_cast %get3A_429 : vector<1x16xf32> to vector<16xf32>
        %get3A_431 = arith.index_cast %scan3A_336 : i32 to index
        %get3A_432 = arith.constant 80 : index
        %get3A_433 = tpu.vector_load %arg17[%get3A_431, %get3A_432] {strides = array<i32>} : memref<160x128xf32, #tpu.memory_space<vmem>>, vector<1x16xf32>,
        %get3A_434 = vector.shape_cast %get3A_433 : vector<1x16xf32> to vector<16xf32>
        %get3A_435 = arith.index_cast %scan3A_336 : i32 to index
        %get3A_436 = arith.constant 80 : index
        %get3A_437 = tpu.vector_load %arg18[%get3A_435, %get3A_436] {strides = array<i32>} : memref<160x128xf32, #tpu.memory_space<vmem>>, vector<1x16xf32>,
        %get3A_438 = vector.shape_cast %get3A_437 : vector<1x16xf32> to vector<16xf32>
        %sub3A_439 = arith.subf %get3A_430, %get3A_434 : vector<16xf32>
        %sub3A_440 = arith.subf %get3A_430, %get3A_438 : vector<16xf32>
        %mul3A_441 = arith.mulf %sub3A_439, %sub3A_439 : vector<16xf32>
        %add3A_442 = arith.addf %add3A_424, %mul3A_441 : vector<16xf32>
        %mul3A_443 = arith.mulf %sub3A_440, %sub3A_440 : vector<16xf32>
        %add3A_444 = arith.addf %add3A_426, %mul3A_443 : vector<16xf32>
        %get3A_445 = arith.index_cast %scan3A_336 : i32 to index
        %get3A_446 = arith.constant 96 : index
        %get3A_447 = tpu.vector_load %arg16[%get3A_445, %get3A_446] {strides = array<i32>} : memref<160x128xf32, #tpu.memory_space<vmem>>, vector<1x16xf32>,
        %get3A_448 = vector.shape_cast %get3A_447 : vector<1x16xf32> to vector<16xf32>
        %get3A_449 = arith.index_cast %scan3A_336 : i32 to index
        %get3A_450 = arith.constant 96 : index
        %get3A_451 = tpu.vector_load %arg17[%get3A_449, %get3A_450] {strides = array<i32>} : memref<160x128xf32, #tpu.memory_space<vmem>>, vector<1x16xf32>,
        %get3A_452 = vector.shape_cast %get3A_451 : vector<1x16xf32> to vector<16xf32>
        %get3A_453 = arith.index_cast %scan3A_336 : i32 to index
        %get3A_454 = arith.constant 96 : index
        %get3A_455 = tpu.vector_load %arg18[%get3A_453, %get3A_454] {strides = array<i32>} : memref<160x128xf32, #tpu.memory_space<vmem>>, vector<1x16xf32>,
        %get3A_456 = vector.shape_cast %get3A_455 : vector<1x16xf32> to vector<16xf32>
        %sub3A_457 = arith.subf %get3A_448, %get3A_452 : vector<16xf32>
        %sub3A_458 = arith.subf %get3A_448, %get3A_456 : vector<16xf32>
        %mul3A_459 = arith.mulf %sub3A_457, %sub3A_457 : vector<16xf32>
        %add3A_460 = arith.addf %add3A_442, %mul3A_459 : vector<16xf32>
        %mul3A_461 = arith.mulf %sub3A_458, %sub3A_458 : vector<16xf32>
        %add3A_462 = arith.addf %add3A_444, %mul3A_461 : vector<16xf32>
        %get3A_463 = arith.index_cast %scan3A_336 : i32 to index
        %get3A_464 = arith.constant 112 : index
        %get3A_465 = tpu.vector_load %arg16[%get3A_463, %get3A_464] {strides = array<i32>} : memref<160x128xf32, #tpu.memory_space<vmem>>, vector<1x16xf32>,
        %get3A_466 = vector.shape_cast %get3A_465 : vector<1x16xf32> to vector<16xf32>
        %get3A_467 = arith.index_cast %scan3A_336 : i32 to index
        %get3A_468 = arith.constant 112 : index
        %get3A_469 = tpu.vector_load %arg17[%get3A_467, %get3A_468] {strides = array<i32>} : memref<160x128xf32, #tpu.memory_space<vmem>>, vector<1x16xf32>,
        %get3A_470 = vector.shape_cast %get3A_469 : vector<1x16xf32> to vector<16xf32>
        %get3A_471 = arith.index_cast %scan3A_336 : i32 to index
        %get3A_472 = arith.constant 112 : index
        %get3A_473 = tpu.vector_load %arg18[%get3A_471, %get3A_472] {strides = array<i32>} : memref<160x128xf32, #tpu.memory_space<vmem>>, vector<1x16xf32>,
        %get3A_474 = vector.shape_cast %get3A_473 : vector<1x16xf32> to vector<16xf32>
        %sub3A_475 = arith.subf %get3A_466, %get3A_470 : vector<16xf32>
        %sub3A_476 = arith.subf %get3A_466, %get3A_474 : vector<16xf32>
        %mul3A_477 = arith.mulf %sub3A_475, %sub3A_475 : vector<16xf32>
        %add3A_478 = arith.addf %add3A_460, %mul3A_477 : vector<16xf32>
        %mul3A_479 = arith.mulf %sub3A_476, %sub3A_476 : vector<16xf32>
        %add3A_480 = arith.addf %add3A_462, %mul3A_479 : vector<16xf32>
        %sub3A_481 = arith.subf %add3A_478, %add3A_480 : vector<16xf32>
        %add3A_482 = arith.addi %mul3A_144, %scan3A_336 : i32
        %lt3A_483 = arith.constant 500000 : i32
        %lt3A_484 = arith.cmpi slt, %add3A_482, %lt3A_483 : i32
        %jit3A_485 = arith.constant -1.000000e+30 : f32
        %broadcast_in_dim3A_486 = vector.broadcast %jit3A_485 : f32 to vector<16xf32>
        %select_n3A_487 = arith.select %lt3A_484, %sub3A_481, %broadcast_in_dim3A_486 : vector<16xf32>
        %xor3A_488 = arith.constant 8 : i32
        %xor3A_489 = vector.broadcast %xor3A_488 : i32 to vector<16xi32>
        %xor3A_490 = arith.xori %iota3A, %xor3A_489 : vector<16xi32>
        %broadcast_in_dim3A_491 = vector.shape_cast %xor3A_490 : vector<16xi32> to vector<16x1xi32>
        %gather3A_492 = vector.shape_cast %broadcast_in_dim3A_491 : vector<16x1xi32> to vector<16xi32>
        %gather3A_493 = tpu.dynamic_gather %select_n3A_487[%gather3A_492] in [0] : vector<16xf32>, vector<16xi32> -> vector<16xf32>
        %add3A_494 = arith.addf %select_n3A_487, %gather3A_493 : vector<16xf32>
        %xor3A_495 = arith.constant 4 : i32
        %xor3A_496 = vector.broadcast %xor3A_495 : i32 to vector<16xi32>
        %xor3A_497 = arith.xori %iota3A, %xor3A_496 : vector<16xi32>
        %broadcast_in_dim3A_498 = vector.shape_cast %xor3A_497 : vector<16xi32> to vector<16x1xi32>
        %gather3A_499 = vector.shape_cast %broadcast_in_dim3A_498 : vector<16x1xi32> to vector<16xi32>
        %gather3A_500 = tpu.dynamic_gather %add3A_494[%gather3A_499] in [0] : vector<16xf32>, vector<16xi32> -> vector<16xf32>
        %add3A_501 = arith.addf %add3A_494, %gather3A_500 : vector<16xf32>
        %xor3A_502 = arith.constant 2 : i32
        %xor3A_503 = vector.broadcast %xor3A_502 : i32 to vector<16xi32>
        %xor3A_504 = arith.xori %iota3A, %xor3A_503 : vector<16xi32>
        %broadcast_in_dim3A_505 = vector.shape_cast %xor3A_504 : vector<16xi32> to vector<16x1xi32>
        %gather3A_506 = vector.shape_cast %broadcast_in_dim3A_505 : vector<16x1xi32> to vector<16xi32>
        %gather3A_507 = tpu.dynamic_gather %add3A_501[%gather3A_506] in [0] : vector<16xf32>, vector<16xi32> -> vector<16xf32>
        %add3A_508 = arith.addf %add3A_501, %gather3A_507 : vector<16xf32>
        %xor3A_509 = arith.constant 1 : i32
        %xor3A_510 = vector.broadcast %xor3A_509 : i32 to vector<16xi32>
        %xor3A_511 = arith.xori %iota3A, %xor3A_510 : vector<16xi32>
        %broadcast_in_dim3A_512 = vector.shape_cast %xor3A_511 : vector<16xi32> to vector<16x1xi32>
        %gather3A_513 = vector.shape_cast %broadcast_in_dim3A_512 : vector<16x1xi32> to vector<16xi32>
        %gather3A_514 = tpu.dynamic_gather %add3A_508[%gather3A_513] in [0] : vector<16xf32>, vector<16xi32> -> vector<16xf32>
        %add3A_515 = arith.addf %add3A_508, %gather3A_514 : vector<16xf32>
        %add3A_516 = arith.constant 2.000000e-01 : f32
        %add3A_517 = vector.broadcast %add3A_516 : f32 to vector<16xf32>
        %add3A_518 = arith.addf %add3A_515, %add3A_517 : vector<16xf32>
        %max3A_519 = arith.constant 0.000000e+00 : f32
        %max3A_520 = vector.broadcast %max3A_519 : f32 to vector<16xf32>
        %max3A_521 = arith.maximumf %add3A_518, %max3A_520 : vector<16xf32>
        %add3A_522 = arith.addf %add3A_334, %max3A_521 : vector<16xf32>
        scf.yield %add3A_522 : vector<16xf32>
      }
      %scan3A_150 = arith.constant 160 : i32
      scf.yield %scan3A_149 : vector<16xf32>
    }
    %swap3A = arith.constant 0 : index
    %swap3A_80 = tpu.vector_load %arg19[%swap3A] {strides = array<i32>} : memref<16xf32, #tpu.memory_space<vmem>>, vector<16xf32>,
    %swap3A_81 = vector.shape_cast %swap3A_80 : vector<16xf32> to vector<16xf32>
    %swap3A_82 = vector.shape_cast %while3A_79 : vector<16xf32> to vector<16xf32>
    tpu.vector_store %arg19[%swap3A], %swap3A_82 {strides = array<i32>} : memref<16xf32, #tpu.memory_space<vmem>>, vector<16xf32>,
    %mul3A_83 = arith.constant 16 : i32
    %mul3A_84 = arith.muli %add3A, %mul3A_83 : i32
    "tpu.region"() ({
      %run_scoped3A = tpu.sem_alloc : memref<!tpu.dma_semaphore, #tpu.memory_space<semaphore_mem>>
      %dma_start3A_85 = tpu.memref_slice %arg6[%mul3A_84] : memref<512xf32, #tpu.memory_space<hbm>> -> memref<16xf32, #tpu.memory_space<hbm>>
      %dma_start3A_86 = tpu.memref_slice %arg6[%mul3A_84] : memref<512xf32, #tpu.memory_space<hbm>> -> memref<16xf32, #tpu.memory_space<hbm>>
      tpu.enqueue_dma source(%arg19 : memref<16xf32, #tpu.memory_space<vmem>>) target(%dma_start3A_86 : memref<16xf32, #tpu.memory_space<hbm>>) target_semaphore(%run_scoped3A : memref<!tpu.dma_semaphore, #tpu.memory_space<semaphore_mem>>)
      %dma_wait3A_87 = tpu.memref_slice %arg6[%mul3A_84] : memref<512xf32, #tpu.memory_space<hbm>> -> memref<16xf32, #tpu.memory_space<hbm>>
      %dma_wait3A_88 = tpu.memref_slice %arg6[%mul3A_84] : memref<512xf32, #tpu.memory_space<hbm>> -> memref<16xf32, #tpu.memory_space<hbm>>
      tpu.wait_dma2 semaphore(%run_scoped3A : memref<!tpu.dma_semaphore, #tpu.memory_space<semaphore_mem>>) src(%arg19 : memref<16xf32, #tpu.memory_space<vmem>>) dst(%dma_wait3A_88 : memref<16xf32, #tpu.memory_space<hbm>>)
      tpu.yield
    }) : () -> ()
    return
  }
}

module attributes {stable_mosaic.version = 14 : i64} {
  func.func @_reduce_body(%arg0: memref<4x128xf32, #tpu.memory_space<vmem>>, %arg1: memref<1x1xf32, #tpu.memory_space<vmem>>) attributes {dimension_semantics = [], scalar_prefetch = 0 : i64, scratch_operands = 0 : i64, tpu.core_type = #tpu.core_type<tc>} {
    %get3A = arith.constant 0 : index
    %get3A_0 = arith.constant 0 : index
    %get3A_1 = vector.load %arg0[%get3A, %get3A_0] : memref<4x128xf32, #tpu.memory_space<vmem>>, vector<4x128xf32>
    %reduce_sum3A = vector.shape_cast %get3A_1 : vector<4x128xf32> to vector<1x4x128xf32>
    %reduce_sum3A_2 = arith.constant dense<0.000000e+00> : vector<1xf32>
    %reduce_sum3A_3 = vector.multi_reduction <add>, %reduce_sum3A, %reduce_sum3A_2 [1, 2] : vector<1x4x128xf32> to vector<1xf32>
    %reduce_sum3A_4 = vector.shape_cast %reduce_sum3A_3 : vector<1xf32> to vector<1x1x1xf32>
    %reduce_sum3A_5 = vector.extract %reduce_sum3A_4[0, 0, 0] : f32 from vector<1x1x1xf32>
    %div3A = arith.constant 8.000000e+06 : f32
    %div3A_6 = arith.divf %reduce_sum3A_5, %div3A : f32
    %reshape3A = vector.broadcast %div3A_6 : f32 to vector<1x1xf32>
    %swap3A = arith.constant 0 : index
    %swap3A_7 = arith.constant 0 : index
    %swap3A_8 = vector.load %arg1[%swap3A, %swap3A_7] : memref<1x1xf32, #tpu.memory_space<vmem>>, vector<1x1xf32>
    tpu.vector_store %arg1[%swap3A, %swap3A_7], %reshape3A {strides = array<i32>} : memref<1x1xf32, #tpu.memory_space<vmem>>, vector<1x1xf32>,
    return
  }
}

</mosaic_0001>

<sc_bundles>
// kernel: kernel.4.cloned.1.call-start
scs
__scs_entry_jumppad:
0x0: {  	(pc) =	sbr.rel $0x88, $3  }
0x1: {  	(tag) =	ssettag $0x0;
	lr =	simm.s32 $0x1  }
0x2: {  	[smem:$0x3F9F] =	sst lr;
	_ =	strace $0xD0000000  }
0x3: {  	_ = 	snop  }
0x4: {  	_ = 	snop  }
0x5: {  	_ = 	snop  }
0x6: {  	_ = 	snop  }
0x7: {  	_ = 	snop  }
__scs_overlays_trampoline_lowered:
0x8: {  	[smem:$0x3FAE] =	sst s0  }
0x9: {  	[smem:$0x3FAF] =	sst s1  }
0xa: {  	[smem:$0x3FB0] =	sst s2  }
0xb: {  	[smem:$0x3FB1] =	sst s3  }
0xc: {  	[smem:$0x3FB2] =	sst s4  }
0xd: {  	[smem:$0x3FB3] =	sst s5  }
0xe: {  	[smem:$0x3FB4] =	sst s6  }
0xf: {  	[smem:$0x3FB5] =	sst s7  }
0x10: {  	[smem:$0x3FB6] =	sst s8  }
0x11: {  	[smem:$0x3FB7] =	sst s9;
	s0 =	simm.s32 @!p0 $0x0  }
0x12: {  	s1 =	sld [smem:$0x3F9D];
	s0 =	simm.s32 @p0 $0x1  }
0x13: {  	[smem:$0x3FB8] =	sst s0;
	s0 =	simm.s32 @!p1 $0x0  }
0x14: {  	s2 =	sld [smem:$0x3F9C];
	s0 =	simm.s32 @p1 $0x1  }
0x15: {  	[smem:$0x3FB9] =	sst s0;
	s0 =	simm.s32 @!p2 $0x0  }
0x16: {  	s3 =	sld [smem:$0x3FDB];
	s0 =	simm.s32 @p2 $0x1  }
0x17: {  	s4 =	simm.s32 $0x1BF5;
	[smem:$0x3FBB] =	sst s0  }
0x18: {  	s0 =	sld [smem:$0x3F9E];
	_ =	swait.ge [sflag:s4], $0x0  }
0x19: {  	s7 =	sld [smem:$0x3F9F]  }
0x1a: {  	s8 =	sadd.s32 $0xFFFFE003, lr  }
0x1b: {  	s9 =	sadd.s32 $0xFFFFFEF7, lr;
	s5 =	simm.s32 $0xFFFFFFFF;
	p2 =	slt.u32 s8, $0xFFFFF086  }
0x1c: {  	p1 =	slt.u32 s9, $0xF7A;
	s5 =	simm.s32 @!p2 $0x0  }
0x1d: {  	s5 =	simm.s32 @p1 $0x1;
	p0 =	seq.s32 s7, s2  }
0x1e: {  	s7 =	smul.u32 @!p0 $0xF7A, s2;
	p2 =	seq.s32 @!p0 s5, $0x0  }
0x1f: {  	s9 =	smul.u32 $0xF7A, s1;
	s8 =	simm.s32 @!p0 $0x1BF5;
	p2 =	por !p2, p0  }
0x20: {  	[sflag:s8] =	ssyncset.s32 @!p0 $0xFFFFF086;
	s6 =	sadd.s32 @!p0 s3, s7;
	s7 =	simm.s32 @!p0 $0x108  }
0x21: {  	s3 =	sadd.s32 s3, s9;
	s6 =	sadd.s32 @!p0 $0x88, s6;
	s7 =	simm.s32 @p2 $0x1082  }
0x22: {  	[simem:s7], [sflag:s8] =	dma.local @!p0 [hbm:s6], $0xF7A  }
0x23: {  	s9 =	sor.u32 $0xD0000000, s2;
	s6 =	simm.s32 $0x108;
	_ =	swait.ge @!p0 [sflag:s8], $0x0  }
0x24: {  	s3 =	sadd.s32 $0x88, s3;
	s6 =	simm.s32 @!p1 $0x1082;
	[sflag:s4] =	ssyncset.s32 $0xFFFFF086  }
0x25: {  	[simem:s6], [sflag:s4] =	dma.local [hbm:s3], $0xF7A  }
0x26: {  	[smem:$0x3F9F] =	sst s1;
	(tag) =	ssettag s2;
	_ =	strace s9  }
0x27: {  	s1 =	sld [smem:$0x3FAF]  }
0x28: {  	s2 =	sld [smem:$0x3FB0]  }
0x29: {  	s4 =	sld [smem:$0x3FB2]  }
0x2a: {  	p0 =	seq.s32 s5, $0x0;
	s5 =	sld [smem:$0x3FB3]  }
0x2b: {  	s6 =	sld [smem:$0x3FB4]  }
0x2c: {  	s7 =	sld [smem:$0x3FB5]  }
0x2d: {  	s3 =	simm.s32 $0x108;
	s8 =	sld [smem:$0x3FB6]  }
0x2e: {  	s3 =	simm.s32 @!p0 $0x1082;
	s9 =	sld [smem:$0x3FB7]  }
0x2f: {  	lr =	sadd.s32 s0, s3;
	s0 =	sld [smem:$0x3FAE]  }
0x30: {  	s3 =	sld [smem:$0x3FB1]  }
0x31: {  	[smem:$0x3FBA] =	sst s10  }
0x32: {  	s10 =	sld [smem:$0x3FB8];
	_ =	sdelay $0x3  }
0x33: {  	p0 =	seq.s32 s10, $0x1;
	s10 =	sld [smem:$0x3FBA];
	_ =	sdelay $0x3  }
0x34: {  	[smem:$0x3FBA] =	sst s10  }
0x35: {  	s10 =	sld [smem:$0x3FB9];
	_ =	sdelay $0x3  }
0x36: {  	p1 =	seq.s32 s10, $0x1;
	s10 =	sld [smem:$0x3FBA];
	_ =	sdelay $0x3  }
0x37: {  	[smem:$0x3FBA] =	sst s10  }
0x38: {  	s10 =	sld [smem:$0x3FBB]  }
0x39: {  	_ = 	snop;
	(pc) =	sbr.ind lr, $3  }
0x3a: {  	_ = 	snop  }
0x3b: {  	_ = 	snop  }
0x3c: {  	p2 =	seq.s32 s10, $0x1;
	s10 =	sld [smem:$0x3FBA]  }
0x3d: {  	_ =	shalt  }
0x3e: {  	_ =	shalt  }
0x3f: {  	_ =	shalt  }
0x40: {  	_ =	shalt  }
0x41: {  	_ =	shalt  }
0x42: {  	_ =	shalt  }
0x43: {  	_ =	shalt  }
0x44: {  	_ =	shalt  }
0x45: {  	_ =	shalt  }
0x46: {  	_ =	shalt  }
0x47: {  	_ =	shalt  }
0x48: {  	_ =	shalt  }
0x49: {  	_ =	shalt  }
0x4a: {  	_ =	shalt  }
0x4b: {  	_ =	shalt  }
0x4c: {  	_ =	shalt  }
0x4d: {  	_ =	shalt  }
0x4e: {  	_ =	shalt  }
0x4f: {  	_ =	shalt  }
0x50: {  	_ =	shalt  }
0x51: {  	_ =	shalt  }
0x52: {  	_ =	shalt  }
0x53: {  	_ =	shalt  }
0x54: {  	_ =	shalt  }
0x55: {  	_ =	shalt  }
0x56: {  	_ =	shalt  }
0x57: {  	_ =	shalt  }
0x58: {  	_ =	shalt  }
0x59: {  	_ =	shalt  }
0x5a: {  	_ =	shalt  }
0x5b: {  	_ =	shalt  }
0x5c: {  	_ =	shalt  }
0x5d: {  	_ =	shalt  }
0x5e: {  	_ =	shalt  }
0x5f: {  	_ =	shalt  }
0x60: {  	_ =	shalt  }
0x61: {  	_ =	shalt  }
0x62: {  	_ =	shalt  }
0x63: {  	_ =	shalt  }
0x64: {  	_ =	shalt  }
0x65: {  	_ =	shalt  }
0x66: {  	_ =	shalt  }
0x67: {  	_ =	shalt  }
0x68: {  	_ =	shalt  }
0x69: {  	_ =	shalt  }
0x6a: {  	_ =	shalt  }
0x6b: {  	_ =	shalt  }
0x6c: {  	_ =	shalt  }
0x6d: {  	_ =	shalt  }
0x6e: {  	_ =	shalt  }
0x6f: {  	_ =	shalt  }
0x70: {  	_ =	shalt  }
0x71: {  	_ =	shalt  }
0x72: {  	_ =	shalt  }
0x73: {  	_ =	shalt  }
0x74: {  	_ =	shalt  }
0x75: {  	_ =	shalt  }
0x76: {  	_ =	shalt  }
0x77: {  	_ =	shalt  }
0x78: {  	_ =	shalt  }
0x79: {  	_ =	shalt  }
0x7a: {  	_ =	shalt  }
0x7b: {  	_ =	shalt  }
0x7c: {  	_ =	shalt  }
0x7d: {  	_ =	shalt  }
0x7e: {  	_ =	shalt  }
0x7f: {  	_ =	shalt  }
0x80: {  	_ =	shalt  }
0x81: {  	_ =	shalt  }
0x82: {  	_ =	shalt  }
0x83: {  	_ =	shalt  }
0x84: {  	_ =	shalt  }
0x85: {  	_ =	shalt  }
0x86: {  	_ =	shalt  }
0x87: {  	_ =	shalt  }
.Lfunc_end0:
.L_simem_size_0:
called_computation_lowered:
.L_overlay_start_0:
0x88: {  	s2 =	sld [smem:$0x3FD9]  }
0x89: {  	s3 =	sld [smem:$0x3FFE];
	_ =	sdelay $0x1  }
0x8a: {  	s1 =	srdreg.scid  }
0x8b: {  	s0 =	sand.u32 $0x1, s1  }
0x8c: {  	s17 =	sshll.u32 s0, $0xA;
	s2 =	sadd.s32 s3, s2  }
0x8d: {  	s2 =	sadd.s32 s2, s17  }
0x8e: {  	[smem:$0x3FC6] =	sst s2  }
0x8f: {  	_ = 	snop  }
0x90: {  	s2 =	sld [smem:$0x3FC9];
	(tm) =	ssettm $0x1  }
0x91: {  	s18 =	sld [smem:$0x3FFB];
	_ =	sdelay $0x3  }
0x92: {  	_ =	strace s18  }
0x93: {  	s3 =	sld [smem:$0x3FFC];
	_ =	sdelay $0x3  }
0x94: {  	_ =	strace s3  }
0x95: {  	s3 =	sld [smem:$0x3FFD];
	_ =	sdelay $0x3  }
0x96: {  	_ =	strace s3  }
0x97: {  	_ =	strace $0x8FFFFFFF  }
0x98: {  	s19 =	sld [smem:$0x3FDB];
	_ =	sdelay $0x1  }
0x99: {  	s4 =	simm.s32 $_scs_section_size  }
0x9a: {  	s5 =	simm.s32 $_size__tile_overlayer_lowered;
	s6 =	simm.s32 $_tile_overlayer_lowered  }
0x9b: {  	s22 =	simm.s32 $0x1BFF;
	s21 =	sshll.u32 s6, $0x1;
	s3 =	sadd.s32 s4, s19  }
0x9c: {  	s7 =	simm.s32 $0x0;
	s20 =	sshll.u32 s5, $0x1;
	s5 =	sadd.s32 s21, s3  }
0x9d: {  	[timem:s7], [sflag:s22] =	dma.local [hbm:s5], s20  }
0x9e: {  	_ =	swait.ge [sflag:s22], s20  }
0x9f: {  	s4 =	ssub.s32 $0x0, s20;
	[sflag:s22] =	ssyncset.done $0x0  }
0xa0: {  	[sflag:s22] =	ssyncadd.s32 s4;
	_ =	sdelay $0x1  }
0xa1: {  	s23 =	simm.s32 $0x1B8B  }
0xa2: {  	_ =	swait.ge [sflag:s23], $0x1  }
0xa3: {  	[sflag:s23] =	ssyncset.done $0x0  }
0xa4: {  	s25 =	simm.s32 $0x1B8E;
	s24 =	sld [smem:$0x3FFE];
	[sflag:s23] =	ssyncadd.s32 $0xFFFFFFFF  }
0xa5: {  	s26 =	simm.s32 $execute0_lowered;
	[smem:$0x3FD2] =	sst s25  }
0xa6: {  	s5 =	sshll.u32 s26, $0x1;
	_ =	strace $0x80000046;
	[dreg:$0x1] =	wrdreg $0xFFFFFFFF  }
0xa7: {  	s28 =	simm.s32 $_size_execute0_lowered;
	s3 =	sadd.s32 s3, s5;
	[dreg:$0x0] =	wrdreg $0x0  }
0xa8: {  	s5 =	sshll.u32 s28, $0x1;
	[dreg:$0x2] =	wrdreg s3  }
0xa9: {  	[dreg:$0x3] =	wrdreg s5  }
0xaa: {  	[dreg:$0x4] =	wrdreg $0xC0  }
0xab: {  	_ =	task [dreg:s7], $0x5FFFF  }
0xac: {  	[dreg:$0x1] =	wrdreg $0xFFFFFFFF  }
0xad: {  	[dreg:$0x0] =	wrdreg $0x60  }
0xae: {  	[dreg:$0x2] =	wrdreg s2  }
0xaf: {  	[dreg:$0x3] =	wrdreg s24  }
0xb0: {  	[dreg:$0x4] =	wrdreg $0x9  }
0xb1: {  	_ =	task.clear_ibuf [dreg:s7], $0x5FFFF;
	_ =	strace $0x90000046  }
0xb2: {  	s29 =	simm.s32 $0x9;
	_ =	strace $0x80000048  }
0xb3: {  	_ =	swait.ge [sflag:s29], $0x1  }
0xb4: {  	[sflag:s29] =	ssyncadd.s32 $0xFFFFFFFF  }
0xb5: {  	_ =	strace $0x90000048  }
0xb6: {  	_ =	sfence  }
0xb7: {  	s30 =	sld [smem:$0x0];
	_ =	sdelay $0x2  }
0xb8: {  	s31 =	sshll.u32 s1, $0xD;
	s1 =	sshrl.u32 s1, $0x2  }
0xb9: {  	s3 =	sand.u32 $0x4000, s31;
	s1 =	sadd.s32 s1, s30  }
0xba: {  	s0 =	sor.u32 s3, s0;
	s1 =	sshll.u32 s1, $0x11  }
0xbb: {  	s0 =	sor.u32 s1, s0  }
0xbc: {  	s0 =	sadd.s32 $0x8F2B, s0  }
0xbd: {  	[sflag:s0] =	ssyncadd.remote.s32 $0x1  }
0xbe: {  	_ =	sfence.sel $0xFFFF  }
0xbf: {  	[dreg:$0x0] =	wrdreg $0xFFFFFFFF;
	(pc) =	sbr.abs _section_cstart, $3  }
0xc0: {  	[dreg:$0x1] =	wrdreg $0xFFFFFFFF  }
0xc1: {  	_ =	task.clear_ibuf [dreg:s7], $0x2FFFF;
	_ =	strace $0x9FFFFFFF  }
0xc2: {  	(tm) =	ssettm $0x7FFFFFFF  }
0xc3: {  	_ =	shalt  }
tec
execute0_lowered:
.L_overlay_start_1:
0x0: {  	(tag) =	ssettag $0x1  }
0x1: {  	s2 =	rddreg [dreg:$0x0]  }
0x2: {  	s0 =	rddreg [dreg:$0x1]  }
0x3: {  	s12 =	stileid.u32;
	s1 =	srdreg.scid;
	s3 =	simm.s32 $0x0  }
0x4: {  	s9 =	simm.s32 $0x82;
	s31 =	simm.s32 $0x3;
	s4 =	smul.u32 $0x42, s12  }
0x5: {  	v0 =	vimm.s32 $0xFEDCBA98;
	v1 =	vimm.s32 $0x76543210;
	s1 =	sand.u32 $0x1, s1;
	s6 =	smul.u32 $0x82, s12;
	[smem:$0x7FF] =	sst s3  }
0x6: {  	v2 =	vimm.s32 $0xBA98FEDC;
	v3 =	vimm.s32 $0x32107654;
	s5 =	sadd.s32 $0x1F400, s0;
	s8 =	sadd.s32 $0x800, s0;
	s30 =	sshll.u32 s12, $0x2  }
0x7: {  	v4 =	vimm.s32 $0xDCFE98BA;
	v5 =	vimm.s32 $0x54761032;
	p0 =	seq.s32 s1, $0x0;
	_ =	strace $0x80000047;
	s7 =	ssub.s32 $0x2, s1  }
0x8: {  	v6 =	vimm.s32 $0xEFCDAB89;
	v7 =	vimm.s32 $0x67452301;
	s1 =	sshll.u32 s1, $0x1;
	s4 =	sadd.s32 $0x820, s4;
	s10 =	sshrl.u32 s7, $0x1  }
0x9: {  	v0 =	vunpack.c.l.s4.s8 v0;
	v1 =	vunpack.c.l.s4.s8 v1;
	v2 =	vunpack.c.l.s4.s8 v2;
	s9 =	simm.s32 @!p0 $0x42;
	s4 =	smov.u32 @p0 s6;
	s6 =	sadd.s32 $0xFE00, s0  }
0xa: {  	v3 =	vunpack.c.l.s4.s8 v3;
	v4 =	vunpack.c.l.s4.s8 v4;
	v5 =	vunpack.c.l.s4.s8 v5;
	s0 =	sadd.s32 s1, s0;
	s22 =	ssub.s32 s7, s10;
	s11 =	smul.u32 $0x14, s4  }
0xb: {  	v6 =	vunpack.c.l.s4.s8 v6;
	v7 =	vunpack.c.l.s4.s8 v7;
	v0 =	vunpack.c.0.s8.s32 v0;
	s17 =	sshrl.u32 s9, $0x1;
	s28 =	smul.u32 $0xA0, s4;
	s0 =	sadd.s32 s30, s0  }
0xc: {  	v2 =	vunpack.c.0.s8.s32 v2;
	v3 =	vunpack.c.0.s8.s32 v3;
	v4 =	vunpack.c.0.s8.s32 v4;
	s19 =	smax.u32 s22, $0x1;
	s22 =	simm.s32 $0x5;
	s23 =	sadd.s32 s5, s11  }
0xd: {  	v5 =	vunpack.c.0.s8.s32 v5;
	v6 =	vunpack.c.0.s8.s32 v6;
	v7 =	vunpack.c.0.s8.s32 v7;
	s18 =	sadd.s32 $0x2EA00, s0;
	s25 =	sadd.s32 s6, s11;
	[dreg:$0x3] =	wrdreg s23  }
0xe: {  	v1 =	vunpack.c.0.s8.s32 v1;
	v2 =	vcombine.low v3, v2;
	s24 =	sadd.s32 $0xA0, s28;
	s29 =	sadd.s32 s8, s11;
	[dreg:$0x4] =	wrdreg s25  }
0xf: {  	v3 =	vcombine.low v5, v4;
	v4 =	vcombine.low v7, v6;
	v0 =	vand.u32 $0xF, v0;
	s0 =	simm.s32 $0x4;
	s26 =	sshrl.u32 s24, $0x3;
	[dreg:$0x5] =	wrdreg s29  }
0x10: {  	v0 =	vcombine.low v0, v1;
	s25 =	simm.s32 $0x1;
	s23 =	simm.s32 $0x0;
	s14 =	sadd.s32 s5, s26  }
0x11: {  	v1 =	vand.u32 $0xF, v2;
	v2 =	vand.u32 $0xF, v3;
	v3 =	vand.u32 $0xF, v4;
	s15 =	sadd.s32 s6, s26;
	s16 =	sadd.s32 s8, s26;
	s26 =	simm.s32 $0xA0  }
.LBB2_1:
0x12: {  	s1 =	rddreg [dreg:$0x3]  }
0x13: {  	[tilespmem:s3], [sflag:$0x1] =	stream.linear.gather [hbm4b:s1+s3], $0xA0, $0x38;
	[tilespmem:$0x1E680] =	vst v63  }
0x14: {  	s21 =	rddreg [dreg:$0x4];
	s7 =	simm.s32 $0x100  }
0x15: {  	[tilespmem:s7], [sflag:$0x1] =	stream.linear.gather [hbm4b:s21+s3], $0xA0, $0x38;
	[tilespmem:$0x1E680] =	vst v63  }
0x16: {  	s30 =	rddreg [dreg:$0x5];
	s10 =	simm.s32 $0x200  }
0x17: {  	[tilespmem:s10], [sflag:$0x1] =	stream.linear.gather [hbm4b:s30+s3], $0xA0, $0x38;
	[tilespmem:$0x1E680] =	vst v63  }
0x18: {  	s11 =	simm.s32 $0x300  }
0x19: {  	[tilespmem:s11], [sflag:$0x2] =	stream.linear.gather [hbm4b:s14+s3], $0xA0, $0x38;
	[tilespmem:$0x1E680] =	vst v63  }
0x1a: {  	s12 =	simm.s32 $0x400  }
0x1b: {  	[tilespmem:s12], [sflag:$0x2] =	stream.linear.gather [hbm4b:s15+s3], $0xA0, $0x38;
	[tilespmem:$0x1E680] =	vst v63  }
0x1c: {  	s13 =	simm.s32 $0x500  }
0x1d: {  	[tilespmem:s13], [sflag:$0x2] =	stream.linear.gather [hbm4b:s16+s3], $0xA0, $0x38;
	[tilespmem:$0x1E680] =	vst v63  }
0x1e: {  	_ =	swait.ge [sflag:s25], $0xA0  }
0x1f: {  	[sflag:s25] =	ssyncset.done $0x0  }
0x20: {  	[sflag:s25] =	ssyncadd.s32 $0xFFFFFF60  }
0x21: {  	_ =	swait.ge [sflag:s25], $0xA0  }
0x22: {  	[sflag:s25] =	ssyncset.done $0x0  }
0x23: {  	[sflag:s25] =	ssyncadd.s32 $0xFFFFFF60  }
0x24: {  	_ =	swait.ge [sflag:s25], $0xA0  }
0x25: {  	[sflag:s25] =	ssyncset.done $0x0  }
0x26: {  	s20 =	simm.s32 $0x600;
	[sflag:s25] =	ssyncadd.s32 $0xFFFFFF60  }
0x27: {  	[tilespmem:s20], [sflag:$0x3] =	stream.indirect.gather [hbm4b:s2+s26], $0x80, s3, s26, $0xb8;
	[tilespmem:$0x1E680] =	vst v63  }
0x28: {  	s21 =	simm.s32 $0x5600  }
0x29: {  	[tilespmem:s21], [sflag:$0x3] =	stream.indirect.gather [hbm4b:s2+s26], $0x80, s7, s26, $0xb8;
	[tilespmem:$0x1E680] =	vst v63  }
0x2a: {  	s30 =	simm.s32 $0xA600  }
0x2b: {  	[tilespmem:s30], [sflag:$0x3] =	stream.indirect.gather [hbm4b:s2+s26], $0x80, s10, s26, $0xb8;
	[tilespmem:$0x1E680] =	vst v63  }
0x2c: {  	v4 =	vimm.f32 $0.0e+00;
	s29 =	simm.s32 $0x0;
	s7 =	smov.u32 s28;
	s10 =	smov.u32 s24  }
.LBB2_2:
0x2d: {  	_ =	swait.ge [sflag:s31], $0x5000  }
0x2e: {  	[sflag:s31] =	ssyncset.done $0x0  }
0x2f: {  	s30 =	sshll.u32 s29, $0x1;
	[sflag:s31] =	ssyncadd.s32 $0xFFFFB000  }
0x30: {  	s1 =	sadd.s32 $0x2, s30;
	_ =	swait.ge [sflag:s31], $0x5000  }
0x31: {  	p0 =	sge.u32 s1, s9;
	[sflag:s31] =	ssyncset.done $0x0  }
0x32: {  	s1 =	sadd.s32 @!p0 s4, s1;
	[sflag:s31] =	ssyncadd.s32 $0xFFFFB000  }
0x33: {  	s1 =	smul.u32 @!p0 $0x14, s1;
	_ =	swait.ge [sflag:s31], $0x5000  }
0x34: {  	[sflag:s31] =	ssyncset.done $0x0  }
0x35: {  	s12 =	simm.s32 @!p0 $0x0;
	s11 =	sadd.s32 @!p0 s5, s1;
	[sflag:s31] =	ssyncadd.s32 $0xFFFFB000  }
0x36: {  	[tilespmem:s12], [sflag:$0x1] =	stream.linear.gather @!p0 [hbm4b:s11+s12], $0xA0, $0x38;
	[tilespmem:$0x1E680] =	vst v63  }
0x37: {  	s20 =	simm.s32 @!p0 $0x100;
	s11 =	sadd.s32 @!p0 s6, s1  }
0x38: {  	[tilespmem:s20], [sflag:$0x1] =	stream.linear.gather @!p0 [hbm4b:s11+s12], $0xA0, $0x38;
	[tilespmem:$0x1E680] =	vst v63  }
0x39: {  	s20 =	sor.u32 $0x1, s30  }
0x3a: {  	s1 =	sadd.s32 @!p0 s8, s1;
	s11 =	simm.s32 @!p0 $0x200;
	p1 =	sge.u32 s20, s9  }
0x3b: {  	[tilespmem:s11], [sflag:$0x1] =	stream.linear.gather @!p0 [hbm4b:s1+s12], $0xA0, $0x38;
	[tilespmem:$0x1E680] =	vst v63  }
0x3c: {  	s1 =	simm.s32 @!p1 $0x2  }
0x3d: {  	_ =	swait.ge @!p1 [sflag:s1], $0xA0  }
0x3e: {  	[sflag:s1] =	ssyncset.done @!p1 $0x0  }
0x3f: {  	[sflag:s1] =	ssyncadd.s32 @!p1 $0xFFFFFF60  }
0x40: {  	_ =	swait.ge @!p1 [sflag:s1], $0xA0  }
0x41: {  	[sflag:s1] =	ssyncset.done @!p1 $0x0  }
0x42: {  	[sflag:s1] =	ssyncadd.s32 @!p1 $0xFFFFFF60  }
0x43: {  	_ =	swait.ge @!p1 [sflag:s1], $0xA0  }
0x44: {  	s11 =	simm.s32 @!p1 $0x300;
	[sflag:s1] =	ssyncset.done @!p1 $0x0  }
0x45: {  	s12 =	simm.s32 @!p1 $0xF600;
	[sflag:s1] =	ssyncadd.s32 @!p1 $0xFFFFFF60;
	s1 =	simm.s32 @!p1 $0xA0  }
0x46: {  	[tilespmem:s12], [sflag:$0x4] =	stream.indirect.gather @!p1 [hbm4b:s2+s1], $0x80, s11, s1, $0xb8;
	[tilespmem:$0x1E680] =	vst v63  }
0x47: {  	s11 =	simm.s32 @!p1 $0x400;
	s12 =	simm.s32 @!p1 $0x14600  }
0x48: {  	[tilespmem:s12], [sflag:$0x4] =	stream.indirect.gather @!p1 [hbm4b:s2+s1], $0x80, s11, s1, $0xb8;
	[tilespmem:$0x1E680] =	vst v63  }
0x49: {  	s21 =	simm.s32 $0xA680;
	s11 =	simm.s32 @!p1 $0x500;
	s12 =	simm.s32 @!p1 $0x19600  }
0x4a: {  	[tilespmem:s12], [sflag:$0x4] =	stream.indirect.gather @!p1 [hbm4b:s2+s1], $0x80, s11, s1, $0xb8;
	[tilespmem:$0x1E680] =	vst v63  }
0x4b: {  	v5 =	vld [tilespmem:s21+$0xFFFFFF80]  }
0x4c: {  	v6 =	vld [tilespmem:s21+$0x60]  }
0x4d: {  	v7 =	vld [tilespmem:s21+$0xFFFFFFD0]  }
0x4e: {  	v8 =	vld [tilespmem:s21+$0x30]  }
0x4f: {  	v9 =	vld [tilespmem:s21+$0x50]  }
0x50: {  	s11 =	simm.s32 $0x5680;
	v10 =	vld [tilespmem:s21+$0xFFFFFFB0]  }
0x51: {  	s13 =	simm.s32 $0x680;
	v11 =	vld [tilespmem:s11+$0x30]  }
0x52: {  	v12 =	vld [tilespmem:s13+$0xFFFFFFB0]  }
0x53: {  	v13 =	vld [tilespmem:s11+$0xFFFFFFB0]  }
0x54: {  	v14 =	vld [tilespmem:s13+$0x40]  }
0x55: {  	v15 =	vld [tilespmem:s11+$0x40]  }
0x56: {  	v16 =	vld [tilespmem:s21+$0x20]  }
0x57: {  	v17 =	vld [tilespmem:s13+$0x30]  }
0x58: {  	v18 =	vld [tilespmem:s21+$0xFFFFFFA0]  }
0x59: {  	v19 =	vld [tilespmem:s13+$0x20]  }
0x5a: {  	v20 =	vld [tilespmem:s13+$0xFFFFFFA0]  }
0x5b: {  	v21 =	vld [tilespmem:s21+$0x10]  }
0x5c: {  	v22 =	vld [tilespmem:s13+$0x0]  }
0x5d: {  	v23 =	vld [tilespmem:s21+$0x0]  }
0x5e: {  	v24 =	vld [tilespmem:s11+$0xFFFFFFA0]  }
0x5f: {  	v25 =	vld [tilespmem:s11+$0x10]  }
0x60: {  	v26 =	vld [tilespmem:s13+$0x10]  }
0x61: {  	v27 =	vld [tilespmem:s11+$0x0]  }
0x62: {  	v28 =	vld [tilespmem:s11+$0xFFFFFF80]  }
0x63: {  	v29 =	vld [tilespmem:s11+$0xFFFFFF90]  }
0x64: {  	v30 =	vld [tilespmem:s13+$0xFFFFFF80]  }
0x65: {  	v31 =	vld [tilespmem:s13+$0xFFFFFF90]  }
0x66: {  	v32 =	vld [tilespmem:s21+$0x40]  }
0x67: {  	v33 =	vld [tilespmem:s21+$0xFFFFFFC0]  }
0x68: {  	v34 =	vld [tilespmem:s11+$0xFFFFFFC0]  }
0x69: {  	v35 =	vld [tilespmem:s13+$0xFFFFFFC0]  }
0x6a: {  	v36 =	vld [tilespmem:s13+$0x50]  }
0x6b: {  	v37 =	vld [tilespmem:s13+$0xFFFFFFD0]  }
0x6c: {  	v45 =	vld [tilespmem:s11+$0x70]  }
0x6d: {  	v46 =	vld [tilespmem:s21+$0xFFFFFF90]  }
0x6e: {  	v47 =	vld [tilespmem:s13+$0xFFFFFFE0];
	v16 =	vsub.f32 v19, v16;
	v23 =	vsub.f32 v22, v23  }
0x6f: {  	s1 =	simm.s32 $0x5780;
	v49 =	vld [tilespmem:s13+$0x70];
	v24 =	vsub.f32 v20, v24;
	v18 =	vsub.f32 v20, v18  }
0x70: {  	v50 =	vld [tilespmem:s1+$0xFFFFFF80];
	v20 =	vsub.f32 v26, v25;
	v21 =	vsub.f32 v26, v21  }
0x71: {  	v25 =	vld [tilespmem:s11+$0x50];
	v10 =	vsub.f32 v12, v10;
	v12 =	vsub.f32 v12, v13  }
0x72: {  	v26 =	vld [tilespmem:s11+$0xFFFFFFD0];
	v13 =	vsub.f32 v30, v28;
	v5 =	vsub.f32 v30, v5  }
0x73: {  	v28 =	vld [tilespmem:s11+$0x20];
	v29 =	vsub.f32 v31, v29;
	v11 =	vsub.f32 v17, v11;
	v23 =	vmul.f32 v23, v23  }
0x74: {  	v30 =	vld [tilespmem:s13+$0x60];
	v22 =	vsub.f32 v22, v27;
	v21 =	vmul.f32 v21, v21;
	v13 =	vmul.f32 v13, v13  }
0x75: {  	v8 =	vsub.f32 v17, v8;
	v17 =	vld [tilespmem:s21+$0xFFFFFFF0];
	v48 =	vmul.f32 v10, v10;
	v10 =	vmul.f32 v20, v20  }
0x76: {  	v20 =	vmul.f32 v22, v22;
	v22 =	vld [tilespmem:s13+$0xFFFFFFF0];
	v21 =	vadd.f32 v21, v23;
	v23 =	vmul.f32 v29, v29  }
0x77: {  	v15 =	vsub.f32 v14, v15;
	v14 =	vsub.f32 v14, v32;
	v16 =	vmul.f32 v16, v16;
	v29 =	vld [tilespmem:s11+$0xFFFFFFF0]  }
0x78: {  	v27 =	vsub.f32 v35, v34;
	v13 =	vadd.f32 v23, v13;
	v23 =	vld [tilespmem:s11+$0x60]  }
0x79: {  	v33 =	vsub.f32 v35, v33;
	v16 =	vadd.f32 v16, v21;
	v21 =	vld [tilespmem:s11+$0xFFFFFFE0];
	s11 =	simm.s32 $0x780  }
0x7a: {  	v7 =	vsub.f32 v37, v7;
	v15 =	vmul.f32 v15, v15;
	v8 =	vmul.f32 v8, v8;
	v51 =	vld [tilespmem:s11+$0xFFFFFF80]  }
0x7b: {  	v9 =	vsub.f32 v36, v9;
	v24 =	vmul.f32 v24, v24;
	v18 =	vmul.f32 v18, v18;
	v54 =	vld [tilespmem:s11+$0xFFFFFF90]  }
0x7c: {  	v12 =	vmul.f32 v12, v12;
	v11 =	vmul.f32 v11, v11;
	v19 =	vsub.f32 v19, v28;
	v55 =	vld [tilespmem:s11+$0xFFFFFFC0]  }
0x7d: {  	v14 =	vmul.f32 v14, v14;
	v10 =	vadd.f32 v10, v20;
	v26 =	vsub.f32 v37, v26;
	v57 =	vld [tilespmem:s11+$0x50]  }
0x7e: {  	v25 =	vsub.f32 v36, v25;
	v28 =	vsub.f32 v31, v46;
	v19 =	vmul.f32 v19, v19;
	v58 =	vld [tilespmem:s11+$0xFFFFFFD0]  }
0x7f: {  	v27 =	vmul.f32 v27, v27;
	v8 =	vadd.f32 v8, v16;
	v16 =	vld [tilespmem:s21+$0x70];
	v13 =	vadd.f32 v24, v13  }
0x80: {  	v5 =	vmul.f32 v5, v5;
	v6 =	vsub.f32 v30, v6;
	v24 =	vld [tilespmem:s21+$0xFFFFFFE0];
	s21 =	simm.s32 $0xA780;
	v19 =	vadd.f32 v19, v10  }
0x81: {  	v61 =	vld [tilespmem:s21+$0xFFFFFF90];
	v12 =	vadd.f32 v12, v13;
	v8 =	vadd.f32 v14, v8;
	v14 =	vmul.f32 v28, v28  }
0x82: {  	v9 =	vmul.f32 v9, v9;
	v28 =	vld [tilespmem:s21+$0x30];
	v23 =	vsub.f32 v30, v23;
	v11 =	vadd.f32 v11, v19  }
0x83: {  	v26 =	vmul.f32 v26, v26;
	v30 =	vsub.f32 v49, v45;
	v5 =	vadd.f32 v14, v5;
	v14 =	vld [tilespmem:s21+$0xFFFFFFB0]  }
0x84: {  	v25 =	vmul.f32 v25, v25;
	v12 =	vadd.f32 v27, v12;
	v11 =	vadd.f32 v15, v11;
	v15 =	vld [tilespmem:s1+$0x30]  }
0x85: {  	v6 =	vmul.f32 v6, v6;
	v8 =	vadd.f32 v9, v8;
	v5 =	vadd.f32 v18, v5;
	v18 =	vld [tilespmem:s11+$0xFFFFFFB0]  }
0x86: {  	v16 =	vsub.f32 v49, v16;
	v12 =	vadd.f32 v26, v12;
	v26 =	vmul.f32 v30, v30;
	v30 =	vld [tilespmem:s1+$0x0]  }
0x87: {  	v21 =	vsub.f32 v47, v21;
	v23 =	vmul.f32 v23, v23;
	v9 =	vadd.f32 v25, v11;
	v11 =	vld [tilespmem:s1+$0xFFFFFFB0]  }
0x88: {  	v6 =	vadd.f32 v6, v8;
	v16 =	vmul.f32 v16, v16;
	v25 =	vld [tilespmem:s11+$0x40];
	v5 =	vadd.f32 v48, v5  }
0x89: {  	v19 =	vmul.f32 v33, v33;
	v8 =	vadd.f32 v23, v9;
	v9 =	vld [tilespmem:s1+$0x40];
	v23 =	vsub.f32 v47, v24  }
0x8a: {  	v6 =	vadd.f32 v16, v6;
	v16 =	vld [tilespmem:s11+$0x30];
	v24 =	vsub.f32 v22, v29  }
0x8b: {  	v7 =	vmul.f32 v7, v7;
	v29 =	vld [tilespmem:s11+$0x10];
	v5 =	vadd.f32 v19, v5;
	v8 =	vadd.f32 v26, v8  }
0x8c: {  	v17 =	vsub.f32 v22, v17;
	v21 =	vmul.f32 v21, v21;
	v19 =	vld [tilespmem:s21+$0x20];
	v14 =	vsub.f32 v18, v14  }
0x8d: {  	s20 =	sadd.s32 $0x0, s7;
	v26 =	vld [tilespmem:s11+$0x20];
	v5 =	vadd.f32 v7, v5;
	v7 =	vmul.f32 v23, v23;
	v6 =	vsub.f32 v8, v6  }
0x8e: {  	p6 =	slt.u32 s20, $0x7A120;
	v17 =	vmul.f32 v17, v17;
	v11 =	vsub.f32 v18, v11;
	v18 =	vld [tilespmem:s1+$0xFFFFFFC0];
	v8 =	vadd.f32 v21, v12  }
0x8f: {  	v12 =	vmul.f32 v24, v24;
	v24 =	vld [tilespmem:s11+$0x0];
	v5 =	vadd.f32 v7, v5;
	v6 =	vpsel !p6, $0xF149F2CA, v6  }
0x90: {  	v34 =	vsub.f32 v54, v61;
	v7 =	vld [tilespmem:s11+$0xFFFFFFA0];
	v22 =	vperm.xlane v6, v0  }
0x91: {  	v8 =	vadd.f32 v12, v8;
	v5 =	vadd.f32 v17, v5;
	v17 =	vld [tilespmem:s1+$0xFFFFFFA0]  }
0x92: {  	v9 =	vsub.f32 v25, v9;
	v12 =	vld [tilespmem:s21+$0x0];
	v6 =	vadd.f32 v6, v22  }
0x93: {  	v23 =	vld [tilespmem:s21+$0xFFFFFFA0];
	v56 =	vmul.f32 v11, v11;
	v11 =	vsub.f32 v16, v15;
	v5 =	vsub.f32 v8, v5  }
0x94: {  	v16 =	vsub.f32 v16, v28;
	v19 =	vsub.f32 v26, v19;
	v8 =	vld [tilespmem:s1+$0x10];
	v22 =	vperm.xlane v6, v1  }
0x95: {  	v21 =	vld [tilespmem:s21+$0x10];
	v11 =	vmul.f32 v11, v11;
	v18 =	vsub.f32 v55, v18;
	v5 =	vpsel !p6, $0xF149F2CA, v5  }
0x96: {  	v10 =	vld [tilespmem:s21+$0xFFFFFFD0];
	v31 =	vperm.xlane v5, v0;
	v17 =	vsub.f32 v7, v17;
	v22 =	vadd.f32 v6, v22  }
0x97: {  	v20 =	vld [tilespmem:s21+$0xFFFFFF80];
	v6 =	vsub.f32 v24, v12;
	v24 =	vsub.f32 v24, v30;
	v30 =	vmul.f32 v16, v16  }
0x98: {  	v13 =	vld [tilespmem:s21+$0x60];
	v16 =	vmul.f32 v18, v18;
	v31 =	vadd.f32 v5, v31;
	v5 =	vmul.f32 v9, v9  }
0x99: {  	v12 =	vld [tilespmem:s1+$0xFFFFFF90];
	v8 =	vsub.f32 v29, v8;
	v52 =	vperm.xlane v22, v2;
	v53 =	vmul.f32 v6, v6  }
0x9a: {  	v27 =	vld [tilespmem:s21+$0x50];
	v6 =	vsub.f32 v7, v23;
	v7 =	vsub.f32 v29, v21;
	v24 =	vmul.f32 v24, v24  }
0x9b: {  	v18 =	vsub.f32 v58, v10;
	v23 =	vld [tilespmem:s21+$0x40];
	v9 =	vperm.xlane v31, v1;
	v59 =	vmul.f32 v8, v8  }
0x9c: {  	v21 =	vld [tilespmem:s21+$0xFFFFFFC0];
	v29 =	vadd.f32 v22, v52;
	v22 =	vmul.f32 v7, v7;
	v7 =	vsub.f32 v51, v50  }
0x9d: {  	v28 =	vld [tilespmem:s1+$0x20];
	v17 =	vmul.f32 v17, v17;
	v31 =	vadd.f32 v31, v9;
	v9 =	vsub.f32 v51, v20  }
0x9e: {  	v10 =	vld [tilespmem:s1+$0xFFFFFFF0];
	v20 =	vmul.f32 v19, v19;
	v12 =	vsub.f32 v54, v12;
	v24 =	vadd.f32 v59, v24  }
0x9f: {  	v19 =	vmul.f32 v7, v7;
	v7 =	vmul.f32 v14, v14;
	v14 =	vld [tilespmem:s1+$0x50];
	v22 =	vadd.f32 v22, v53  }
0xa0: {  	v15 =	vperm.xlane v31, v2;
	v23 =	vsub.f32 v25, v23;
	v12 =	vmul.f32 v12, v12;
	v25 =	vld [tilespmem:s1+$0xFFFFFFD0]  }
0xa1: {  	v8 =	vld [tilespmem:s21+$0xFFFFFFF0];
	v62 =	vperm.xlane v29, v3;
	v21 =	vsub.f32 v55, v21;
	v22 =	vadd.f32 v20, v22  }
0xa2: {  	v6 =	vmul.f32 v6, v6;
	v20 =	vld [tilespmem:s1+$0x70];
	v15 =	vadd.f32 v31, v15;
	v31 =	vadd.f32 v12, v19  }
0xa3: {  	v63 =	vadd.f32 v29, v62;
	v19 =	vld [tilespmem:s11+$0x60];
	v12 =	vsub.f32 v57, v27;
	v38 =	vmul.f32 v23, v23  }
0xa4: {  	v27 =	vperm.xlane v15, v3;
	v31 =	vadd.f32 v17, v31;
	v17 =	vsub.f32 v26, v28;
	v26 =	vld [tilespmem:s21+$0x70]  }
0xa5: {  	v60 =	vsub.f32 v57, v14;
	v12 =	vmul.f32 v12, v12;
	v28 =	vld [tilespmem:s11+$0x70];
	v23 =	vsub.f32 v58, v25  }
0xa6: {  	v14 =	vmul.f32 v18, v18;
	v15 =	vadd.f32 v15, v27;
	v27 =	vadd.f32 v30, v22;
	v22 =	vld [tilespmem:s1+$0x60]  }
0xa7: {  	v18 =	vmul.f32 v21, v21;
	v30 =	vld [tilespmem:s1+$0xFFFFFFE0];
	v39 =	vmul.f32 v17, v17;
	v32 =	vadd.f32 v56, v31  }
0xa8: {  	v25 =	vmul.f32 v23, v23;
	v13 =	vsub.f32 v19, v13;
	v23 =	vld [tilespmem:s11+$0xFFFFFFE0];
	v40 =	vadd.f32 $2.000000030e-01, v15  }
0xa9: {  	v21 =	vld [tilespmem:s11+$0xFFFFFFF0];
	v17 =	vmul.f32 v60, v60;
	v33 =	vadd.f32 v39, v24;
	v29 =	vadd.f32 v38, v27  }
0xaa: {  	s20 =	simm.s32 $0x2;
	s12 =	sadd.s32 $0x2, s7;
	v31 =	vld [tilespmem:s21+$0xFFFFFFE0];
	s21 =	simm.s32 $0xA880;
	v24 =	vadd.f32 $2.000000030e-01, v63;
	v15 =	vmul.f32 v13, v13;
	v13 =	vmax.f32 v40, $0.0e+00  }
.LBB2_3:
0xab: {  	v27 =	vld [tilespmem:s21+$0xFFFFFF80];
	s20 =	sadd.s32 $0x2, s20;
	v34 =	vmul.f32 v34, v34;
	v19 =	vsub.f32 v19, v22;
	s1 =	sadd.s32 $0x100, s1;
	s11 =	sadd.s32 $0x100, s11;
	v4 =	vadd.f32 v13, v4  }
0xac: {  	v9 =	vmul.f32 v9, v9;
	v16 =	vadd.f32 v16, v32;
	v11 =	vadd.f32 v11, v33;
	s13 =	sadd.s32 s7, s20;
	v13 =	vld [tilespmem:s21+$0x60];
	p1 =	slt.u32 s20, $0x9E  }
0xad: {  	v30 =	vsub.f32 v23, v30;
	v24 =	vmax.f32 v24, $0.0e+00;
	v22 =	vld [tilespmem:s21+$0xFFFFFFD0];
	v20 =	vsub.f32 v28, v20  }
0xae: {  	v9 =	vadd.f32 v34, v9;
	v25 =	vadd.f32 v25, v16;
	v19 =	vmul.f32 v19, v19;
	v32 =	vld [tilespmem:s21+$0x30]  }
0xaf: {  	v30 =	vmul.f32 v30, v30;
	v5 =	vadd.f32 v5, v11;
	v11 =	vsub.f32 v28, v26;
	v16 =	vld [tilespmem:s21+$0x50]  }
0xb0: {  	v4 =	vadd.f32 v24, v4;
	v6 =	vadd.f32 v6, v9;
	v26 =	vld [tilespmem:s21+$0xFFFFFFB0]  }
0xb1: {  	v12 =	vadd.f32 v12, v29;
	v9 =	vadd.f32 v30, v25;
	v11 =	vmul.f32 v11, v11;
	v24 =	vld [tilespmem:s1+$0x30]  }
0xb2: {  	v5 =	vadd.f32 v17, v5;
	v6 =	vadd.f32 v7, v6;
	v7 =	vmul.f32 v20, v20;
	v25 =	vld [tilespmem:s11+$0xFFFFFFB0]  }
0xb3: {  	v12 =	vadd.f32 v15, v12;
	v20 =	vsub.f32 v23, v31;
	v17 =	vld [tilespmem:s1+$0xFFFFFFB0]  }
0xb4: {  	v5 =	vadd.f32 v19, v5;
	v6 =	vadd.f32 v18, v6;
	v15 =	vld [tilespmem:s11+$0x40]  }
0xb5: {  	v10 =	vsub.f32 v21, v10;
	v11 =	vadd.f32 v11, v12;
	v18 =	vld [tilespmem:s1+$0x40]  }
0xb6: {  	v5 =	vadd.f32 v7, v5;
	v6 =	vadd.f32 v14, v6;
	v14 =	vmul.f32 v20, v20;
	v12 =	vld [tilespmem:s21+$0x20]  }
0xb7: {  	v8 =	vsub.f32 v21, v8;
	v7 =	vld [tilespmem:s11+$0x30]  }
0xb8: {  	v5 =	vsub.f32 v5, v11;
	v6 =	vadd.f32 v14, v6;
	v19 =	vld [tilespmem:s21+$0xFFFFFFA0]  }
0xb9: {  	p2 =	slt.u32 s12, $0x7A120;
	s12 =	smov.u32 s13;
	v14 =	vld [tilespmem:s11+$0x20]  }
0xba: {  	v10 =	vmul.f32 v10, v10;
	v8 =	vmul.f32 v8, v8;
	v5 =	vpsel !p2, $0xF149F2CA, v5;
	v11 =	vld [tilespmem:s11+$0xFFFFFFA0]  }
0xbb: {  	v21 =	vperm.xlane v5, v0;
	v20 =	vld [tilespmem:s21+$0x10]  }
0xbc: {  	v9 =	vadd.f32 v10, v9;
	v6 =	vadd.f32 v8, v6;
	v23 =	vld [tilespmem:s11+$0x0]  }
0xbd: {  	v5 =	vadd.f32 v5, v21;
	v8 =	vld [tilespmem:s21+$0x0]  }
0xbe: {  	v6 =	vsub.f32 v9, v6;
	v10 =	vld [tilespmem:s1+$0xFFFFFFA0];
	v12 =	vsub.f32 v14, v12  }
0xbf: {  	v21 =	vperm.xlane v5, v1;
	v9 =	vld [tilespmem:s1+$0x10]  }
0xc0: {  	v6 =	vpsel !p2, $0xF149F2CA, v6;
	v28 =	vld [tilespmem:s11+$0x10]  }
0xc1: {  	v30 =	vperm.xlane v6, v0;
	v21 =	vadd.f32 v5, v21;
	v29 =	vld [tilespmem:s1+$0x0]  }
0xc2: {  	v31 =	vld [tilespmem:s1+$0xFFFFFF80];
	v5 =	vsub.f32 v23, v8;
	v8 =	vsub.f32 v15, v18  }
0xc3: {  	v30 =	vadd.f32 v6, v30;
	v33 =	vperm.xlane v21, v2;
	v18 =	vld [tilespmem:s1+$0xFFFFFF90]  }
0xc4: {  	v6 =	vsub.f32 v11, v10;
	v34 =	vld [tilespmem:s11+$0xFFFFFF80];
	v10 =	vmul.f32 v5, v5  }
0xc5: {  	v11 =	vsub.f32 v11, v19;
	v5 =	vmul.f32 v8, v8;
	v35 =	vld [tilespmem:s11+$0xFFFFFF90];
	v19 =	vsub.f32 v28, v9  }
0xc6: {  	v36 =	vmul.f32 v6, v6;
	v8 =	vsub.f32 v28, v20;
	v9 =	vperm.xlane v30, v1;
	v20 =	vld [tilespmem:s21+$0x40]  }
0xc7: {  	v21 =	vadd.f32 v21, v33;
	v6 =	vmul.f32 v11, v11;
	v11 =	vsub.f32 v25, v26;
	v26 =	vld [tilespmem:s21+$0xFFFFFFC0]  }
0xc8: {  	v17 =	vsub.f32 v25, v17;
	v8 =	vmul.f32 v8, v8;
	v28 =	vadd.f32 v30, v9;
	v25 =	vld [tilespmem:s1+$0xFFFFFFC0]  }
0xc9: {  	v12 =	vmul.f32 v12, v12;
	v30 =	vsub.f32 v34, v31;
	v9 =	vsub.f32 v34, v27;
	v27 =	vld [tilespmem:s11+$0xFFFFFFC0]  }
0xca: {  	v31 =	vmul.f32 v17, v17;
	v17 =	vsub.f32 v7, v24;
	v33 =	vperm.xlane v28, v2;
	v24 =	vld [tilespmem:s11+$0x50]  }
0xcb: {  	v32 =	vsub.f32 v7, v32;
	v18 =	vsub.f32 v35, v18;
	v30 =	vmul.f32 v30, v30;
	v34 =	vld [tilespmem:s11+$0xFFFFFFD0]  }
0xcc: {  	v7 =	vmul.f32 v11, v11;
	v37 =	vadd.f32 v8, v10;
	v15 =	vsub.f32 v15, v20;
	v38 =	vld [tilespmem:s1+$0x50]  }
0xcd: {  	v20 =	vsub.f32 v23, v29;
	v11 =	vmul.f32 v17, v17;
	v8 =	vmul.f32 v18, v18;
	v18 =	vld [tilespmem:s1+$0xFFFFFFD0]  }
0xce: {  	v23 =	vmul.f32 v32, v32;
	v10 =	vsub.f32 v27, v25;
	v17 =	vld [tilespmem:s1+$0x20];
	v25 =	vadd.f32 v28, v33  }
0xcf: {  	v29 =	vmul.f32 v19, v19;
	v28 =	vadd.f32 v8, v30;
	v30 =	vsub.f32 v24, v16;
	v19 =	vld [tilespmem:s11+$0x60]  }
0xd0: {  	v16 =	vmul.f32 v10, v10;
	v32 =	vsub.f32 v34, v22;
	v8 =	vld [tilespmem:s21+$0xFFFFFFF0];
	v22 =	vperm.xlane v25, v3  }
0xd1: {  	v12 =	vadd.f32 v12, v37;
	v26 =	vsub.f32 v27, v26;
	v27 =	vmul.f32 v15, v15;
	v10 =	vld [tilespmem:s1+$0xFFFFFFF0]  }
0xd2: {  	v33 =	vmul.f32 v20, v20;
	v15 =	vsub.f32 v34, v18;
	v20 =	vld [tilespmem:s1+$0x70];
	v34 =	vadd.f32 v25, v22  }
0xd3: {  	v37 =	vadd.f32 v23, v12;
	v24 =	vsub.f32 v24, v38;
	v12 =	vmul.f32 v30, v30;
	v22 =	vld [tilespmem:s1+$0x60]  }
0xd4: {  	v28 =	vadd.f32 v36, v28;
	v38 =	vld [tilespmem:s21+$0xFFFFFF90];
	v25 =	vmul.f32 v15, v15;
	v15 =	vsub.f32 v14, v17  }
0xd5: {  	v36 =	vperm.xlane v21, v3;
	v14 =	vmul.f32 v32, v32;
	v13 =	vsub.f32 v19, v13;
	v30 =	vld [tilespmem:s1+$0xFFFFFFE0]  }
.Ltmp0:
0xd6: {  	v18 =	vmul.f32 v26, v26;
	v34 =	vadd.f32 $2.000000030e-01, v34;
	v23 =	vld [tilespmem:s11+$0xFFFFFFE0];
	v39 =	vmul.f32 v15, v15;
	(pc) =	sbr.rel @p1 .LBB2_3-.Ltmp0, $4  }
0xd7: {  	v29 =	vadd.f32 v29, v33;
	v17 =	vmul.f32 v24, v24;
	v15 =	vmul.f32 v13, v13;
	v26 =	vld [tilespmem:s21+$0x70]  }
0xd8: {  	v32 =	vadd.f32 v31, v28;
	v24 =	vadd.f32 v21, v36;
	v13 =	vmax.f32 v34, $0.0e+00;
	v28 =	vld [tilespmem:s11+$0x70]  }
0xd9: {  	v33 =	vadd.f32 v39, v29;
	v34 =	vsub.f32 v35, v38;
	v21 =	vld [tilespmem:s11+$0xFFFFFFF0]  }
0xda: {  	v24 =	vadd.f32 $2.000000030e-01, v24;
	v29 =	vadd.f32 v27, v37;
	v31 =	vld [tilespmem:s21+$0xFFFFFFE0];
	s21 =	sadd.s32 $0x100, s21  }
0xdb: {  	_ =	swait.ge [sflag:s0], $0x5000  }
0xdc: {  	[sflag:s0] =	ssyncset.done $0x0  }
0xdd: {  	[sflag:s0] =	ssyncadd.s32 $0xFFFFB000  }
0xde: {  	s1 =	sadd.s32 $0x3, s30;
	_ =	swait.ge [sflag:s0], $0x5000  }
0xdf: {  	p1 =	sge.u32 s1, s9;
	[sflag:s0] =	ssyncset.done $0x0  }
0xe0: {  	s1 =	sadd.s32 @!p1 s4, s1;
	[sflag:s0] =	ssyncadd.s32 $0xFFFFB000  }
0xe1: {  	s1 =	smul.u32 @!p1 $0x14, s1;
	_ =	swait.ge [sflag:s0], $0x5000  }
0xe2: {  	s13 =	simm.s32 @!p1 $0x0;
	[sflag:s0] =	ssyncset.done $0x0  }
0xe3: {  	s20 =	simm.s32 @!p1 $0x300;
	s11 =	sadd.s32 @!p1 s5, s1;
	[sflag:s0] =	ssyncadd.s32 $0xFFFFB000  }
0xe4: {  	[tilespmem:s20], [sflag:$0x2] =	stream.linear.gather @!p1 [hbm4b:s11+s13], $0xA0, $0x38;
	[tilespmem:$0x1E680] =	vst v63  }
0xe5: {  	s11 =	sadd.s32 @!p1 s6, s1;
	s20 =	simm.s32 @!p1 $0x400  }
0xe6: {  	[tilespmem:s20], [sflag:$0x2] =	stream.linear.gather @!p1 [hbm4b:s11+s13], $0xA0, $0x38;
	[tilespmem:$0x1E680] =	vst v63  }
0xe7: {  	s1 =	sadd.s32 @!p1 s8, s1;
	s11 =	simm.s32 @!p1 $0x500  }
0xe8: {  	[tilespmem:s11], [sflag:$0x2] =	stream.linear.gather @!p1 [hbm4b:s1+s13], $0xA0, $0x38;
	[tilespmem:$0x1E680] =	vst v63  }
0xe9: {  	s1 =	simm.s32 @!p0 $0x1  }
0xea: {  	_ =	swait.ge @!p0 [sflag:s1], $0xA0  }
0xeb: {  	[sflag:s1] =	ssyncset.done @!p0 $0x0  }
0xec: {  	[sflag:s1] =	ssyncadd.s32 @!p0 $0xFFFFFF60  }
0xed: {  	_ =	swait.ge @!p0 [sflag:s1], $0xA0  }
0xee: {  	[sflag:s1] =	ssyncset.done @!p0 $0x0  }
0xef: {  	[sflag:s1] =	ssyncadd.s32 @!p0 $0xFFFFFF60  }
0xf0: {  	_ =	swait.ge @!p0 [sflag:s1], $0xA0  }
0xf1: {  	s11 =	simm.s32 @!p0 $0x0;
	[sflag:s1] =	ssyncset.done @!p0 $0x0  }
0xf2: {  	s13 =	simm.s32 @!p0 $0x600;
	[sflag:s1] =	ssyncadd.s32 @!p0 $0xFFFFFF60;
	s1 =	simm.s32 @!p0 $0xA0  }
0xf3: {  	[tilespmem:s13], [sflag:$0x3] =	stream.indirect.gather @!p0 [hbm4b:s2+s1], $0x80, s11, s1, $0xb8;
	[tilespmem:$0x1E680] =	vst v63  }
0xf4: {  	s11 =	simm.s32 @!p0 $0x100;
	s13 =	simm.s32 @!p0 $0x5600  }
0xf5: {  	[tilespmem:s13], [sflag:$0x3] =	stream.indirect.gather @!p0 [hbm4b:s2+s1], $0x80, s11, s1, $0xb8;
	[tilespmem:$0x1E680] =	vst v63  }
0xf6: {  	s11 =	simm.s32 @!p0 $0x200;
	s13 =	simm.s32 @!p0 $0xA600  }
0xf7: {  	v27 =	vmul.f32 v34, v34;
	v9 =	vmul.f32 v9, v9;
	[tilespmem:s13], [sflag:$0x3] =	stream.indirect.gather @!p0 [hbm4b:s2+s1], $0x80, s11, s1, $0xb8;
	[tilespmem:$0x1E680] =	vst v63  }
0xf8: {  	s1 =	simm.s32 $0x19680  }
0xf9: {  	v27 =	vadd.f32 v27, v9;
	v61 =	vld [tilespmem:s1+$0xFFFFFF80]  }
0xfa: {  	v19 =	vsub.f32 v19, v22;
	v9 =	vld [tilespmem:s1+$0x60]  }
0xfb: {  	v16 =	vadd.f32 v16, v32;
	v6 =	vadd.f32 v6, v27;
	v22 =	vld [tilespmem:s1+$0xFFFFFFD0]  }
0xfc: {  	v11 =	vadd.f32 v11, v33;
	v30 =	vsub.f32 v23, v30;
	v27 =	vld [tilespmem:s1+$0x30]  }
0xfd: {  	v12 =	vadd.f32 v12, v29;
	v6 =	vadd.f32 v7, v6;
	v7 =	vld [tilespmem:s1+$0x50]  }
0xfe: {  	v20 =	vsub.f32 v28, v20;
	v16 =	vadd.f32 v25, v16;
	s13 =	simm.s32 $0x14680;
	v25 =	vld [tilespmem:s1+$0xFFFFFFB0]  }
0xff: {  	s21 =	simm.s32 $0xF680;
	v23 =	vsub.f32 v23, v31;
	v6 =	vadd.f32 v18, v6;
	v18 =	vld [tilespmem:s13+$0x30]  }
0x100: {  	v30 =	vmul.f32 v30, v30;
	v5 =	vadd.f32 v5, v11;
	v10 =	vsub.f32 v21, v10;
	v11 =	vld [tilespmem:s21+$0xFFFFFFB0]  }
0x101: {  	v8 =	vsub.f32 v21, v8;
	v6 =	vadd.f32 v14, v6;
	v14 =	vmul.f32 v23, v23;
	v21 =	vld [tilespmem:s13+$0xFFFFFFB0]  }
0x102: {  	v16 =	vadd.f32 v30, v16;
	v23 =	vsub.f32 v28, v26;
	v26 =	vld [tilespmem:s21+$0x40]  }
0x103: {  	v10 =	vmul.f32 v10, v10;
	v8 =	vmul.f32 v8, v8;
	v6 =	vadd.f32 v14, v6;
	v14 =	vld [tilespmem:s13+$0x40]  }
0x104: {  	v19 =	vmul.f32 v19, v19;
	v12 =	vadd.f32 v15, v12;
	v5 =	vadd.f32 v17, v5;
	v17 =	vld [tilespmem:s1+$0x20]  }
0x105: {  	v10 =	vadd.f32 v10, v16;
	v6 =	vadd.f32 v8, v6;
	v8 =	vld [tilespmem:s21+$0x30]  }
0x106: {  	v5 =	vadd.f32 v19, v5;
	v16 =	vmul.f32 v20, v20;
	v23 =	vmul.f32 v23, v23;
	v15 =	vld [tilespmem:s1+$0xFFFFFFA0]  }
0x107: {  	v6 =	vsub.f32 v10, v6;
	v10 =	vld [tilespmem:s21+$0x20]  }
0x108: {  	p5 =	slt.u32 s12, $0x7A120;
	v5 =	vadd.f32 v16, v5;
	v12 =	vadd.f32 v23, v12;
	v16 =	vld [tilespmem:s21+$0xFFFFFFA0]  }
0x109: {  	v6 =	vpsel !p5, $0xF149F2CA, v6;
	v19 =	vld [tilespmem:s1+$0x10]  }
0x10a: {  	v5 =	vsub.f32 v5, v12;
	v12 =	vperm.xlane v6, v0;
	v20 =	vld [tilespmem:s21+$0x0]  }
0x10b: {  	v23 =	vld [tilespmem:s1+$0x0]  }
0x10c: {  	v5 =	vpsel !p5, $0xF149F2CA, v5;
	v6 =	vadd.f32 v6, v12;
	v12 =	vld [tilespmem:s13+$0xFFFFFFA0]  }
0x10d: {  	v28 =	vperm.xlane v5, v0;
	v29 =	vld [tilespmem:s13+$0x10]  }
0x10e: {  	v30 =	vperm.xlane v6, v1;
	v31 =	vld [tilespmem:s21+$0x10]  }
0x10f: {  	v5 =	vadd.f32 v5, v28;
	v28 =	vld [tilespmem:s13+$0x0]  }
0x110: {  	v6 =	vadd.f32 v6, v30;
	v30 =	vld [tilespmem:s13+$0xFFFFFF80]  }
0x111: {  	v63 =	vld [tilespmem:s13+$0xFFFFFF90]  }
0x112: {  	v62 =	vperm.xlane v5, v1;
	v35 =	vperm.xlane v6, v2;
	v36 =	vld [tilespmem:s21+$0xFFFFFF80]  }
0x113: {  	v42 =	vld [tilespmem:s21+$0xFFFFFF90]  }
0x114: {  	v5 =	vadd.f32 v5, v62;
	v43 =	vld [tilespmem:s1+$0x40];
	v6 =	vadd.f32 v6, v35  }
0x115: {  	v4 =	vadd.f32 v13, v4;
	v37 =	vld [tilespmem:s1+$0xFFFFFFC0]  }
0x116: {  	v24 =	vmax.f32 v24, $0.0e+00;
	v13 =	vperm.xlane v5, v2;
	v39 =	vld [tilespmem:s13+$0xFFFFFFC0];
	v38 =	vperm.xlane v6, v3  }
0x117: {  	v4 =	vadd.f32 v24, v4;
	v24 =	vld [tilespmem:s21+$0x50]  }
0x118: {  	v44 =	vld [tilespmem:s21+$0xFFFFFFD0];
	v5 =	vadd.f32 v5, v13;
	v6 =	vadd.f32 v6, v38  }
0x119: {  	v45 =	vld [tilespmem:s21+$0x60];
	v17 =	vsub.f32 v10, v17;
	v23 =	vsub.f32 v20, v23  }
0x11a: {  	v46 =	vld [tilespmem:s13+$0xFFFFFFF0];
	v12 =	vsub.f32 v16, v12;
	v15 =	vsub.f32 v16, v15  }
0x11b: {  	v47 =	vld [tilespmem:s13+$0x70];
	v16 =	vsub.f32 v31, v29;
	v19 =	vsub.f32 v31, v19  }
0x11c: {  	v48 =	vld [tilespmem:s13+$0xFFFFFFE0];
	v25 =	vsub.f32 v11, v25;
	v11 =	vsub.f32 v11, v21  }
0x11d: {  	v49 =	vld [tilespmem:s21+$0xFFFFFFE0];
	v21 =	vsub.f32 v36, v30;
	v34 =	vsub.f32 v36, v61  }
0x11e: {  	v29 =	vld [tilespmem:s13+$0x50];
	v33 =	vsub.f32 v42, v63;
	v18 =	vsub.f32 v8, v18  }
0x11f: {  	v13 =	vld [tilespmem:s21+$0xFFFFFFC0];
	v8 =	vsub.f32 v8, v27;
	v14 =	vsub.f32 v26, v14  }
0x120: {  	v31 =	vld [tilespmem:s13+$0xFFFFFFD0];
	v26 =	vsub.f32 v26, v43;
	v23 =	vmul.f32 v23, v23;
	v19 =	vmul.f32 v19, v19  }
0x121: {  	v30 =	vld [tilespmem:s13+$0x20];
	v20 =	vsub.f32 v20, v28;
	v22 =	vsub.f32 v44, v22  }
0x122: {  	v27 =	vld [tilespmem:s1+$0xFFFFFFF0];
	v21 =	vmul.f32 v21, v21;
	v19 =	vadd.f32 v19, v23;
	v23 =	vmul.f32 v33, v33  }
0x123: {  	v7 =	vsub.f32 v24, v7;
	v17 =	vmul.f32 v17, v17;
	v24 =	vsub.f32 v24, v29;
	v29 =	vld [tilespmem:s1+$0xFFFFFFE0]  }
0x124: {  	v9 =	vsub.f32 v45, v9;
	v21 =	vadd.f32 v23, v21;
	v23 =	vld [tilespmem:s13+$0x60]  }
0x125: {  	v8 =	vmul.f32 v8, v8;
	v12 =	vmul.f32 v12, v12;
	v17 =	vadd.f32 v17, v19;
	v19 =	vld [tilespmem:s1+$0xFFFFFF90];
	s13 =	simm.s32 $0x19780  }
0x126: {  	v28 =	vsub.f32 v13, v39;
	v11 =	vmul.f32 v11, v11;
	v14 =	vmul.f32 v14, v14;
	v50 =	vld [tilespmem:s13+$0x30]  }
0x127: {  	v13 =	vsub.f32 v13, v37;
	v15 =	vmul.f32 v15, v15;
	v25 =	vmul.f32 v25, v25;
	v55 =	vld [tilespmem:s13+$0x40]  }
0x128: {  	v18 =	vmul.f32 v18, v18;
	v6 =	vadd.f32 $2.000000030e-01, v6;
	v10 =	vsub.f32 v10, v30;
	v62 =	vld [tilespmem:s13+$0xFFFFFF90]  }
0x129: {  	v17 =	vadd.f32 v8, v17;
	v8 =	vmul.f32 v16, v16;
	v16 =	vmul.f32 v20, v20;
	v20 =	vld [tilespmem:s1+$0x70]  }
0x12a: {  	v7 =	vmul.f32 v7, v7;
	v6 =	vmax.f32 v6, $0.0e+00;
	v12 =	vadd.f32 v12, v21;
	v21 =	vld [tilespmem:s21+$0x70];
	s1 =	simm.s32 $0xF780  }
0x12b: {  	v31 =	vsub.f32 v44, v31;
	v4 =	vadd.f32 v6, v4;
	v10 =	vmul.f32 v10, v10;
	v53 =	vld [tilespmem:s1+$0xFFFFFF80]  }
0x12c: {  	v54 =	vld [tilespmem:s1+$0xFFFFFF90];
	v8 =	vadd.f32 v8, v16;
	v12 =	vadd.f32 v11, v12;
	v11 =	vmul.f32 v26, v26  }
0x12d: {  	v28 =	vmul.f32 v28, v28;
	v57 =	vld [tilespmem:s1+$0xFFFFFFD0];
	v19 =	vsub.f32 v42, v19;
	v23 =	vsub.f32 v45, v23  }
0x12e: {  	v30 =	vmul.f32 v34, v34;
	v16 =	vld [tilespmem:s21+$0xFFFFFFF0];
	v10 =	vadd.f32 v10, v8;
	v17 =	vadd.f32 v11, v17  }
0x12f: {  	v31 =	vmul.f32 v31, v31;
	v26 =	vld [tilespmem:s13+$0xFFFFFF80];
	v12 =	vadd.f32 v28, v12;
	v51 =	vsub.f32 v21, v47  }
0x130: {  	v11 =	vld [tilespmem:s13+$0xFFFFFFD0];
	v19 =	vmul.f32 v19, v19;
	v20 =	vsub.f32 v21, v20;
	v10 =	vadd.f32 v18, v10  }
0x131: {  	s30 =	simm.s32 $0x14780;
	v21 =	vmul.f32 v23, v23;
	v23 =	vld [tilespmem:s1+$0x40];
	v18 =	vsub.f32 v49, v48;
	v7 =	vadd.f32 v7, v17  }
0x132: {  	v9 =	vmul.f32 v9, v9;
	v12 =	vadd.f32 v31, v12;
	v31 =	vld [tilespmem:s30+$0xFFFFFF90];
	v19 =	vadd.f32 v19, v30  }
0x133: {  	v24 =	vmul.f32 v24, v24;
	v34 =	vsub.f32 v54, v62;
	v30 =	vld [tilespmem:s13+$0xFFFFFFB0];
	v10 =	vadd.f32 v14, v10  }
0x134: {  	v20 =	vmul.f32 v20, v20;
	v14 =	vld [tilespmem:s30+$0x30];
	v7 =	vadd.f32 v9, v7;
	v15 =	vadd.f32 v15, v19  }
0x135: {  	v18 =	vmul.f32 v18, v18;
	v19 =	vld [tilespmem:s1+$0xFFFFFFB0];
	v60 =	vsub.f32 v57, v11;
	v10 =	vadd.f32 v24, v10  }
0x136: {  	v13 =	vmul.f32 v13, v13;
	v7 =	vadd.f32 v20, v7;
	v20 =	vld [tilespmem:s1+$0x30];
	v15 =	vadd.f32 v25, v15  }
0x137: {  	v24 =	vmul.f32 v51, v51;
	v12 =	vadd.f32 v18, v12;
	v18 =	vld [tilespmem:s1+$0xFFFFFFA0];
	v9 =	vadd.f32 v21, v10  }
0x138: {  	v25 =	vld [tilespmem:s1+$0x0];
	v21 =	vmul.f32 v22, v22;
	v22 =	vsub.f32 v49, v29;
	v13 =	vadd.f32 v13, v15  }
0x139: {  	v10 =	vld [tilespmem:s30+$0x40];
	v9 =	vadd.f32 v24, v9;
	v24 =	vsub.f32 v16, v46  }
0x13a: {  	v29 =	vld [tilespmem:s30+$0x0];
	v16 =	vsub.f32 v16, v27;
	v13 =	vadd.f32 v21, v13;
	v21 =	vmul.f32 v22, v22  }
0x13b: {  	s21 =	sadd.s32 $0x0, s10;
	v31 =	vsub.f32 v54, v31;
	v15 =	vld [tilespmem:s13+$0x20];
	v7 =	vsub.f32 v9, v7;
	v9 =	vperm.xlane v5, v3  }
0x13c: {  	p6 =	slt.u32 s21, $0x7A120;
	v27 =	vld [tilespmem:s1+$0x20];
	v16 =	vmul.f32 v16, v16;
	v13 =	vadd.f32 v21, v13;
	v21 =	vmul.f32 v24, v24  }
0x13d: {  	v22 =	vld [tilespmem:s13+$0xFFFFFFA0];
	v14 =	vsub.f32 v20, v14;
	v7 =	vpsel !p6, $0xF149F2CA, v7;
	v5 =	vadd.f32 v5, v9  }
0x13e: {  	v9 =	vperm.xlane v7, v0;
	v12 =	vadd.f32 v21, v12;
	v13 =	vadd.f32 v16, v13;
	v16 =	vld [tilespmem:s13+$0x0]  }
0x13f: {  	v20 =	vsub.f32 v20, v50;
	v21 =	vld [tilespmem:s1+$0x10];
	v5 =	vadd.f32 $2.000000030e-01, v5  }
0x140: {  	v7 =	vadd.f32 v7, v9;
	v9 =	vld [tilespmem:s30+$0xFFFFFFA0];
	v6 =	vsub.f32 v12, v13  }
0x141: {  	v10 =	vsub.f32 v23, v10;
	v15 =	vsub.f32 v27, v15;
	v12 =	vld [tilespmem:s30+$0x10];
	v5 =	vmax.f32 v5, $0.0e+00  }
0x142: {  	v24 =	vld [tilespmem:s13+$0x10];
	v13 =	vperm.xlane v7, v1;
	v4 =	vadd.f32 v5, v4;
	v5 =	vpsel !p6, $0xF149F2CA, v6  }
0x143: {  	v8 =	vld [tilespmem:s13+$0x60];
	v32 =	vmul.f32 v20, v20;
	v6 =	vperm.xlane v5, v0;
	v16 =	vsub.f32 v25, v16  }
0x144: {  	v17 =	vld [tilespmem:s30+$0xFFFFFFB0];
	v15 =	vmul.f32 v15, v15;
	v25 =	vsub.f32 v25, v29;
	v7 =	vadd.f32 v7, v13  }
0x145: {  	v13 =	vld [tilespmem:s30+$0xFFFFFF80];
	v52 =	vadd.f32 v5, v6;
	v6 =	vsub.f32 v18, v9;
	v16 =	vmul.f32 v16, v16  }
0x146: {  	v28 =	vld [tilespmem:s13+$0x50];
	v18 =	vsub.f32 v18, v22;
	v12 =	vsub.f32 v21, v12;
	v9 =	vperm.xlane v7, v2  }
0x147: {  	v5 =	vmul.f32 v10, v10;
	v10 =	vsub.f32 v21, v24;
	v24 =	vsub.f32 v19, v30;
	v30 =	vld [tilespmem:s13+$0xFFFFFFC0]  }
0x148: {  	v22 =	vmul.f32 v6, v6;
	v21 =	vperm.xlane v52, v1;
	v56 =	vadd.f32 v7, v9;
	v9 =	vld [tilespmem:s30+$0xFFFFFFC0]  }
0x149: {  	v7 =	vsub.f32 v19, v17;
	v17 =	vmul.f32 v10, v10;
	v19 =	vld [tilespmem:s1+$0xFFFFFFC0];
	v10 =	vsub.f32 v53, v26  }
0x14a: {  	v6 =	vmul.f32 v18, v18;
	v18 =	vadd.f32 v52, v21;
	v13 =	vsub.f32 v53, v13;
	v21 =	vld [tilespmem:s1+$0x50]  }
0x14b: {  	v26 =	vmul.f32 v7, v7;
	v7 =	vmul.f32 v24, v24;
	v24 =	vld [tilespmem:s30+$0x50];
	v16 =	vadd.f32 v17, v16  }
0x14c: {  	v17 =	vsub.f32 v23, v55;
	v23 =	vmul.f32 v31, v31;
	v31 =	vld [tilespmem:s30+$0xFFFFFFD0];
	v33 =	vperm.xlane v18, v2  }
0x14d: {  	v29 =	vld [tilespmem:s30+$0x20];
	v59 =	vmul.f32 v12, v12;
	v58 =	vmul.f32 v13, v13;
	v15 =	vadd.f32 v15, v16  }
0x14e: {  	v11 =	vld [tilespmem:s30+$0xFFFFFFF0];
	v13 =	vmul.f32 v14, v14;
	v9 =	vsub.f32 v19, v9;
	v33 =	vadd.f32 v18, v33  }
0x14f: {  	v20 =	vld [tilespmem:s30+$0x70];
	v61 =	vmul.f32 v17, v17;
	v23 =	vadd.f32 v23, v58;
	v19 =	vsub.f32 v19, v30  }
0x150: {  	v18 =	vld [tilespmem:s1+$0x60];
	v30 =	vmul.f32 v25, v25;
	v28 =	vsub.f32 v21, v28;
	v15 =	vadd.f32 v32, v15  }
0x151: {  	v14 =	vmul.f32 v9, v9;
	v9 =	vld [tilespmem:s13+$0xFFFFFFF0];
	v16 =	vsub.f32 v57, v31;
	v24 =	vsub.f32 v21, v24  }
0x152: {  	v12 =	vperm.xlane v33, v3;
	v22 =	vadd.f32 v22, v23;
	v23 =	vsub.f32 v27, v29;
	v27 =	vld [tilespmem:s30+$0xFFFFFFE0]  }
0x153: {  	v29 =	vperm.xlane v56, v3;
	v19 =	vmul.f32 v19, v19;
	v21 =	vld [tilespmem:s1+$0xFFFFFFE0];
	v36 =	vadd.f32 v59, v30  }
0x154: {  	v17 =	vmul.f32 v28, v28;
	v31 =	vadd.f32 v33, v12;
	v12 =	vld [tilespmem:s30+$0x60];
	v25 =	vmul.f32 v16, v16  }
0x155: {  	v30 =	vld [tilespmem:s1+$0x70];
	v63 =	vmul.f32 v23, v23;
	v32 =	vadd.f32 v26, v22;
	v26 =	vadd.f32 v56, v29  }
0x156: {  	v28 =	vld [tilespmem:s13+$0x70];
	v16 =	vmul.f32 v60, v60;
	v8 =	vsub.f32 v18, v8;
	v31 =	vadd.f32 $2.000000030e-01, v31  }
0x157: {  	v24 =	vmul.f32 v24, v24;
	v23 =	vld [tilespmem:s1+$0xFFFFFFF0];
	v33 =	vadd.f32 v63, v36;
	v26 =	vadd.f32 $2.000000030e-01, v26  }
0x158: {  	s12 =	simm.s32 $0x2;
	s20 =	simm.s32 $0x19880;
	s11 =	sadd.s32 $0x2, s10;
	v29 =	vld [tilespmem:s13+$0xFFFFFFE0];
	v22 =	vmul.f32 v8, v8;
	v8 =	vmax.f32 v31, $0.0e+00;
	v31 =	vadd.f32 v61, v15  }
.LBB2_5:
0x159: {  	v15 =	vld [tilespmem:s20+$0xFFFFFF80];
	s12 =	sadd.s32 $0x2, s12;
	v34 =	vmul.f32 v34, v34;
	v18 =	vsub.f32 v18, v12;
	s30 =	sadd.s32 $0x100, s30;
	s1 =	sadd.s32 $0x100, s1;
	v4 =	vadd.f32 v8, v4  }
0x15a: {  	v10 =	vmul.f32 v10, v10;
	v14 =	vadd.f32 v14, v32;
	v13 =	vadd.f32 v13, v33;
	s13 =	sadd.s32 s10, s12;
	v8 =	vld [tilespmem:s20+$0x60];
	p0 =	slt.u32 s12, $0x9E  }
0x15b: {  	v27 =	vsub.f32 v21, v27;
	v26 =	vmax.f32 v26, $0.0e+00;
	v12 =	vld [tilespmem:s20+$0xFFFFFFD0];
	v20 =	vsub.f32 v30, v20  }
0x15c: {  	v10 =	vadd.f32 v34, v10;
	v25 =	vadd.f32 v25, v14;
	v18 =	vmul.f32 v18, v18;
	v32 =	vld [tilespmem:s20+$0x30]  }
0x15d: {  	v27 =	vmul.f32 v27, v27;
	v5 =	vadd.f32 v5, v13;
	v13 =	vsub.f32 v30, v28;
	v14 =	vld [tilespmem:s20+$0x50]  }
0x15e: {  	v4 =	vadd.f32 v26, v4;
	v6 =	vadd.f32 v6, v10;
	v28 =	vld [tilespmem:s20+$0xFFFFFFB0]  }
0x15f: {  	v17 =	vadd.f32 v17, v31;
	v10 =	vadd.f32 v27, v25;
	v13 =	vmul.f32 v13, v13;
	v26 =	vld [tilespmem:s30+$0x30]  }
0x160: {  	v5 =	vadd.f32 v24, v5;
	v6 =	vadd.f32 v7, v6;
	v7 =	vmul.f32 v20, v20;
	v25 =	vld [tilespmem:s1+$0xFFFFFFB0]  }
0x161: {  	v17 =	vadd.f32 v22, v17;
	v21 =	vsub.f32 v21, v29;
	v20 =	vld [tilespmem:s30+$0xFFFFFFB0]  }
0x162: {  	v5 =	vadd.f32 v18, v5;
	v6 =	vadd.f32 v19, v6;
	v22 =	vld [tilespmem:s1+$0x40]  }
0x163: {  	v11 =	vsub.f32 v23, v11;
	v13 =	vadd.f32 v13, v17;
	v18 =	vld [tilespmem:s30+$0x40]  }
0x164: {  	v5 =	vadd.f32 v7, v5;
	v6 =	vadd.f32 v16, v6;
	v16 =	vmul.f32 v21, v21;
	v17 =	vld [tilespmem:s20+$0x20]  }
0x165: {  	v9 =	vsub.f32 v23, v9;
	v7 =	vld [tilespmem:s1+$0x30]  }
0x166: {  	v5 =	vsub.f32 v5, v13;
	v6 =	vadd.f32 v16, v6;
	v19 =	vld [tilespmem:s20+$0xFFFFFFA0]  }
0x167: {  	p1 =	slt.u32 s11, $0x7A120;
	s11 =	smov.u32 s13;
	v16 =	vld [tilespmem:s1+$0x20]  }
0x168: {  	v11 =	vmul.f32 v11, v11;
	v9 =	vmul.f32 v9, v9;
	v5 =	vpsel !p1, $0xF149F2CA, v5;
	v13 =	vld [tilespmem:s1+$0xFFFFFFA0]  }
0x169: {  	v23 =	vperm.xlane v5, v0;
	v21 =	vld [tilespmem:s20+$0x10]  }
0x16a: {  	v10 =	vadd.f32 v11, v10;
	v6 =	vadd.f32 v9, v6;
	v24 =	vld [tilespmem:s1+$0x0]  }
0x16b: {  	v5 =	vadd.f32 v5, v23;
	v9 =	vld [tilespmem:s20+$0x0]  }
0x16c: {  	v6 =	vsub.f32 v10, v6;
	v11 =	vld [tilespmem:s30+$0xFFFFFFA0];
	v17 =	vsub.f32 v16, v17  }
0x16d: {  	v23 =	vperm.xlane v5, v1;
	v10 =	vld [tilespmem:s30+$0x10]  }
0x16e: {  	v6 =	vpsel !p1, $0xF149F2CA, v6;
	v27 =	vld [tilespmem:s1+$0x10]  }
0x16f: {  	v30 =	vperm.xlane v6, v0;
	v23 =	vadd.f32 v5, v23;
	v29 =	vld [tilespmem:s30+$0x0]  }
0x170: {  	v31 =	vld [tilespmem:s30+$0xFFFFFF80];
	v5 =	vsub.f32 v24, v9;
	v9 =	vsub.f32 v22, v18  }
0x171: {  	v30 =	vadd.f32 v6, v30;
	v33 =	vperm.xlane v23, v2;
	v18 =	vld [tilespmem:s30+$0xFFFFFF90]  }
0x172: {  	v6 =	vsub.f32 v13, v11;
	v34 =	vld [tilespmem:s1+$0xFFFFFF80];
	v11 =	vmul.f32 v5, v5  }
0x173: {  	v13 =	vsub.f32 v13, v19;
	v5 =	vmul.f32 v9, v9;
	v35 =	vld [tilespmem:s1+$0xFFFFFF90];
	v19 =	vsub.f32 v27, v10  }
0x174: {  	v36 =	vmul.f32 v6, v6;
	v9 =	vsub.f32 v27, v21;
	v10 =	vperm.xlane v30, v1;
	v21 =	vld [tilespmem:s20+$0x40]  }
0x175: {  	v23 =	vadd.f32 v23, v33;
	v6 =	vmul.f32 v13, v13;
	v13 =	vsub.f32 v25, v28;
	v27 =	vld [tilespmem:s20+$0xFFFFFFC0]  }
0x176: {  	v20 =	vsub.f32 v25, v20;
	v9 =	vmul.f32 v9, v9;
	v28 =	vadd.f32 v30, v10;
	v25 =	vld [tilespmem:s30+$0xFFFFFFC0]  }
0x177: {  	v17 =	vmul.f32 v17, v17;
	v30 =	vsub.f32 v34, v31;
	v10 =	vsub.f32 v34, v15;
	v15 =	vld [tilespmem:s1+$0xFFFFFFC0]  }
0x178: {  	v31 =	vmul.f32 v20, v20;
	v20 =	vsub.f32 v7, v26;
	v33 =	vperm.xlane v28, v2;
	v26 =	vld [tilespmem:s1+$0x50]  }
0x179: {  	v32 =	vsub.f32 v7, v32;
	v18 =	vsub.f32 v35, v18;
	v30 =	vmul.f32 v30, v30;
	v34 =	vld [tilespmem:s1+$0xFFFFFFD0]  }
0x17a: {  	v7 =	vmul.f32 v13, v13;
	v37 =	vadd.f32 v9, v11;
	v21 =	vsub.f32 v22, v21;
	v22 =	vld [tilespmem:s30+$0x50]  }
0x17b: {  	v24 =	vsub.f32 v24, v29;
	v13 =	vmul.f32 v20, v20;
	v9 =	vmul.f32 v18, v18;
	v38 =	vld [tilespmem:s30+$0xFFFFFFD0]  }
0x17c: {  	v28 =	vadd.f32 v28, v33;
	v11 =	vsub.f32 v15, v25;
	v29 =	vld [tilespmem:s30+$0x20];
	v25 =	vmul.f32 v32, v32  }
0x17d: {  	v30 =	vadd.f32 v9, v30;
	v32 =	vmul.f32 v19, v19;
	v19 =	vsub.f32 v26, v14;
	v18 =	vld [tilespmem:s1+$0x60]  }
0x17e: {  	v14 =	vmul.f32 v11, v11;
	v33 =	vsub.f32 v34, v12;
	v9 =	vld [tilespmem:s20+$0xFFFFFFF0];
	v12 =	vperm.xlane v28, v3  }
0x17f: {  	v17 =	vadd.f32 v17, v37;
	v37 =	vmul.f32 v21, v21;
	v15 =	vsub.f32 v15, v27;
	v11 =	vld [tilespmem:s30+$0xFFFFFFF0]  }
0x180: {  	v24 =	vmul.f32 v24, v24;
	v21 =	vsub.f32 v34, v38;
	v20 =	vld [tilespmem:s30+$0x70];
	v28 =	vadd.f32 v28, v12  }
0x181: {  	v22 =	vsub.f32 v26, v22;
	v38 =	vadd.f32 v25, v17;
	v17 =	vmul.f32 v19, v19;
	v12 =	vld [tilespmem:s30+$0x60]  }
0x182: {  	v30 =	vadd.f32 v36, v30;
	v29 =	vsub.f32 v16, v29;
	v26 =	vld [tilespmem:s20+$0xFFFFFF90];
	v25 =	vmul.f32 v21, v21  }
0x183: {  	v16 =	vmul.f32 v33, v33;
	v33 =	vperm.xlane v23, v3;
	v8 =	vsub.f32 v18, v8;
	v27 =	vld [tilespmem:s30+$0xFFFFFFE0]  }
.Ltmp1:
0x184: {  	v19 =	vmul.f32 v15, v15;
	v15 =	vmul.f32 v29, v29;
	v29 =	vadd.f32 $2.000000030e-01, v28;
	v21 =	vld [tilespmem:s1+$0xFFFFFFE0];
	(pc) =	sbr.rel @p0 .LBB2_5-.Ltmp1, $4  }
0x185: {  	v36 =	vadd.f32 v32, v24;
	v24 =	vmul.f32 v22, v22;
	v22 =	vmul.f32 v8, v8;
	v28 =	vld [tilespmem:s20+$0x70]  }
0x186: {  	v32 =	vadd.f32 v31, v30;
	v39 =	vadd.f32 v23, v33;
	v8 =	vmax.f32 v29, $0.0e+00;
	v30 =	vld [tilespmem:s1+$0x70]  }
0x187: {  	v33 =	vadd.f32 v15, v36;
	v34 =	vsub.f32 v35, v26;
	v23 =	vld [tilespmem:s1+$0xFFFFFFF0]  }
0x188: {  	v31 =	vadd.f32 v37, v38;
	v26 =	vadd.f32 $2.000000030e-01, v39;
	v29 =	vld [tilespmem:s20+$0xFFFFFFE0];
	s20 =	sadd.s32 $0x100, s20  }
0x189: {  	v15 =	vmul.f32 v34, v34;
	v10 =	vmul.f32 v10, v10;
	_ =	sdelay $0x1  }
0x18a: {  	v12 =	vsub.f32 v18, v12;
	v10 =	vadd.f32 v15, v10  }
0x18b: {  	v14 =	vadd.f32 v14, v32;
	v13 =	vadd.f32 v13, v33  }
0x18c: {  	v54 =	vsub.f32 v21, v27;
	v6 =	vadd.f32 v6, v10  }
0x18d: {  	v58 =	vadd.f32 v17, v31;
	v55 =	vsub.f32 v30, v20  }
0x18e: {  	v14 =	vadd.f32 v25, v14;
	v6 =	vadd.f32 v7, v6  }
0x18f: {  	v5 =	vadd.f32 v5, v13;
	v56 =	vsub.f32 v30, v28  }
0x190: {  	v57 =	vsub.f32 v21, v29;
	v6 =	vadd.f32 v19, v6  }
0x191: {  	v11 =	vsub.f32 v23, v11;
	v9 =	vsub.f32 v23, v9  }
0x192: {  	v7 =	vmul.f32 v54, v54;
	v13 =	vmul.f32 v57, v57;
	v6 =	vadd.f32 v16, v6  }
0x193: {  	v12 =	vmul.f32 v12, v12;
	v5 =	vadd.f32 v24, v5;
	v11 =	vmul.f32 v11, v11  }
0x194: {  	v9 =	vmul.f32 v9, v9;
	v7 =	vadd.f32 v7, v14;
	v6 =	vadd.f32 v13, v6  }
0x195: {  	v59 =	vadd.f32 v22, v58;
	v10 =	vmul.f32 v56, v56;
	v5 =	vadd.f32 v12, v5  }
0x196: {  	v60 =	vmul.f32 v55, v55;
	v7 =	vadd.f32 v11, v7;
	v6 =	vadd.f32 v9, v6  }
0x197: {  	v61 =	vadd.f32 v10, v59  }
0x198: {  	v5 =	vadd.f32 v60, v5;
	v6 =	vsub.f32 v7, v6  }
0x199: {  	p0 =	slt.u32 s11, $0x7A120  }
0x19a: {  	v5 =	vsub.f32 v5, v61;
	v6 =	vpsel !p0, $0xF149F2CA, v6  }
0x19b: {  	v7 =	vperm.xlane v6, v0  }
0x19c: {  	v5 =	vpsel !p0, $0xF149F2CA, v5  }
0x19d: {  	v62 =	vperm.xlane v5, v0;
	v6 =	vadd.f32 v6, v7;
	_ =	sdelay $0x1  }
0x19e: {  	v5 =	vadd.f32 v5, v62;
	v7 =	vperm.xlane v6, v1;
	_ =	sdelay $0x1  }
0x19f: {  	v9 =	vperm.xlane v5, v1;
	v6 =	vadd.f32 v6, v7;
	_ =	sdelay $0x1  }
0x1a0: {  	v5 =	vadd.f32 v5, v9;
	v7 =	vperm.xlane v6, v2;
	_ =	sdelay $0x1  }
0x1a1: {  	v9 =	vperm.xlane v5, v2;
	v6 =	vadd.f32 v6, v7;
	_ =	sdelay $0x1  }
0x1a2: {  	v5 =	vadd.f32 v5, v9;
	v7 =	vperm.xlane v6, v3;
	_ =	sdelay $0x1  }
0x1a3: {  	v6 =	vadd.f32 v6, v7;
	v7 =	vperm.xlane v5, v3  }
0x1a4: {  	v4 =	vadd.f32 v8, v4  }
0x1a5: {  	s29 =	sadd.s32 $0x1, s29;
	v63 =	vmax.f32 v26, $0.0e+00;
	v6 =	vadd.f32 $2.000000030e-01, v6;
	v5 =	vadd.f32 v5, v7  }
0x1a6: {  	v4 =	vadd.f32 v63, v4;
	p0 =	sne.s32 s29, s17  }
.Ltmp2:
0x1a7: {  	v6 =	vmax.f32 v6, $0.0e+00;
	v5 =	vadd.f32 $2.000000030e-01, v5;
	(pc) =	sbr.rel @p0 .LBB2_2-.Ltmp2, $4  }
0x1a8: {  	v4 =	vadd.f32 v6, v4  }
0x1a9: {  	v5 =	vmax.f32 v5, $0.0e+00  }
0x1aa: {  	v4 =	vadd.f32 v5, v4  }
0x1ab: {  	s7 =	sadd.s32 $0x140, s7;
	s10 =	sadd.s32 $0x140, s10  }
0x1ac: {  	s23 =	sadd.s32 $0x1, s23  }
0x1ad: {  	p0 =	sne.s32 s23, s19  }
.Ltmp3:
0x1ae: {  	[tilespmem:$0x1E600] =	vst v4;
	s1 =	simm.s32 $0x1E600;
	(pc) =	sbr.rel @p0 .LBB2_1-.Ltmp3, $4  }
0x1af: {  	[hbm4b:s18+s3] =	stream.linear.scatter [tilespmem:s1], [sflag:$0x5], $0x10, $0x38;
	[tilespmem:$0x1E680] =	vst v63  }
0x1b0: {  	_ =	swait.ge [sflag:s22], $0x10  }
0x1b1: {  	[sflag:s22] =	ssyncset.done $0x0  }
0x1b2: {  	[sflag:s22] =	ssyncadd.s32 $0xFFFFFFF0  }
0x1b3: {  	_ =	sfence.sel $0x180000  }
0x1b4: {  	[bflag:$0x0] =	sbarrier.arrive $0xFFFF  }
0x1b5: {  	_ =	strace $0x90000047  }
0x1b6: {  	s0 =	stileid.u32;
	[bflag:$0x2] =	sbarrier.arrive $0xFFFF  }
0x1b7: {  	p0 =	sne.s32 s0, $0x0;
	s0 =	rddreg [dreg:$0x2]  }
0x1b8: {  	s0 =	sadd.s32 @!p0 $0x100000, s0  }
0x1b9: {  	[sflag:s0] =	ssyncadd.tile.s32 @!p0 $0x1;
	_ =	shalt  }
.Lfunc_end2:
_tile_overlayer_lowered:
.L_overlay_start_2:
0x1ba: {  	(tag) =	ssettag $0x2  }
0x1bb: {  	s0 =	rddreg [dreg:$0x0];
	s2 =	stileid.u32  }
0x1bc: {  	s1 =	rddreg [dreg:$0x1];
	p0 =	sne.s32 s2, $0x0  }
0x1bd: {  	s3 =	rddreg [dreg:$0x2];
	[bflag:$0x3] =	sbarrier.arrive $0xFFFF;
	s2 =	simm.s32 @!p0 $0x1C05  }
0x1be: {  	[timem:s3], [sflag:s2] =	dma.local @!p0 [hbm:s0], s1  }
0x1bf: {  	s0 =	simm.s32 @!p0 $0x5  }
0x1c0: {  	_ =	swait.ge @!p0 [sflag:s0], s1  }
0x1c1: {  	s1 =	ssub.s32 @!p0 $0x0, s1;
	[sflag:s0] =	ssyncset.done @!p0 $0x0  }
0x1c2: {  	[sflag:s0] =	ssyncadd.s32 @!p0 s1  }
0x1c3: {  	[bflag:$0x3] =	sbarrier.arrive $0xFFFF  }
0x1c4: {  	_ =	shalt  }

</sc_bundles>
